<compile_context>
chip_gen: v7x
topology: tpu7x:2x2x1
jax: 0.10.2.dev20260603
libtpu: 0.0.44.dev20260713+nightly
codegen_flags: <defaults>
</compile_context>

<pallas_src>
import functools

import jax
import jax.numpy as jnp
import numpy as np
from jax import lax
from jax.experimental import pallas as pl
from jax.experimental.pallas import tpu as pltpu
from jax.experimental.pallas import tpu_sc as plsc

CATS = 81
SCALES = 5
DIM = 256
T = 0.07
N_IDX = 100000
N_PER_LVL = 20000
CHUNK = 64
N_WORKERS = 32
N_CHUNKS = 50
PER_W = N_CHUNKS * CHUNK
LROWS = 168
ROWS = 512

_pos = np.arange(N_WORKERS * PER_W)
_w = _pos // PER_W
_l0 = (_w * PER_W) // N_PER_LVL
_lvl = _pos // N_PER_LVL
_SEGBASE_LOCAL = np.where(
    _pos < N_IDX, (_lvl - _l0) * CATS, 2 * CATS).astype(np.int32)
_L0 = [int((w * PER_W) // N_PER_LVL) for w in range(N_WORKERS)]


def _sc_segment_sums(feats, packed, targets):
    mesh = plsc.VectorSubcoreMesh(core_axis_name="c", subcore_axis_name="s")
    NC = 2

    @functools.partial(
        pl.kernel,
        mesh=mesh,
        out_type=[
            jax.ShapeDtypeStruct((N_WORKERS, LROWS, DIM), jnp.float32),
            jax.ShapeDtypeStruct((N_WORKERS, LROWS, 16), jnp.float32),
        ],
        scratch_types=[
            pltpu.VMEM((N_CHUNKS, CHUNK), jnp.int32),
            pltpu.VMEM((CHUNK,), jnp.int32),
            pltpu.VMEM((CHUNK,), jnp.int32),
            pltpu.VMEM((CHUNK,), jnp.int32),
            pltpu.VMEM((CHUNK,), jnp.int32),
            pltpu.VMEM((CHUNK, DIM), jnp.float32),
            pltpu.VMEM((CHUNK, DIM), jnp.float32),
            pltpu.VMEM((CHUNK,), jnp.int32),
            pltpu.VMEM((LROWS, DIM), jnp.float32),
            pltpu.VMEM((LROWS, 16), jnp.float32),
            pltpu.VMEM((16, 16), jnp.int32),
            pltpu.SemaphoreType.DMA,
            pltpu.SemaphoreType.DMA,
        ],
        compiler_params=pltpu.CompilerParams(
            needs_layout_passes=False, disable_bounds_checks=True),
    )
    def k(feats_hbm, pk_hbm, tgt_hbm, out_sums, out_cnt,
          pk_v, idxc0_v, idxc1_v, seg0_v, seg1_v, rows0_v, rows1_v,
          lab_v, acc_v, cnt_v, rot_v, sem_r0, sem_r1):
        idxc_b = (idxc0_v, idxc1_v)
        seg_b = (seg0_v, seg1_v)
        rows_bb = (rows0_v, rows1_v)
        sem_b = (sem_r0, sem_r1)
        cid = lax.axis_index("c")
        sid = lax.axis_index("s")
        wid = sid * NC + cid

        zeros16 = jnp.zeros((16,), jnp.float32)

        def _fill_acc(r, _):
            for m in range(DIM // 16):
                acc_v[r, pl.ds(m * 16, 16)] = zeros16
            cnt_v[r, pl.ds(0, 16)] = zeros16
            return 0
        lax.fori_loop(0, LROWS, _fill_acc, 0)

        iota16 = lax.iota(jnp.int32, 16)
        ones16 = jnp.ones((16,), jnp.float32)
        for r in range(16):
            rot_v[r, pl.ds(0, 16)] = jnp.bitwise_and(iota16 + r, 15)

        pltpu.sync_copy(pk_hbm.at[wid], pk_v)

        def issue(j, b):
            idxc_v = idxc_b[b]
            seg_v = seg_b[b]
            for m in range(CHUNK // 16):
                sl = pl.ds(m * 16, 16)
                idxc_v[sl] = jnp.bitwise_and(pk_v[j, sl], (1 << 20) - 1)
            cpr = pltpu.async_copy(feats_hbm.at[idxc_v], rows_bb[b], sem_b[b])
            pltpu.sync_copy(tgt_hbm.at[idxc_v], lab_v)
            for m in range(CHUNK // 16):
                sl = pl.ds(m * 16, 16)
                seg_v[sl] = lax.shift_right_logical(pk_v[j, sl], 20) + lab_v[sl]
            return cpr

        def accumulate(b, cpr):
            seg_v = seg_b[b]
            rows_v = rows_bb[b]
            cpr.wait()
            nseg = []
            nrid = []
            nmsk = []
            for g in range(CHUNK // 16):
                slg = pl.ds(g * 16, 16)
                seg16 = seg_v[slg]
                rid16 = iota16 + (g * 16)
                nseg.append(seg16)
                nrid.append(rid16)
                msk16 = seg16 < (2 * CATS)
                nmsk.append(msk16)
                plsc.addupdate_scatter(cnt_v, [seg16, iota16], ones16, mask=msk16)

            def rbody(r, _):
                rot = rot_v[r, pl.ds(0, 16)]
                for k in range(0, DIM // 16, 2):
                    dsp_a = rot + (k * 16)
                    dsp_b = rot + ((k + 1) * 16)
                    vals_a = [plsc.load_gather(rows_v, [nrid[g], dsp_a])
                              for g in range(CHUNK // 16)]
                    vals_b = [plsc.load_gather(rows_v, [nrid[g], dsp_b])
                              for g in range(CHUNK // 16)]
                    for g in range(CHUNK // 16):
                        plsc.addupdate_scatter(acc_v, [nseg[g], dsp_a], vals_a[g], mask=nmsk[g])
                    for g in range(CHUNK // 16):
                        plsc.addupdate_scatter(acc_v, [nseg[g], dsp_b], vals_b[g], mask=nmsk[g])
                return 0
            lax.fori_loop(0, 16, rbody, 0)

        def pair_body(t, _):
            c0 = t * 2
            cp0 = issue(c0, 0)
            cp1 = issue(c0 + 1, 1)
            accumulate(0, cp0)
            accumulate(1, cp1)
            return 0

        lax.fori_loop(0, N_CHUNKS // 2, pair_body, 0)
        if N_CHUNKS % 2:
            cp_last = issue(N_CHUNKS - 1, 0)
            accumulate(0, cp_last)

        pltpu.sync_copy(acc_v, out_sums.at[wid])
        pltpu.sync_copy(cnt_v, out_cnt.at[wid])

    return k(feats, packed, targets)


def _tc_loss_body(psum_ref, pcnt_ref, proto_ref, out_ref):
    blocks = []
    cblocks = []
    for l in range(SCALES):
        b = jnp.zeros((CATS, DIM), jnp.float32)
        c = jnp.zeros((CATS, 16), jnp.float32)
        for w in range(N_WORKERS):
            if _L0[w] == l:
                b = b + psum_ref[w, 0:CATS, :]
                c = c + pcnt_ref[w, 0:CATS, :]
            elif _L0[w] == l - 1:
                b = b + psum_ref[w, CATS:2 * CATS, :]
                c = c + pcnt_ref[w, CATS:2 * CATS, :]
        blocks.append(b)
        cblocks.append(c)
    pad = ROWS - CATS * SCALES
    sums = jnp.concatenate(blocks + [jnp.zeros((pad, DIM), jnp.float32)], axis=0)
    cntf = jnp.concatenate(cblocks + [jnp.zeros((pad, 16), jnp.float32)], axis=0)
    cnt = jnp.sum(cntf, axis=1, keepdims=True)

    occ = (cnt > 0.0).astype(jnp.float32)
    means = sums / jnp.maximum(cnt, 1.0)
    delta = jnp.where(cnt > 0.0, means, jnp.float32(0.01))

    def _norm(x):
        n2 = jnp.sum(x * x, axis=1, keepdims=True)
        return x * lax.rsqrt(jnp.maximum(n2, jnp.float32(1e-30)))

    v1 = _norm(proto_ref[...])
    v2 = _norm(delta)
    logits = lax.dot_general(v1, v2, (((1,), (1,)), ((), ())),
                             preferred_element_type=jnp.float32) / T

    r = lax.broadcasted_iota(jnp.int32, (ROWS, ROWS), 0)
    q = lax.broadcasted_iota(jnp.int32, (ROWS, ROWS), 1)
    s_of_r = jnp.mod(r, SCALES)
    in_block = (q // CATS) == s_of_r
    ml = jnp.where(in_block, logits, jnp.float32(-1e30))
    mx = jnp.max(ml, axis=1, keepdims=True)
    lse = jnp.log(jnp.sum(jnp.exp(ml - mx), axis=1, keepdims=True)) + mx

    tcol = s_of_r * CATS + jnp.mod(r, CATS)
    tval = jnp.sum(jnp.where(q == tcol, logits, 0.0), axis=1, keepdims=True)
    ce = lse - tval

    perm = s_of_r * CATS + r // SCALES
    occ_row = jnp.reshape(occ, (1, ROWS))
    mrow = jnp.sum(jnp.where(q == perm, occ_row, 0.0), axis=1, keepdims=True)
    rr = lax.broadcasted_iota(jnp.int32, (ROWS, 1), 0)
    mrow = jnp.where(rr < CATS * SCALES, mrow, 0.0)

    num = jnp.sum(ce * mrow, axis=0, keepdims=True)
    den = jnp.maximum(jnp.sum(mrow, axis=0, keepdims=True), 1.0)
    out_ref[...] = num / den


def _tc_loss(psums, pcnts, proto_pad):
    return pl.pallas_call(
        _tc_loss_body,
        out_shape=jax.ShapeDtypeStruct((1, 1), jnp.float32),
    )(psums, pcnts, proto_pad)


def kernel(cls_feats, cls_targets, lvl_idx, prototypes):
    padded = N_WORKERS * PER_W

    flat = lvl_idx.reshape(-1).astype(jnp.int32)
    idx_pad = jnp.concatenate(
        [flat, jnp.zeros((padded - N_IDX,), jnp.int32)]
    ).reshape(N_WORKERS, N_CHUNKS, CHUNK)
    segbase = jnp.asarray(_SEGBASE_LOCAL).reshape(N_WORKERS, N_CHUNKS, CHUNK)
    targets = cls_targets.astype(jnp.int32)

    packed = jnp.bitwise_or(jnp.left_shift(segbase, 20), idx_pad)
    psums, pcnts = _sc_segment_sums(cls_feats, packed, targets)

    proto = prototypes.reshape(CATS * SCALES, DIM)
    proto_pad = jnp.concatenate(
        [proto, jnp.zeros((ROWS - CATS * SCALES, DIM), jnp.float32)], axis=0)

    loss = _tc_loss(psums, pcnts, proto_pad)
    return loss.reshape(())

# --- scband reference (transcript-rebuilt; emitter-appended) ---
"""Pipeline reference for scband-fcosprototype-8967891714138 (READ-ONLY COPY).

The authoritative reference and input builder live on the scoring server;
editing this copy changes nothing except your own understanding.
"""

import jax, jax.numpy as jnp
import numpy as np

CAT_NUMS = 81   # cat_nums + 1 (background)
SCALE_NUMS = 5
DIM = 256
T = 0.07
N = 100000
N_PER_LVL = 20000


def setup_inputs(seed: int = 0) -> dict:
    key = jax.random.key(seed)
    k1, k2, k3 = jax.random.split(key, 3)
    cls_feats = jax.random.normal(k1, (N, DIM), dtype=jnp.float32)
    cls_targets = jax.random.randint(k2, (N,), 0, CAT_NUMS)
    lvl_idx = jax.random.randint(k3, (SCALE_NUMS, N_PER_LVL), 0, N)
    # learned parameter: prototypes initialized to ones * 0.01 (mode='contrast' -> requires_grad)
    prototypes = jnp.ones((CAT_NUMS, SCALE_NUMS, DIM), dtype=jnp.float32) * 0.01
    return {"cls_feats": cls_feats, "cls_targets": cls_targets, "lvl_idx": lvl_idx, "prototypes": prototypes}


def _forward(cls_feats, prototypes, cls_targets, lvl_idx):
    # ---- update_mem_bank: per (cat, lvl) mean of positive features, scatter-overwrite into delta_prototype ----
    lvl_feats = cls_feats[lvl_idx]                      # [S, n, D] gather
    lvl_labels = cls_targets[lvl_idx]                   # [S, n] gather
    seg = (jnp.arange(SCALE_NUMS)[:, None] * CAT_NUMS + lvl_labels).reshape(-1)
    flat_feats = lvl_feats.reshape(-1, DIM)
    num_seg = SCALE_NUMS * CAT_NUMS
    sums = jax.ops.segment_sum(flat_feats, seg, num_segments=num_seg)                       # scatter-add
    counts = jax.ops.segment_sum(jnp.ones((flat_feats.shape[0],), dtype=jnp.float32), seg, num_segments=num_seg)
    mem_bank_lc = counts > 0                            # memory-bank occupancy, (lvl, cat) order
    means = sums / jnp.maximum(counts, 1.0)[:, None]
    means = jax.lax.stop_gradient(means)                # .detach() in torch
    init = jnp.full((num_seg, DIM), 0.01, dtype=cls_feats.dtype)  # delta_prototype initial value
    delta = jnp.where(mem_bank_lc[:, None], means, init)          # scatter-overwrite semantics
    delta = delta.reshape(SCALE_NUMS, CAT_NUMS, DIM).transpose(1, 0, 2)   # -> [C, S, D]
    mem_bank = mem_bank_lc.reshape(SCALE_NUMS, CAT_NUMS).T.reshape(-1)    # (cat, lvl) flat order

    # ---- contrast_learning_update: InfoNCE(prototypes, delta_prototype), reduction='none' ----
    v1 = prototypes / jnp.linalg.norm(prototypes, axis=-1, keepdims=True)
    v2 = delta / jnp.linalg.norm(delta, axis=-1, keepdims=True)
    logits = jnp.einsum('isd,jsd->isj', v1, v2) / T     # [C, S, C], matches bmm+permute in COSSim
    logits = logits.reshape(-1, CAT_NUMS)               # row = cat*S + lvl
    labels = jnp.tile(jnp.arange(CAT_NUMS), SCALE_NUMS) # faithful: torch.cat([arange(C)]*S)
    lse = jax.nn.logsumexp(logits, axis=-1)
    ce = lse - jnp.take_along_axis(logits, labels[:, None], axis=1)[:, 0]
    mask = mem_bank.astype(logits.dtype)
    loss = jnp.sum(ce * mask) / jnp.maximum(jnp.sum(mask), 1.0)  # loss[mem_bank].mean()
    return loss


def reference(cls_feats, cls_targets, lvl_idx, prototypes):
    return _forward(cls_feats, prototypes, cls_targets, lvl_idx)

if __name__ == "__main__":
    import jax
    _d = setup_inputs()
    print(jax.jit(kernel)(*tuple(_d.values())))

</pallas_src>

<mosaic_0001>
#map = affine_map<(d0, d1) -> (0, 0)>
#map1 = affine_map<(d0, d1) -> (0, 0, 0)>
#map2 = affine_map<(d0, d1) -> (0)>
module attributes {stable_mosaic.version = 14 : i64} {
  func.func @k(%arg0: i32, %arg1: i32, %arg2: memref<100000x256xf32, #tpu.memory_space<hbm>>, %arg3: memref<32x50x64xi32, #tpu.memory_space<hbm>>, %arg4: memref<100000xi32, #tpu.memory_space<hbm>>, %arg5: memref<32x168x256xf32, #tpu.memory_space<hbm>>, %arg6: memref<32x168x16xf32, #tpu.memory_space<hbm>>, %arg7: memref<50x64xi32, #tpu.memory_space<vmem>>, %arg8: memref<64xi32, #tpu.memory_space<vmem>>, %arg9: memref<64xi32, #tpu.memory_space<vmem>>, %arg10: memref<64xi32, #tpu.memory_space<vmem>>, %arg11: memref<64xi32, #tpu.memory_space<vmem>>, %arg12: memref<64x256xf32, #tpu.memory_space<vmem>>, %arg13: memref<64x256xf32, #tpu.memory_space<vmem>>, %arg14: memref<64xi32, #tpu.memory_space<vmem>>, %arg15: memref<168x256xf32, #tpu.memory_space<vmem>>, %arg16: memref<168x16xf32, #tpu.memory_space<vmem>>, %arg17: memref<16x16xi32, #tpu.memory_space<vmem>>, %arg18: memref<!tpu.dma_semaphore, #tpu.memory_space<semaphore_mem>>, %arg19: memref<!tpu.dma_semaphore, #tpu.memory_space<semaphore_mem>>) attributes {dimension_semantics = [#tpu.dimension_semantics<core_parallel>, #tpu.dimension_semantics<subcore_parallel>], iteration_bounds = array<i64: 2, 16>, scalar_prefetch = 0 : i64, scratch_operands = 13 : i64, tpu.core_type = #tpu.core_type<sc_vector_subcore>, window_params = [{transform_indices = #map}, {transform_indices = #map1}, {transform_indices = #map2}, {transform_indices = #map1}, {transform_indices = #map1}]} {
    %mul3A = arith.constant 2 : i32
    %mul3A_0 = arith.muli %arg1, %mul3A : i32
    %add3A = arith.addi %mul3A_0, %arg0 : i32
    %broadcast_in_dim3A = arith.constant 0.000000e+00 : f32
    %broadcast_in_dim3A_1 = vector.broadcast %broadcast_in_dim3A : f32 to vector<16xf32>
    %scan3A = arith.constant 0 : i32
    %scan3A_2 = arith.constant 0 : i32
    %scan3A_3 = arith.constant 168 : i32
    %scan3A_4 = arith.addi %scan3A_2, %scan3A_3 : i32
    %scan3A_5 = arith.constant 1 : i32
    %scan3A_6 = scf.for %scan3A_175 = %scan3A_2 to %scan3A_4 step %scan3A_5 iter_args(%scan3A_176 = %scan3A) -> (i32)  : i32 {
      %swap3A_177 = arith.index_cast %scan3A_175 : i32 to index
      %swap3A_178 = arith.constant 0 : index
      %swap3A_179 = tpu.vector_load %arg15[%swap3A_177, %swap3A_178] {strides = array<i32>} : memref<168x256xf32, #tpu.memory_space<vmem>>, vector<16xf32>,
      tpu.vector_store %arg15[%swap3A_177, %swap3A_178], %broadcast_in_dim3A_1 {strides = array<i32>} : memref<168x256xf32, #tpu.memory_space<vmem>>, vector<16xf32>,
      %swap3A_180 = arith.index_cast %scan3A_175 : i32 to index
      %swap3A_181 = arith.constant 16 : index
      %swap3A_182 = tpu.vector_load %arg15[%swap3A_180, %swap3A_181] {strides = array<i32>} : memref<168x256xf32, #tpu.memory_space<vmem>>, vector<16xf32>,
      tpu.vector_store %arg15[%swap3A_180, %swap3A_181], %broadcast_in_dim3A_1 {strides = array<i32>} : memref<168x256xf32, #tpu.memory_space<vmem>>, vector<16xf32>,
      %swap3A_183 = arith.index_cast %scan3A_175 : i32 to index
      %swap3A_184 = arith.constant 32 : index
      %swap3A_185 = tpu.vector_load %arg15[%swap3A_183, %swap3A_184] {strides = array<i32>} : memref<168x256xf32, #tpu.memory_space<vmem>>, vector<16xf32>,
      tpu.vector_store %arg15[%swap3A_183, %swap3A_184], %broadcast_in_dim3A_1 {strides = array<i32>} : memref<168x256xf32, #tpu.memory_space<vmem>>, vector<16xf32>,
      %swap3A_186 = arith.index_cast %scan3A_175 : i32 to index
      %swap3A_187 = arith.constant 48 : index
      %swap3A_188 = tpu.vector_load %arg15[%swap3A_186, %swap3A_187] {strides = array<i32>} : memref<168x256xf32, #tpu.memory_space<vmem>>, vector<16xf32>,
      tpu.vector_store %arg15[%swap3A_186, %swap3A_187], %broadcast_in_dim3A_1 {strides = array<i32>} : memref<168x256xf32, #tpu.memory_space<vmem>>, vector<16xf32>,
      %swap3A_189 = arith.index_cast %scan3A_175 : i32 to index
      %swap3A_190 = arith.constant 64 : index
      %swap3A_191 = tpu.vector_load %arg15[%swap3A_189, %swap3A_190] {strides = array<i32>} : memref<168x256xf32, #tpu.memory_space<vmem>>, vector<16xf32>,
      tpu.vector_store %arg15[%swap3A_189, %swap3A_190], %broadcast_in_dim3A_1 {strides = array<i32>} : memref<168x256xf32, #tpu.memory_space<vmem>>, vector<16xf32>,
      %swap3A_192 = arith.index_cast %scan3A_175 : i32 to index
      %swap3A_193 = arith.constant 80 : index
      %swap3A_194 = tpu.vector_load %arg15[%swap3A_192, %swap3A_193] {strides = array<i32>} : memref<168x256xf32, #tpu.memory_space<vmem>>, vector<16xf32>,
      tpu.vector_store %arg15[%swap3A_192, %swap3A_193], %broadcast_in_dim3A_1 {strides = array<i32>} : memref<168x256xf32, #tpu.memory_space<vmem>>, vector<16xf32>,
      %swap3A_195 = arith.index_cast %scan3A_175 : i32 to index
      %swap3A_196 = arith.constant 96 : index
      %swap3A_197 = tpu.vector_load %arg15[%swap3A_195, %swap3A_196] {strides = array<i32>} : memref<168x256xf32, #tpu.memory_space<vmem>>, vector<16xf32>,
      tpu.vector_store %arg15[%swap3A_195, %swap3A_196], %broadcast_in_dim3A_1 {strides = array<i32>} : memref<168x256xf32, #tpu.memory_space<vmem>>, vector<16xf32>,
      %swap3A_198 = arith.index_cast %scan3A_175 : i32 to index
      %swap3A_199 = arith.constant 112 : index
      %swap3A_200 = tpu.vector_load %arg15[%swap3A_198, %swap3A_199] {strides = array<i32>} : memref<168x256xf32, #tpu.memory_space<vmem>>, vector<16xf32>,
      tpu.vector_store %arg15[%swap3A_198, %swap3A_199], %broadcast_in_dim3A_1 {strides = array<i32>} : memref<168x256xf32, #tpu.memory_space<vmem>>, vector<16xf32>,
      %swap3A_201 = arith.index_cast %scan3A_175 : i32 to index
      %swap3A_202 = arith.constant 128 : index
      %swap3A_203 = tpu.vector_load %arg15[%swap3A_201, %swap3A_202] {strides = array<i32>} : memref<168x256xf32, #tpu.memory_space<vmem>>, vector<16xf32>,
      tpu.vector_store %arg15[%swap3A_201, %swap3A_202], %broadcast_in_dim3A_1 {strides = array<i32>} : memref<168x256xf32, #tpu.memory_space<vmem>>, vector<16xf32>,
      %swap3A_204 = arith.index_cast %scan3A_175 : i32 to index
      %swap3A_205 = arith.constant 144 : index
      %swap3A_206 = tpu.vector_load %arg15[%swap3A_204, %swap3A_205] {strides = array<i32>} : memref<168x256xf32, #tpu.memory_space<vmem>>, vector<16xf32>,
      tpu.vector_store %arg15[%swap3A_204, %swap3A_205], %broadcast_in_dim3A_1 {strides = array<i32>} : memref<168x256xf32, #tpu.memory_space<vmem>>, vector<16xf32>,
      %swap3A_207 = arith.index_cast %scan3A_175 : i32 to index
      %swap3A_208 = arith.constant 160 : index
      %swap3A_209 = tpu.vector_load %arg15[%swap3A_207, %swap3A_208] {strides = array<i32>} : memref<168x256xf32, #tpu.memory_space<vmem>>, vector<16xf32>,
      tpu.vector_store %arg15[%swap3A_207, %swap3A_208], %broadcast_in_dim3A_1 {strides = array<i32>} : memref<168x256xf32, #tpu.memory_space<vmem>>, vector<16xf32>,
      %swap3A_210 = arith.index_cast %scan3A_175 : i32 to index
      %swap3A_211 = arith.constant 176 : index
      %swap3A_212 = tpu.vector_load %arg15[%swap3A_210, %swap3A_211] {strides = array<i32>} : memref<168x256xf32, #tpu.memory_space<vmem>>, vector<16xf32>,
      tpu.vector_store %arg15[%swap3A_210, %swap3A_211], %broadcast_in_dim3A_1 {strides = array<i32>} : memref<168x256xf32, #tpu.memory_space<vmem>>, vector<16xf32>,
      %swap3A_213 = arith.index_cast %scan3A_175 : i32 to index
      %swap3A_214 = arith.constant 192 : index
      %swap3A_215 = tpu.vector_load %arg15[%swap3A_213, %swap3A_214] {strides = array<i32>} : memref<168x256xf32, #tpu.memory_space<vmem>>, vector<16xf32>,
      tpu.vector_store %arg15[%swap3A_213, %swap3A_214], %broadcast_in_dim3A_1 {strides = array<i32>} : memref<168x256xf32, #tpu.memory_space<vmem>>, vector<16xf32>,
      %swap3A_216 = arith.index_cast %scan3A_175 : i32 to index
      %swap3A_217 = arith.constant 208 : index
      %swap3A_218 = tpu.vector_load %arg15[%swap3A_216, %swap3A_217] {strides = array<i32>} : memref<168x256xf32, #tpu.memory_space<vmem>>, vector<16xf32>,
      tpu.vector_store %arg15[%swap3A_216, %swap3A_217], %broadcast_in_dim3A_1 {strides = array<i32>} : memref<168x256xf32, #tpu.memory_space<vmem>>, vector<16xf32>,
      %swap3A_219 = arith.index_cast %scan3A_175 : i32 to index
      %swap3A_220 = arith.constant 224 : index
      %swap3A_221 = tpu.vector_load %arg15[%swap3A_219, %swap3A_220] {strides = array<i32>} : memref<168x256xf32, #tpu.memory_space<vmem>>, vector<16xf32>,
      tpu.vector_store %arg15[%swap3A_219, %swap3A_220], %broadcast_in_dim3A_1 {strides = array<i32>} : memref<168x256xf32, #tpu.memory_space<vmem>>, vector<16xf32>,
      %swap3A_222 = arith.index_cast %scan3A_175 : i32 to index
      %swap3A_223 = arith.constant 240 : index
      %swap3A_224 = tpu.vector_load %arg15[%swap3A_222, %swap3A_223] {strides = array<i32>} : memref<168x256xf32, #tpu.memory_space<vmem>>, vector<16xf32>,
      tpu.vector_store %arg15[%swap3A_222, %swap3A_223], %broadcast_in_dim3A_1 {strides = array<i32>} : memref<168x256xf32, #tpu.memory_space<vmem>>, vector<16xf32>,
      %swap3A_225 = arith.index_cast %scan3A_175 : i32 to index
      %swap3A_226 = arith.constant 0 : index
      %swap3A_227 = tpu.vector_load %arg16[%swap3A_225, %swap3A_226] {strides = array<i32>} : memref<168x16xf32, #tpu.memory_space<vmem>>, vector<16xf32>,
      tpu.vector_store %arg16[%swap3A_225, %swap3A_226], %broadcast_in_dim3A_1 {strides = array<i32>} : memref<168x16xf32, #tpu.memory_space<vmem>>, vector<16xf32>,
      %scan3A_228 = arith.constant 0 : i32
      scf.yield %scan3A_228 : i32
    }
    %scan3A_7 = arith.constant 168 : i32
    %iota3A = tpu.iota {dimensions = array<i32: 0>} : vector<16xi32>
    %broadcast_in_dim3A_8 = arith.constant 1.000000e+00 : f32
    %broadcast_in_dim3A_9 = vector.broadcast %broadcast_in_dim3A_8 : f32 to vector<16xf32>
    %add3A_10 = arith.constant 0 : i32
    %add3A_11 = vector.broadcast %add3A_10 : i32 to vector<16xi32>
    %add3A_12 = arith.addi %iota3A, %add3A_11 : vector<16xi32>
    %and3A = arith.constant 15 : i32
    %and3A_13 = vector.broadcast %and3A : i32 to vector<16xi32>
    %and3A_14 = arith.andi %add3A_12, %and3A_13 : vector<16xi32>
    %swap3A = arith.constant 0 : i32
    %swap3A_15 = arith.index_cast %swap3A : i32 to index
    %swap3A_16 = arith.constant 0 : index
    %swap3A_17 = tpu.vector_load %arg17[%swap3A_15, %swap3A_16] {strides = array<i32>} : memref<16x16xi32, #tpu.memory_space<vmem>>, vector<16xi32>,
    tpu.vector_store %arg17[%swap3A_15, %swap3A_16], %and3A_14 {strides = array<i32>} : memref<16x16xi32, #tpu.memory_space<vmem>>, vector<16xi32>,
    %add3A_18 = arith.constant 1 : i32
    %add3A_19 = vector.broadcast %add3A_18 : i32 to vector<16xi32>
    %add3A_20 = arith.addi %iota3A, %add3A_19 : vector<16xi32>
    %and3A_21 = arith.constant 15 : i32
    %and3A_22 = vector.broadcast %and3A_21 : i32 to vector<16xi32>
    %and3A_23 = arith.andi %add3A_20, %and3A_22 : vector<16xi32>
    %swap3A_24 = arith.constant 1 : i32
    %swap3A_25 = arith.index_cast %swap3A_24 : i32 to index
    %swap3A_26 = arith.constant 0 : index
    %swap3A_27 = tpu.vector_load %arg17[%swap3A_25, %swap3A_26] {strides = array<i32>} : memref<16x16xi32, #tpu.memory_space<vmem>>, vector<16xi32>,
    tpu.vector_store %arg17[%swap3A_25, %swap3A_26], %and3A_23 {strides = array<i32>} : memref<16x16xi32, #tpu.memory_space<vmem>>, vector<16xi32>,
    %add3A_28 = arith.constant 2 : i32
    %add3A_29 = vector.broadcast %add3A_28 : i32 to vector<16xi32>
    %add3A_30 = arith.addi %iota3A, %add3A_29 : vector<16xi32>
    %and3A_31 = arith.constant 15 : i32
    %and3A_32 = vector.broadcast %and3A_31 : i32 to vector<16xi32>
    %and3A_33 = arith.andi %add3A_30, %and3A_32 : vector<16xi32>
    %swap3A_34 = arith.constant 2 : i32
    %swap3A_35 = arith.index_cast %swap3A_34 : i32 to index
    %swap3A_36 = arith.constant 0 : index
    %swap3A_37 = tpu.vector_load %arg17[%swap3A_35, %swap3A_36] {strides = array<i32>} : memref<16x16xi32, #tpu.memory_space<vmem>>, vector<16xi32>,
    tpu.vector_store %arg17[%swap3A_35, %swap3A_36], %and3A_33 {strides = array<i32>} : memref<16x16xi32, #tpu.memory_space<vmem>>, vector<16xi32>,
    %add3A_38 = arith.constant 3 : i32
    %add3A_39 = vector.broadcast %add3A_38 : i32 to vector<16xi32>
    %add3A_40 = arith.addi %iota3A, %add3A_39 : vector<16xi32>
    %and3A_41 = arith.constant 15 : i32
    %and3A_42 = vector.broadcast %and3A_41 : i32 to vector<16xi32>
    %and3A_43 = arith.andi %add3A_40, %and3A_42 : vector<16xi32>
    %swap3A_44 = arith.constant 3 : i32
    %swap3A_45 = arith.index_cast %swap3A_44 : i32 to index
    %swap3A_46 = arith.constant 0 : index
    %swap3A_47 = tpu.vector_load %arg17[%swap3A_45, %swap3A_46] {strides = array<i32>} : memref<16x16xi32, #tpu.memory_space<vmem>>, vector<16xi32>,
    tpu.vector_store %arg17[%swap3A_45, %swap3A_46], %and3A_43 {strides = array<i32>} : memref<16x16xi32, #tpu.memory_space<vmem>>, vector<16xi32>,
    %add3A_48 = arith.constant 4 : i32
    %add3A_49 = vector.broadcast %add3A_48 : i32 to vector<16xi32>
    %add3A_50 = arith.addi %iota3A, %add3A_49 : vector<16xi32>
    %and3A_51 = arith.constant 15 : i32
    %and3A_52 = vector.broadcast %and3A_51 : i32 to vector<16xi32>
    %and3A_53 = arith.andi %add3A_50, %and3A_52 : vector<16xi32>
    %swap3A_54 = arith.constant 4 : i32
    %swap3A_55 = arith.index_cast %swap3A_54 : i32 to index
    %swap3A_56 = arith.constant 0 : index
    %swap3A_57 = tpu.vector_load %arg17[%swap3A_55, %swap3A_56] {strides = array<i32>} : memref<16x16xi32, #tpu.memory_space<vmem>>, vector<16xi32>,
    tpu.vector_store %arg17[%swap3A_55, %swap3A_56], %and3A_53 {strides = array<i32>} : memref<16x16xi32, #tpu.memory_space<vmem>>, vector<16xi32>,
    %add3A_58 = arith.constant 5 : i32
    %add3A_59 = vector.broadcast %add3A_58 : i32 to vector<16xi32>
    %add3A_60 = arith.addi %iota3A, %add3A_59 : vector<16xi32>
    %and3A_61 = arith.constant 15 : i32
    %and3A_62 = vector.broadcast %and3A_61 : i32 to vector<16xi32>
    %and3A_63 = arith.andi %add3A_60, %and3A_62 : vector<16xi32>
    %swap3A_64 = arith.constant 5 : i32
    %swap3A_65 = arith.index_cast %swap3A_64 : i32 to index
    %swap3A_66 = arith.constant 0 : index
    %swap3A_67 = tpu.vector_load %arg17[%swap3A_65, %swap3A_66] {strides = array<i32>} : memref<16x16xi32, #tpu.memory_space<vmem>>, vector<16xi32>,
    tpu.vector_store %arg17[%swap3A_65, %swap3A_66], %and3A_63 {strides = array<i32>} : memref<16x16xi32, #tpu.memory_space<vmem>>, vector<16xi32>,
    %add3A_68 = arith.constant 6 : i32
    %add3A_69 = vector.broadcast %add3A_68 : i32 to vector<16xi32>
    %add3A_70 = arith.addi %iota3A, %add3A_69 : vector<16xi32>
    %and3A_71 = arith.constant 15 : i32
    %and3A_72 = vector.broadcast %and3A_71 : i32 to vector<16xi32>
    %and3A_73 = arith.andi %add3A_70, %and3A_72 : vector<16xi32>
    %swap3A_74 = arith.constant 6 : i32
    %swap3A_75 = arith.index_cast %swap3A_74 : i32 to index
    %swap3A_76 = arith.constant 0 : index
    %swap3A_77 = tpu.vector_load %arg17[%swap3A_75, %swap3A_76] {strides = array<i32>} : memref<16x16xi32, #tpu.memory_space<vmem>>, vector<16xi32>,
    tpu.vector_store %arg17[%swap3A_75, %swap3A_76], %and3A_73 {strides = array<i32>} : memref<16x16xi32, #tpu.memory_space<vmem>>, vector<16xi32>,
    %add3A_78 = arith.constant 7 : i32
    %add3A_79 = vector.broadcast %add3A_78 : i32 to vector<16xi32>
    %add3A_80 = arith.addi %iota3A, %add3A_79 : vector<16xi32>
    %and3A_81 = arith.constant 15 : i32
    %and3A_82 = vector.broadcast %and3A_81 : i32 to vector<16xi32>
    %and3A_83 = arith.andi %add3A_80, %and3A_82 : vector<16xi32>
    %swap3A_84 = arith.constant 7 : i32
    %swap3A_85 = arith.index_cast %swap3A_84 : i32 to index
    %swap3A_86 = arith.constant 0 : index
    %swap3A_87 = tpu.vector_load %arg17[%swap3A_85, %swap3A_86] {strides = array<i32>} : memref<16x16xi32, #tpu.memory_space<vmem>>, vector<16xi32>,
    tpu.vector_store %arg17[%swap3A_85, %swap3A_86], %and3A_83 {strides = array<i32>} : memref<16x16xi32, #tpu.memory_space<vmem>>, vector<16xi32>,
    %add3A_88 = arith.constant 8 : i32
    %add3A_89 = vector.broadcast %add3A_88 : i32 to vector<16xi32>
    %add3A_90 = arith.addi %iota3A, %add3A_89 : vector<16xi32>
    %and3A_91 = arith.constant 15 : i32
    %and3A_92 = vector.broadcast %and3A_91 : i32 to vector<16xi32>
    %and3A_93 = arith.andi %add3A_90, %and3A_92 : vector<16xi32>
    %swap3A_94 = arith.constant 8 : i32
    %swap3A_95 = arith.index_cast %swap3A_94 : i32 to index
    %swap3A_96 = arith.constant 0 : index
    %swap3A_97 = tpu.vector_load %arg17[%swap3A_95, %swap3A_96] {strides = array<i32>} : memref<16x16xi32, #tpu.memory_space<vmem>>, vector<16xi32>,
    tpu.vector_store %arg17[%swap3A_95, %swap3A_96], %and3A_93 {strides = array<i32>} : memref<16x16xi32, #tpu.memory_space<vmem>>, vector<16xi32>,
    %add3A_98 = arith.constant 9 : i32
    %add3A_99 = vector.broadcast %add3A_98 : i32 to vector<16xi32>
    %add3A_100 = arith.addi %iota3A, %add3A_99 : vector<16xi32>
    %and3A_101 = arith.constant 15 : i32
    %and3A_102 = vector.broadcast %and3A_101 : i32 to vector<16xi32>
    %and3A_103 = arith.andi %add3A_100, %and3A_102 : vector<16xi32>
    %swap3A_104 = arith.constant 9 : i32
    %swap3A_105 = arith.index_cast %swap3A_104 : i32 to index
    %swap3A_106 = arith.constant 0 : index
    %swap3A_107 = tpu.vector_load %arg17[%swap3A_105, %swap3A_106] {strides = array<i32>} : memref<16x16xi32, #tpu.memory_space<vmem>>, vector<16xi32>,
    tpu.vector_store %arg17[%swap3A_105, %swap3A_106], %and3A_103 {strides = array<i32>} : memref<16x16xi32, #tpu.memory_space<vmem>>, vector<16xi32>,
    %add3A_108 = arith.constant 10 : i32
    %add3A_109 = vector.broadcast %add3A_108 : i32 to vector<16xi32>
    %add3A_110 = arith.addi %iota3A, %add3A_109 : vector<16xi32>
    %and3A_111 = arith.constant 15 : i32
    %and3A_112 = vector.broadcast %and3A_111 : i32 to vector<16xi32>
    %and3A_113 = arith.andi %add3A_110, %and3A_112 : vector<16xi32>
    %swap3A_114 = arith.constant 10 : i32
    %swap3A_115 = arith.index_cast %swap3A_114 : i32 to index
    %swap3A_116 = arith.constant 0 : index
    %swap3A_117 = tpu.vector_load %arg17[%swap3A_115, %swap3A_116] {strides = array<i32>} : memref<16x16xi32, #tpu.memory_space<vmem>>, vector<16xi32>,
    tpu.vector_store %arg17[%swap3A_115, %swap3A_116], %and3A_113 {strides = array<i32>} : memref<16x16xi32, #tpu.memory_space<vmem>>, vector<16xi32>,
    %add3A_118 = arith.constant 11 : i32
    %add3A_119 = vector.broadcast %add3A_118 : i32 to vector<16xi32>
    %add3A_120 = arith.addi %iota3A, %add3A_119 : vector<16xi32>
    %and3A_121 = arith.constant 15 : i32
    %and3A_122 = vector.broadcast %and3A_121 : i32 to vector<16xi32>
    %and3A_123 = arith.andi %add3A_120, %and3A_122 : vector<16xi32>
    %swap3A_124 = arith.constant 11 : i32
    %swap3A_125 = arith.index_cast %swap3A_124 : i32 to index
    %swap3A_126 = arith.constant 0 : index
    %swap3A_127 = tpu.vector_load %arg17[%swap3A_125, %swap3A_126] {strides = array<i32>} : memref<16x16xi32, #tpu.memory_space<vmem>>, vector<16xi32>,
    tpu.vector_store %arg17[%swap3A_125, %swap3A_126], %and3A_123 {strides = array<i32>} : memref<16x16xi32, #tpu.memory_space<vmem>>, vector<16xi32>,
    %add3A_128 = arith.constant 12 : i32
    %add3A_129 = vector.broadcast %add3A_128 : i32 to vector<16xi32>
    %add3A_130 = arith.addi %iota3A, %add3A_129 : vector<16xi32>
    %and3A_131 = arith.constant 15 : i32
    %and3A_132 = vector.broadcast %and3A_131 : i32 to vector<16xi32>
    %and3A_133 = arith.andi %add3A_130, %and3A_132 : vector<16xi32>
    %swap3A_134 = arith.constant 12 : i32
    %swap3A_135 = arith.index_cast %swap3A_134 : i32 to index
    %swap3A_136 = arith.constant 0 : index
    %swap3A_137 = tpu.vector_load %arg17[%swap3A_135, %swap3A_136] {strides = array<i32>} : memref<16x16xi32, #tpu.memory_space<vmem>>, vector<16xi32>,
    tpu.vector_store %arg17[%swap3A_135, %swap3A_136], %and3A_133 {strides = array<i32>} : memref<16x16xi32, #tpu.memory_space<vmem>>, vector<16xi32>,
    %add3A_138 = arith.constant 13 : i32
    %add3A_139 = vector.broadcast %add3A_138 : i32 to vector<16xi32>
    %add3A_140 = arith.addi %iota3A, %add3A_139 : vector<16xi32>
    %and3A_141 = arith.constant 15 : i32
    %and3A_142 = vector.broadcast %and3A_141 : i32 to vector<16xi32>
    %and3A_143 = arith.andi %add3A_140, %and3A_142 : vector<16xi32>
    %swap3A_144 = arith.constant 13 : i32
    %swap3A_145 = arith.index_cast %swap3A_144 : i32 to index
    %swap3A_146 = arith.constant 0 : index
    %swap3A_147 = tpu.vector_load %arg17[%swap3A_145, %swap3A_146] {strides = array<i32>} : memref<16x16xi32, #tpu.memory_space<vmem>>, vector<16xi32>,
    tpu.vector_store %arg17[%swap3A_145, %swap3A_146], %and3A_143 {strides = array<i32>} : memref<16x16xi32, #tpu.memory_space<vmem>>, vector<16xi32>,
    %add3A_148 = arith.constant 14 : i32
    %add3A_149 = vector.broadcast %add3A_148 : i32 to vector<16xi32>
    %add3A_150 = arith.addi %iota3A, %add3A_149 : vector<16xi32>
    %and3A_151 = arith.constant 15 : i32
    %and3A_152 = vector.broadcast %and3A_151 : i32 to vector<16xi32>
    %and3A_153 = arith.andi %add3A_150, %and3A_152 : vector<16xi32>
    %swap3A_154 = arith.constant 14 : i32
    %swap3A_155 = arith.index_cast %swap3A_154 : i32 to index
    %swap3A_156 = arith.constant 0 : index
    %swap3A_157 = tpu.vector_load %arg17[%swap3A_155, %swap3A_156] {strides = array<i32>} : memref<16x16xi32, #tpu.memory_space<vmem>>, vector<16xi32>,
    tpu.vector_store %arg17[%swap3A_155, %swap3A_156], %and3A_153 {strides = array<i32>} : memref<16x16xi32, #tpu.memory_space<vmem>>, vector<16xi32>,
    %add3A_158 = arith.constant 15 : i32
    %add3A_159 = vector.broadcast %add3A_158 : i32 to vector<16xi32>
    %add3A_160 = arith.addi %iota3A, %add3A_159 : vector<16xi32>
    %and3A_161 = arith.constant 15 : i32
    %and3A_162 = vector.broadcast %and3A_161 : i32 to vector<16xi32>
    %and3A_163 = arith.andi %add3A_160, %and3A_162 : vector<16xi32>
    %swap3A_164 = arith.constant 15 : i32
    %swap3A_165 = arith.index_cast %swap3A_164 : i32 to index
    %swap3A_166 = arith.constant 0 : index
    %swap3A_167 = tpu.vector_load %arg17[%swap3A_165, %swap3A_166] {strides = array<i32>} : memref<16x16xi32, #tpu.memory_space<vmem>>, vector<16xi32>,
    tpu.vector_store %arg17[%swap3A_165, %swap3A_166], %and3A_163 {strides = array<i32>} : memref<16x16xi32, #tpu.memory_space<vmem>>, vector<16xi32>,
    "tpu.region"() ({
      %run_scoped3A = tpu.sem_alloc : memref<!tpu.dma_semaphore, #tpu.memory_space<semaphore_mem>>
      %dma_start3A = arith.constant 0 : i32
      %dma_start3A_175 = arith.constant 0 : i32
      %dma_start3A_176 = tpu.memref_slice %arg3[%add3A, %dma_start3A, %dma_start3A_175] : memref<32x50x64xi32, #tpu.memory_space<hbm>> -> memref<1x50x64xi32, #tpu.memory_space<hbm>>
      %dma_start3A_177 = tpu.memref_squeeze %dma_start3A_176 : memref<1x50x64xi32, #tpu.memory_space<hbm>> -> memref<50x64xi32, #tpu.memory_space<hbm>>
      %dma_start3A_178 = arith.constant 0 : i32
      %dma_start3A_179 = arith.constant 0 : i32
      %dma_start3A_180 = tpu.memref_slice %arg3[%add3A, %dma_start3A_178, %dma_start3A_179] : memref<32x50x64xi32, #tpu.memory_space<hbm>> -> memref<1x50x64xi32, #tpu.memory_space<hbm>>
      %dma_start3A_181 = tpu.memref_squeeze %dma_start3A_180 : memref<1x50x64xi32, #tpu.memory_space<hbm>> -> memref<50x64xi32, #tpu.memory_space<hbm>>
      tpu.enqueue_dma source(%dma_start3A_181 : memref<50x64xi32, #tpu.memory_space<hbm>>) target(%arg7 : memref<50x64xi32, #tpu.memory_space<vmem>>) target_semaphore(%run_scoped3A : memref<!tpu.dma_semaphore, #tpu.memory_space<semaphore_mem>>)
      %dma_wait3A = arith.constant 0 : i32
      %dma_wait3A_182 = arith.constant 0 : i32
      %dma_wait3A_183 = tpu.memref_slice %arg3[%add3A, %dma_wait3A, %dma_wait3A_182] : memref<32x50x64xi32, #tpu.memory_space<hbm>> -> memref<1x50x64xi32, #tpu.memory_space<hbm>>
      %dma_wait3A_184 = tpu.memref_squeeze %dma_wait3A_183 : memref<1x50x64xi32, #tpu.memory_space<hbm>> -> memref<50x64xi32, #tpu.memory_space<hbm>>
      %dma_wait3A_185 = arith.constant 0 : i32
      %dma_wait3A_186 = arith.constant 0 : i32
      %dma_wait3A_187 = tpu.memref_slice %arg3[%add3A, %dma_wait3A_185, %dma_wait3A_186] : memref<32x50x64xi32, #tpu.memory_space<hbm>> -> memref<1x50x64xi32, #tpu.memory_space<hbm>>
      %dma_wait3A_188 = tpu.memref_squeeze %dma_wait3A_187 : memref<1x50x64xi32, #tpu.memory_space<hbm>> -> memref<50x64xi32, #tpu.memory_space<hbm>>
      tpu.wait_dma2 semaphore(%run_scoped3A : memref<!tpu.dma_semaphore, #tpu.memory_space<semaphore_mem>>) src(%dma_wait3A_188 : memref<50x64xi32, #tpu.memory_space<hbm>>) dst(%arg7 : memref<50x64xi32, #tpu.memory_space<vmem>>)
      tpu.yield
    }) : () -> ()
    %scan3A_168 = arith.constant 0 : i32
    %scan3A_169 = arith.constant 0 : i32
    %scan3A_170 = arith.constant 25 : i32
    %scan3A_171 = arith.addi %scan3A_169, %scan3A_170 : i32
    %scan3A_172 = arith.constant 1 : i32
    %scan3A_173 = scf.for %scan3A_175 = %scan3A_169 to %scan3A_171 step %scan3A_172 iter_args(%scan3A_176 = %scan3A_168) -> (i32)  : i32 {
      %mul3A_177 = arith.constant 2 : i32
      %mul3A_178 = arith.muli %scan3A_175, %mul3A_177 : i32
      %get3A = arith.index_cast %mul3A_178 : i32 to index
      %get3A_179 = arith.constant 0 : index
      %get3A_180 = tpu.vector_load %arg7[%get3A, %get3A_179] {strides = array<i32>} : memref<50x64xi32, #tpu.memory_space<vmem>>, vector<16xi32>,
      %and3A_181 = arith.constant 1048575 : i32
      %and3A_182 = vector.broadcast %and3A_181 : i32 to vector<16xi32>
      %and3A_183 = arith.andi %get3A_180, %and3A_182 : vector<16xi32>
      %swap3A_184 = arith.constant 0 : index
      %swap3A_185 = tpu.vector_load %arg8[%swap3A_184] {strides = array<i32>} : memref<64xi32, #tpu.memory_space<vmem>>, vector<16xi32>,
      tpu.vector_store %arg8[%swap3A_184], %and3A_183 {strides = array<i32>} : memref<64xi32, #tpu.memory_space<vmem>>, vector<16xi32>,
      %get3A_186 = arith.index_cast %mul3A_178 : i32 to index
      %get3A_187 = arith.constant 16 : index
      %get3A_188 = tpu.vector_load %arg7[%get3A_186, %get3A_187] {strides = array<i32>} : memref<50x64xi32, #tpu.memory_space<vmem>>, vector<16xi32>,
      %and3A_189 = arith.constant 1048575 : i32
      %and3A_190 = vector.broadcast %and3A_189 : i32 to vector<16xi32>
      %and3A_191 = arith.andi %get3A_188, %and3A_190 : vector<16xi32>
      %swap3A_192 = arith.constant 16 : index
      %swap3A_193 = tpu.vector_load %arg8[%swap3A_192] {strides = array<i32>} : memref<64xi32, #tpu.memory_space<vmem>>, vector<16xi32>,
      tpu.vector_store %arg8[%swap3A_192], %and3A_191 {strides = array<i32>} : memref<64xi32, #tpu.memory_space<vmem>>, vector<16xi32>,
      %get3A_194 = arith.index_cast %mul3A_178 : i32 to index
      %get3A_195 = arith.constant 32 : index
      %get3A_196 = tpu.vector_load %arg7[%get3A_194, %get3A_195] {strides = array<i32>} : memref<50x64xi32, #tpu.memory_space<vmem>>, vector<16xi32>,
      %and3A_197 = arith.constant 1048575 : i32
      %and3A_198 = vector.broadcast %and3A_197 : i32 to vector<16xi32>
      %and3A_199 = arith.andi %get3A_196, %and3A_198 : vector<16xi32>
      %swap3A_200 = arith.constant 32 : index
      %swap3A_201 = tpu.vector_load %arg8[%swap3A_200] {strides = array<i32>} : memref<64xi32, #tpu.memory_space<vmem>>, vector<16xi32>,
      tpu.vector_store %arg8[%swap3A_200], %and3A_199 {strides = array<i32>} : memref<64xi32, #tpu.memory_space<vmem>>, vector<16xi32>,
      %get3A_202 = arith.index_cast %mul3A_178 : i32 to index
      %get3A_203 = arith.constant 48 : index
      %get3A_204 = tpu.vector_load %arg7[%get3A_202, %get3A_203] {strides = array<i32>} : memref<50x64xi32, #tpu.memory_space<vmem>>, vector<16xi32>,
      %and3A_205 = arith.constant 1048575 : i32
      %and3A_206 = vector.broadcast %and3A_205 : i32 to vector<16xi32>
      %and3A_207 = arith.andi %get3A_204, %and3A_206 : vector<16xi32>
      %swap3A_208 = arith.constant 48 : index
      %swap3A_209 = tpu.vector_load %arg8[%swap3A_208] {strides = array<i32>} : memref<64xi32, #tpu.memory_space<vmem>>, vector<16xi32>,
      tpu.vector_store %arg8[%swap3A_208], %and3A_207 {strides = array<i32>} : memref<64xi32, #tpu.memory_space<vmem>>, vector<16xi32>,
      %dma_start3A = arith.constant 0 : i32
      %dma_start3A_210 = arith.constant 0 : i32
      %dma_start3A_211 = tpu.memref_slice %arg2[%dma_start3A, %dma_start3A_210] : memref<100000x256xf32, #tpu.memory_space<hbm>> -> memref<100000x256xf32, #tpu.memory_space<hbm>>
      tpu.enqueue_indirect_dma source(%dma_start3A_211 : memref<100000x256xf32, #tpu.memory_space<hbm>>) target(%arg12 : memref<64x256xf32, #tpu.memory_space<vmem>>) offsets(%arg8 : memref<64xi32, #tpu.memory_space<vmem>>) semaphore(%arg18 : memref<!tpu.dma_semaphore, #tpu.memory_space<semaphore_mem>>)
      "tpu.region"() ({
        %run_scoped3A = tpu.sem_alloc : memref<!tpu.dma_semaphore, #tpu.memory_space<semaphore_mem>>
        %dma_start3A_419 = arith.constant 0 : i32
        %dma_start3A_420 = tpu.memref_slice %arg4[%dma_start3A_419] : memref<100000xi32, #tpu.memory_space<hbm>> -> memref<100000xi32, #tpu.memory_space<hbm>>
        tpu.enqueue_indirect_dma source(%dma_start3A_420 : memref<100000xi32, #tpu.memory_space<hbm>>) target(%arg14 : memref<64xi32, #tpu.memory_space<vmem>>) offsets(%arg8 : memref<64xi32, #tpu.memory_space<vmem>>) semaphore(%run_scoped3A : memref<!tpu.dma_semaphore, #tpu.memory_space<semaphore_mem>>)
        %dma_wait3A_421 = arith.constant 0 : i32
        %dma_wait3A_422 = tpu.memref_slice %arg4[%dma_wait3A_421] : memref<100000xi32, #tpu.memory_space<hbm>> -> memref<100000xi32, #tpu.memory_space<hbm>>
        tpu.wait_indirect_dma semaphore(%run_scoped3A : memref<!tpu.dma_semaphore, #tpu.memory_space<semaphore_mem>>) src(%dma_wait3A_422 : memref<100000xi32, #tpu.memory_space<hbm>>) dst(%arg14 : memref<64xi32, #tpu.memory_space<vmem>>)
        tpu.yield
      }) : () -> ()
      %get3A_212 = arith.index_cast %mul3A_178 : i32 to index
      %get3A_213 = arith.constant 0 : index
      %get3A_214 = tpu.vector_load %arg7[%get3A_212, %get3A_213] {strides = array<i32>} : memref<50x64xi32, #tpu.memory_space<vmem>>, vector<16xi32>,
      %shift_right_logical3A = arith.constant 20 : i32
      %shift_right_logical3A_215 = vector.broadcast %shift_right_logical3A : i32 to vector<16xi32>
      %shift_right_logical3A_216 = arith.shrui %get3A_214, %shift_right_logical3A_215 : vector<16xi32>
      %get3A_217 = arith.constant 0 : index
      %get3A_218 = tpu.vector_load %arg14[%get3A_217] {strides = array<i32>} : memref<64xi32, #tpu.memory_space<vmem>>, vector<16xi32>,
      %add3A_219 = arith.addi %shift_right_logical3A_216, %get3A_218 : vector<16xi32>
      %swap3A_220 = arith.constant 0 : index
      %swap3A_221 = tpu.vector_load %arg10[%swap3A_220] {strides = array<i32>} : memref<64xi32, #tpu.memory_space<vmem>>, vector<16xi32>,
      tpu.vector_store %arg10[%swap3A_220], %add3A_219 {strides = array<i32>} : memref<64xi32, #tpu.memory_space<vmem>>, vector<16xi32>,
      %get3A_222 = arith.index_cast %mul3A_178 : i32 to index
      %get3A_223 = arith.constant 16 : index
      %get3A_224 = tpu.vector_load %arg7[%get3A_222, %get3A_223] {strides = array<i32>} : memref<50x64xi32, #tpu.memory_space<vmem>>, vector<16xi32>,
      %shift_right_logical3A_225 = arith.constant 20 : i32
      %shift_right_logical3A_226 = vector.broadcast %shift_right_logical3A_225 : i32 to vector<16xi32>
      %shift_right_logical3A_227 = arith.shrui %get3A_224, %shift_right_logical3A_226 : vector<16xi32>
      %get3A_228 = arith.constant 16 : index
      %get3A_229 = tpu.vector_load %arg14[%get3A_228] {strides = array<i32>} : memref<64xi32, #tpu.memory_space<vmem>>, vector<16xi32>,
      %add3A_230 = arith.addi %shift_right_logical3A_227, %get3A_229 : vector<16xi32>
      %swap3A_231 = arith.constant 16 : index
      %swap3A_232 = tpu.vector_load %arg10[%swap3A_231] {strides = array<i32>} : memref<64xi32, #tpu.memory_space<vmem>>, vector<16xi32>,
      tpu.vector_store %arg10[%swap3A_231], %add3A_230 {strides = array<i32>} : memref<64xi32, #tpu.memory_space<vmem>>, vector<16xi32>,
      %get3A_233 = arith.index_cast %mul3A_178 : i32 to index
      %get3A_234 = arith.constant 32 : index
      %get3A_235 = tpu.vector_load %arg7[%get3A_233, %get3A_234] {strides = array<i32>} : memref<50x64xi32, #tpu.memory_space<vmem>>, vector<16xi32>,
      %shift_right_logical3A_236 = arith.constant 20 : i32
      %shift_right_logical3A_237 = vector.broadcast %shift_right_logical3A_236 : i32 to vector<16xi32>
      %shift_right_logical3A_238 = arith.shrui %get3A_235, %shift_right_logical3A_237 : vector<16xi32>
      %get3A_239 = arith.constant 32 : index
      %get3A_240 = tpu.vector_load %arg14[%get3A_239] {strides = array<i32>} : memref<64xi32, #tpu.memory_space<vmem>>, vector<16xi32>,
      %add3A_241 = arith.addi %shift_right_logical3A_238, %get3A_240 : vector<16xi32>
      %swap3A_242 = arith.constant 32 : index
      %swap3A_243 = tpu.vector_load %arg10[%swap3A_242] {strides = array<i32>} : memref<64xi32, #tpu.memory_space<vmem>>, vector<16xi32>,
      tpu.vector_store %arg10[%swap3A_242], %add3A_241 {strides = array<i32>} : memref<64xi32, #tpu.memory_space<vmem>>, vector<16xi32>,
      %get3A_244 = arith.index_cast %mul3A_178 : i32 to index
      %get3A_245 = arith.constant 48 : index
      %get3A_246 = tpu.vector_load %arg7[%get3A_244, %get3A_245] {strides = array<i32>} : memref<50x64xi32, #tpu.memory_space<vmem>>, vector<16xi32>,
      %shift_right_logical3A_247 = arith.constant 20 : i32
      %shift_right_logical3A_248 = vector.broadcast %shift_right_logical3A_247 : i32 to vector<16xi32>
      %shift_right_logical3A_249 = arith.shrui %get3A_246, %shift_right_logical3A_248 : vector<16xi32>
      %get3A_250 = arith.constant 48 : index
      %get3A_251 = tpu.vector_load %arg14[%get3A_250] {strides = array<i32>} : memref<64xi32, #tpu.memory_space<vmem>>, vector<16xi32>,
      %add3A_252 = arith.addi %shift_right_logical3A_249, %get3A_251 : vector<16xi32>
      %swap3A_253 = arith.constant 48 : index
      %swap3A_254 = tpu.vector_load %arg10[%swap3A_253] {strides = array<i32>} : memref<64xi32, #tpu.memory_space<vmem>>, vector<16xi32>,
      tpu.vector_store %arg10[%swap3A_253], %add3A_252 {strides = array<i32>} : memref<64xi32, #tpu.memory_space<vmem>>, vector<16xi32>,
      %add3A_255 = arith.constant 1 : i32
      %add3A_256 = arith.addi %mul3A_178, %add3A_255 : i32
      %get3A_257 = arith.index_cast %add3A_256 : i32 to index
      %get3A_258 = arith.constant 0 : index
      %get3A_259 = tpu.vector_load %arg7[%get3A_257, %get3A_258] {strides = array<i32>} : memref<50x64xi32, #tpu.memory_space<vmem>>, vector<16xi32>,
      %and3A_260 = arith.constant 1048575 : i32
      %and3A_261 = vector.broadcast %and3A_260 : i32 to vector<16xi32>
      %and3A_262 = arith.andi %get3A_259, %and3A_261 : vector<16xi32>
      %swap3A_263 = arith.constant 0 : index
      %swap3A_264 = tpu.vector_load %arg9[%swap3A_263] {strides = array<i32>} : memref<64xi32, #tpu.memory_space<vmem>>, vector<16xi32>,
      tpu.vector_store %arg9[%swap3A_263], %and3A_262 {strides = array<i32>} : memref<64xi32, #tpu.memory_space<vmem>>, vector<16xi32>,
      %get3A_265 = arith.index_cast %add3A_256 : i32 to index
      %get3A_266 = arith.constant 16 : index
      %get3A_267 = tpu.vector_load %arg7[%get3A_265, %get3A_266] {strides = array<i32>} : memref<50x64xi32, #tpu.memory_space<vmem>>, vector<16xi32>,
      %and3A_268 = arith.constant 1048575 : i32
      %and3A_269 = vector.broadcast %and3A_268 : i32 to vector<16xi32>
      %and3A_270 = arith.andi %get3A_267, %and3A_269 : vector<16xi32>
      %swap3A_271 = arith.constant 16 : index
      %swap3A_272 = tpu.vector_load %arg9[%swap3A_271] {strides = array<i32>} : memref<64xi32, #tpu.memory_space<vmem>>, vector<16xi32>,
      tpu.vector_store %arg9[%swap3A_271], %and3A_270 {strides = array<i32>} : memref<64xi32, #tpu.memory_space<vmem>>, vector<16xi32>,
      %get3A_273 = arith.index_cast %add3A_256 : i32 to index
      %get3A_274 = arith.constant 32 : index
      %get3A_275 = tpu.vector_load %arg7[%get3A_273, %get3A_274] {strides = array<i32>} : memref<50x64xi32, #tpu.memory_space<vmem>>, vector<16xi32>,
      %and3A_276 = arith.constant 1048575 : i32
      %and3A_277 = vector.broadcast %and3A_276 : i32 to vector<16xi32>
      %and3A_278 = arith.andi %get3A_275, %and3A_277 : vector<16xi32>
      %swap3A_279 = arith.constant 32 : index
      %swap3A_280 = tpu.vector_load %arg9[%swap3A_279] {strides = array<i32>} : memref<64xi32, #tpu.memory_space<vmem>>, vector<16xi32>,
      tpu.vector_store %arg9[%swap3A_279], %and3A_278 {strides = array<i32>} : memref<64xi32, #tpu.memory_space<vmem>>, vector<16xi32>,
      %get3A_281 = arith.index_cast %add3A_256 : i32 to index
      %get3A_282 = arith.constant 48 : index
      %get3A_283 = tpu.vector_load %arg7[%get3A_281, %get3A_282] {strides = array<i32>} : memref<50x64xi32, #tpu.memory_space<vmem>>, vector<16xi32>,
      %and3A_284 = arith.constant 1048575 : i32
      %and3A_285 = vector.broadcast %and3A_284 : i32 to vector<16xi32>
      %and3A_286 = arith.andi %get3A_283, %and3A_285 : vector<16xi32>
      %swap3A_287 = arith.constant 48 : index
      %swap3A_288 = tpu.vector_load %arg9[%swap3A_287] {strides = array<i32>} : memref<64xi32, #tpu.memory_space<vmem>>, vector<16xi32>,
      tpu.vector_store %arg9[%swap3A_287], %and3A_286 {strides = array<i32>} : memref<64xi32, #tpu.memory_space<vmem>>, vector<16xi32>,
      %dma_start3A_289 = arith.constant 0 : i32
      %dma_start3A_290 = arith.constant 0 : i32
      %dma_start3A_291 = tpu.memref_slice %arg2[%dma_start3A_289, %dma_start3A_290] : memref<100000x256xf32, #tpu.memory_space<hbm>> -> memref<100000x256xf32, #tpu.memory_space<hbm>>
      tpu.enqueue_indirect_dma source(%dma_start3A_291 : memref<100000x256xf32, #tpu.memory_space<hbm>>) target(%arg13 : memref<64x256xf32, #tpu.memory_space<vmem>>) offsets(%arg9 : memref<64xi32, #tpu.memory_space<vmem>>) semaphore(%arg19 : memref<!tpu.dma_semaphore, #tpu.memory_space<semaphore_mem>>)
      "tpu.region"() ({
        %run_scoped3A = tpu.sem_alloc : memref<!tpu.dma_semaphore, #tpu.memory_space<semaphore_mem>>
        %dma_start3A_419 = arith.constant 0 : i32
        %dma_start3A_420 = tpu.memref_slice %arg4[%dma_start3A_419] : memref<100000xi32, #tpu.memory_space<hbm>> -> memref<100000xi32, #tpu.memory_space<hbm>>
        tpu.enqueue_indirect_dma source(%dma_start3A_420 : memref<100000xi32, #tpu.memory_space<hbm>>) target(%arg14 : memref<64xi32, #tpu.memory_space<vmem>>) offsets(%arg9 : memref<64xi32, #tpu.memory_space<vmem>>) semaphore(%run_scoped3A : memref<!tpu.dma_semaphore, #tpu.memory_space<semaphore_mem>>)
        %dma_wait3A_421 = arith.constant 0 : i32
        %dma_wait3A_422 = tpu.memref_slice %arg4[%dma_wait3A_421] : memref<100000xi32, #tpu.memory_space<hbm>> -> memref<100000xi32, #tpu.memory_space<hbm>>
        tpu.wait_indirect_dma semaphore(%run_scoped3A : memref<!tpu.dma_semaphore, #tpu.memory_space<semaphore_mem>>) src(%dma_wait3A_422 : memref<100000xi32, #tpu.memory_space<hbm>>) dst(%arg14 : memref<64xi32, #tpu.memory_space<vmem>>)
        tpu.yield
      }) : () -> ()
      %get3A_292 = arith.index_cast %add3A_256 : i32 to index
      %get3A_293 = arith.constant 0 : index
      %get3A_294 = tpu.vector_load %arg7[%get3A_292, %get3A_293] {strides = array<i32>} : memref<50x64xi32, #tpu.memory_space<vmem>>, vector<16xi32>,
      %shift_right_logical3A_295 = arith.constant 20 : i32
      %shift_right_logical3A_296 = vector.broadcast %shift_right_logical3A_295 : i32 to vector<16xi32>
      %shift_right_logical3A_297 = arith.shrui %get3A_294, %shift_right_logical3A_296 : vector<16xi32>
      %get3A_298 = arith.constant 0 : index
      %get3A_299 = tpu.vector_load %arg14[%get3A_298] {strides = array<i32>} : memref<64xi32, #tpu.memory_space<vmem>>, vector<16xi32>,
      %add3A_300 = arith.addi %shift_right_logical3A_297, %get3A_299 : vector<16xi32>
      %swap3A_301 = arith.constant 0 : index
      %swap3A_302 = tpu.vector_load %arg11[%swap3A_301] {strides = array<i32>} : memref<64xi32, #tpu.memory_space<vmem>>, vector<16xi32>,
      tpu.vector_store %arg11[%swap3A_301], %add3A_300 {strides = array<i32>} : memref<64xi32, #tpu.memory_space<vmem>>, vector<16xi32>,
      %get3A_303 = arith.index_cast %add3A_256 : i32 to index
      %get3A_304 = arith.constant 16 : index
      %get3A_305 = tpu.vector_load %arg7[%get3A_303, %get3A_304] {strides = array<i32>} : memref<50x64xi32, #tpu.memory_space<vmem>>, vector<16xi32>,
      %shift_right_logical3A_306 = arith.constant 20 : i32
      %shift_right_logical3A_307 = vector.broadcast %shift_right_logical3A_306 : i32 to vector<16xi32>
      %shift_right_logical3A_308 = arith.shrui %get3A_305, %shift_right_logical3A_307 : vector<16xi32>
      %get3A_309 = arith.constant 16 : index
      %get3A_310 = tpu.vector_load %arg14[%get3A_309] {strides = array<i32>} : memref<64xi32, #tpu.memory_space<vmem>>, vector<16xi32>,
      %add3A_311 = arith.addi %shift_right_logical3A_308, %get3A_310 : vector<16xi32>
      %swap3A_312 = arith.constant 16 : index
      %swap3A_313 = tpu.vector_load %arg11[%swap3A_312] {strides = array<i32>} : memref<64xi32, #tpu.memory_space<vmem>>, vector<16xi32>,
      tpu.vector_store %arg11[%swap3A_312], %add3A_311 {strides = array<i32>} : memref<64xi32, #tpu.memory_space<vmem>>, vector<16xi32>,
      %get3A_314 = arith.index_cast %add3A_256 : i32 to index
      %get3A_315 = arith.constant 32 : index
      %get3A_316 = tpu.vector_load %arg7[%get3A_314, %get3A_315] {strides = array<i32>} : memref<50x64xi32, #tpu.memory_space<vmem>>, vector<16xi32>,
      %shift_right_logical3A_317 = arith.constant 20 : i32
      %shift_right_logical3A_318 = vector.broadcast %shift_right_logical3A_317 : i32 to vector<16xi32>
      %shift_right_logical3A_319 = arith.shrui %get3A_316, %shift_right_logical3A_318 : vector<16xi32>
      %get3A_320 = arith.constant 32 : index
      %get3A_321 = tpu.vector_load %arg14[%get3A_320] {strides = array<i32>} : memref<64xi32, #tpu.memory_space<vmem>>, vector<16xi32>,
      %add3A_322 = arith.addi %shift_right_logical3A_319, %get3A_321 : vector<16xi32>
      %swap3A_323 = arith.constant 32 : index
      %swap3A_324 = tpu.vector_load %arg11[%swap3A_323] {strides = array<i32>} : memref<64xi32, #tpu.memory_space<vmem>>, vector<16xi32>,
      tpu.vector_store %arg11[%swap3A_323], %add3A_322 {strides = array<i32>} : memref<64xi32, #tpu.memory_space<vmem>>, vector<16xi32>,
      %get3A_325 = arith.index_cast %add3A_256 : i32 to index
      %get3A_326 = arith.constant 48 : index
      %get3A_327 = tpu.vector_load %arg7[%get3A_325, %get3A_326] {strides = array<i32>} : memref<50x64xi32, #tpu.memory_space<vmem>>, vector<16xi32>,
      %shift_right_logical3A_328 = arith.constant 20 : i32
      %shift_right_logical3A_329 = vector.broadcast %shift_right_logical3A_328 : i32 to vector<16xi32>
      %shift_right_logical3A_330 = arith.shrui %get3A_327, %shift_right_logical3A_329 : vector<16xi32>
      %get3A_331 = arith.constant 48 : index
      %get3A_332 = tpu.vector_load %arg14[%get3A_331] {strides = array<i32>} : memref<64xi32, #tpu.memory_space<vmem>>, vector<16xi32>,
      %add3A_333 = arith.addi %shift_right_logical3A_330, %get3A_332 : vector<16xi32>
      %swap3A_334 = arith.constant 48 : index
      %swap3A_335 = tpu.vector_load %arg11[%swap3A_334] {strides = array<i32>} : memref<64xi32, #tpu.memory_space<vmem>>, vector<16xi32>,
      tpu.vector_store %arg11[%swap3A_334], %add3A_333 {strides = array<i32>} : memref<64xi32, #tpu.memory_space<vmem>>, vector<16xi32>,
      %dma_wait3A = arith.constant 0 : i32
      %dma_wait3A_336 = arith.constant 0 : i32
      %dma_wait3A_337 = tpu.memref_slice %arg2[%dma_wait3A, %dma_wait3A_336] : memref<100000x256xf32, #tpu.memory_space<hbm>> -> memref<100000x256xf32, #tpu.memory_space<hbm>>
      tpu.wait_indirect_dma semaphore(%arg18 : memref<!tpu.dma_semaphore, #tpu.memory_space<semaphore_mem>>) src(%dma_wait3A_337 : memref<100000x256xf32, #tpu.memory_space<hbm>>) dst(%arg12 : memref<64x256xf32, #tpu.memory_space<vmem>>)
      %get3A_338 = arith.constant 0 : index
      %get3A_339 = tpu.vector_load %arg10[%get3A_338] {strides = array<i32>} : memref<64xi32, #tpu.memory_space<vmem>>, vector<16xi32>,
      %add3A_340 = arith.constant 0 : i32
      %add3A_341 = vector.broadcast %add3A_340 : i32 to vector<16xi32>
      %add3A_342 = arith.addi %iota3A, %add3A_341 : vector<16xi32>
      %lt3A = arith.constant 162 : i32
      %lt3A_343 = vector.broadcast %lt3A : i32 to vector<16xi32>
      %lt3A_344 = arith.cmpi slt, %get3A_339, %lt3A_343 : vector<16xi32>
      tpu.vector_store_idx %arg16[%get3A_339, %iota3A], %broadcast_in_dim3A_9 masked %lt3A_344 {add = true} : memref<168x16xf32, #tpu.memory_space<vmem>>[vector<16xi32>, vector<16xi32>], vector<16xf32>, vector<16xi1>
      %get3A_345 = arith.constant 16 : index
      %get3A_346 = tpu.vector_load %arg10[%get3A_345] {strides = array<i32>} : memref<64xi32, #tpu.memory_space<vmem>>, vector<16xi32>,
      %add3A_347 = arith.constant 16 : i32
      %add3A_348 = vector.broadcast %add3A_347 : i32 to vector<16xi32>
      %add3A_349 = arith.addi %iota3A, %add3A_348 : vector<16xi32>
      %lt3A_350 = arith.constant 162 : i32
      %lt3A_351 = vector.broadcast %lt3A_350 : i32 to vector<16xi32>
      %lt3A_352 = arith.cmpi slt, %get3A_346, %lt3A_351 : vector<16xi32>
      tpu.vector_store_idx %arg16[%get3A_346, %iota3A], %broadcast_in_dim3A_9 masked %lt3A_352 {add = true} : memref<168x16xf32, #tpu.memory_space<vmem>>[vector<16xi32>, vector<16xi32>], vector<16xf32>, vector<16xi1>
      %get3A_353 = arith.constant 32 : index
      %get3A_354 = tpu.vector_load %arg10[%get3A_353] {strides = array<i32>} : memref<64xi32, #tpu.memory_space<vmem>>, vector<16xi32>,
      %add3A_355 = arith.constant 32 : i32
      %add3A_356 = vector.broadcast %add3A_355 : i32 to vector<16xi32>
      %add3A_357 = arith.addi %iota3A, %add3A_356 : vector<16xi32>
      %lt3A_358 = arith.constant 162 : i32
      %lt3A_359 = vector.broadcast %lt3A_358 : i32 to vector<16xi32>
      %lt3A_360 = arith.cmpi slt, %get3A_354, %lt3A_359 : vector<16xi32>
      tpu.vector_store_idx %arg16[%get3A_354, %iota3A], %broadcast_in_dim3A_9 masked %lt3A_360 {add = true} : memref<168x16xf32, #tpu.memory_space<vmem>>[vector<16xi32>, vector<16xi32>], vector<16xf32>, vector<16xi1>
      %get3A_361 = arith.constant 48 : index
      %get3A_362 = tpu.vector_load %arg10[%get3A_361] {strides = array<i32>} : memref<64xi32, #tpu.memory_space<vmem>>, vector<16xi32>,
      %add3A_363 = arith.constant 48 : i32
      %add3A_364 = vector.broadcast %add3A_363 : i32 to vector<16xi32>
      %add3A_365 = arith.addi %iota3A, %add3A_364 : vector<16xi32>
      %lt3A_366 = arith.constant 162 : i32
      %lt3A_367 = vector.broadcast %lt3A_366 : i32 to vector<16xi32>
      %lt3A_368 = arith.cmpi slt, %get3A_362, %lt3A_367 : vector<16xi32>
      tpu.vector_store_idx %arg16[%get3A_362, %iota3A], %broadcast_in_dim3A_9 masked %lt3A_368 {add = true} : memref<168x16xf32, #tpu.memory_space<vmem>>[vector<16xi32>, vector<16xi32>], vector<16xf32>, vector<16xi1>
      %scan3A_369 = arith.constant 0 : i32
      %scan3A_370 = arith.constant 0 : i32
      %scan3A_371 = arith.constant 16 : i32
      %scan3A_372 = arith.addi %scan3A_370, %scan3A_371 : i32
      %scan3A_373 = arith.constant 1 : i32
      %scan3A_374 = scf.for %scan3A_419 = %scan3A_370 to %scan3A_372 step %scan3A_373 iter_args(%scan3A_420 = %scan3A_369) -> (i32)  : i32 {
        %get3A_421 = arith.index_cast %scan3A_419 : i32 to index
        %get3A_422 = arith.constant 0 : index
        %get3A_423 = tpu.vector_load %arg17[%get3A_421, %get3A_422] {strides = array<i32>} : memref<16x16xi32, #tpu.memory_space<vmem>>, vector<16xi32>,
        %add3A_424 = arith.constant 0 : i32
        %add3A_425 = vector.broadcast %add3A_424 : i32 to vector<16xi32>
        %add3A_426 = arith.addi %get3A_423, %add3A_425 : vector<16xi32>
        %add3A_427 = arith.constant 16 : i32
        %add3A_428 = vector.broadcast %add3A_427 : i32 to vector<16xi32>
        %add3A_429 = arith.addi %get3A_423, %add3A_428 : vector<16xi32>
        %gather3A = tpu.vector_load_idx %arg12[%add3A_342, %add3A_426] : memref<64x256xf32, #tpu.memory_space<vmem>>[vector<16xi32>, vector<16xi32>], vector<16xf32>,
        %gather3A_430 = tpu.vector_load_idx %arg12[%add3A_349, %add3A_426] : memref<64x256xf32, #tpu.memory_space<vmem>>[vector<16xi32>, vector<16xi32>], vector<16xf32>,
        %gather3A_431 = tpu.vector_load_idx %arg12[%add3A_357, %add3A_426] : memref<64x256xf32, #tpu.memory_space<vmem>>[vector<16xi32>, vector<16xi32>], vector<16xf32>,
        %gather3A_432 = tpu.vector_load_idx %arg12[%add3A_365, %add3A_426] : memref<64x256xf32, #tpu.memory_space<vmem>>[vector<16xi32>, vector<16xi32>], vector<16xf32>,
        %gather3A_433 = tpu.vector_load_idx %arg12[%add3A_342, %add3A_429] : memref<64x256xf32, #tpu.memory_space<vmem>>[vector<16xi32>, vector<16xi32>], vector<16xf32>,
        %gather3A_434 = tpu.vector_load_idx %arg12[%add3A_349, %add3A_429] : memref<64x256xf32, #tpu.memory_space<vmem>>[vector<16xi32>, vector<16xi32>], vector<16xf32>,
        %gather3A_435 = tpu.vector_load_idx %arg12[%add3A_357, %add3A_429] : memref<64x256xf32, #tpu.memory_space<vmem>>[vector<16xi32>, vector<16xi32>], vector<16xf32>,
        %gather3A_436 = tpu.vector_load_idx %arg12[%add3A_365, %add3A_429] : memref<64x256xf32, #tpu.memory_space<vmem>>[vector<16xi32>, vector<16xi32>], vector<16xf32>,
        tpu.vector_store_idx %arg15[%get3A_339, %add3A_426], %gather3A masked %lt3A_344 {add = true} : memref<168x256xf32, #tpu.memory_space<vmem>>[vector<16xi32>, vector<16xi32>], vector<16xf32>, vector<16xi1>
        tpu.vector_store_idx %arg15[%get3A_346, %add3A_426], %gather3A_430 masked %lt3A_352 {add = true} : memref<168x256xf32, #tpu.memory_space<vmem>>[vector<16xi32>, vector<16xi32>], vector<16xf32>, vector<16xi1>
        tpu.vector_store_idx %arg15[%get3A_354, %add3A_426], %gather3A_431 masked %lt3A_360 {add = true} : memref<168x256xf32, #tpu.memory_space<vmem>>[vector<16xi32>, vector<16xi32>], vector<16xf32>, vector<16xi1>
        tpu.vector_store_idx %arg15[%get3A_362, %add3A_426], %gather3A_432 masked %lt3A_368 {add = true} : memref<168x256xf32, #tpu.memory_space<vmem>>[vector<16xi32>, vector<16xi32>], vector<16xf32>, vector<16xi1>
        tpu.vector_store_idx %arg15[%get3A_339, %add3A_429], %gather3A_433 masked %lt3A_344 {add = true} : memref<168x256xf32, #tpu.memory_space<vmem>>[vector<16xi32>, vector<16xi32>], vector<16xf32>, vector<16xi1>
        tpu.vector_store_idx %arg15[%get3A_346, %add3A_429], %gather3A_434 masked %lt3A_352 {add = true} : memref<168x256xf32, #tpu.memory_space<vmem>>[vector<16xi32>, vector<16xi32>], vector<16xf32>, vector<16xi1>
        tpu.vector_store_idx %arg15[%get3A_354, %add3A_429], %gather3A_435 masked %lt3A_360 {add = true} : memref<168x256xf32, #tpu.memory_space<vmem>>[vector<16xi32>, vector<16xi32>], vector<16xf32>, vector<16xi1>
        tpu.vector_store_idx %arg15[%get3A_362, %add3A_429], %gather3A_436 masked %lt3A_368 {add = true} : memref<168x256xf32, #tpu.memory_space<vmem>>[vector<16xi32>, vector<16xi32>], vector<16xf32>, vector<16xi1>
        %add3A_437 = arith.constant 32 : i32
        %add3A_438 = vector.broadcast %add3A_437 : i32 to vector<16xi32>
        %add3A_439 = arith.addi %get3A_423, %add3A_438 : vector<16xi32>
        %add3A_440 = arith.constant 48 : i32
        %add3A_441 = vector.broadcast %add3A_440 : i32 to vector<16xi32>
        %add3A_442 = arith.addi %get3A_423, %add3A_441 : vector<16xi32>
        %gather3A_443 = tpu.vector_load_idx %arg12[%add3A_342, %add3A_439] : memref<64x256xf32, #tpu.memory_space<vmem>>[vector<16xi32>, vector<16xi32>], vector<16xf32>,
        %gather3A_444 = tpu.vector_load_idx %arg12[%add3A_349, %add3A_439] : memref<64x256xf32, #tpu.memory_space<vmem>>[vector<16xi32>, vector<16xi32>], vector<16xf32>,
        %gather3A_445 = tpu.vector_load_idx %arg12[%add3A_357, %add3A_439] : memref<64x256xf32, #tpu.memory_space<vmem>>[vector<16xi32>, vector<16xi32>], vector<16xf32>,
        %gather3A_446 = tpu.vector_load_idx %arg12[%add3A_365, %add3A_439] : memref<64x256xf32, #tpu.memory_space<vmem>>[vector<16xi32>, vector<16xi32>], vector<16xf32>,
        %gather3A_447 = tpu.vector_load_idx %arg12[%add3A_342, %add3A_442] : memref<64x256xf32, #tpu.memory_space<vmem>>[vector<16xi32>, vector<16xi32>], vector<16xf32>,
        %gather3A_448 = tpu.vector_load_idx %arg12[%add3A_349, %add3A_442] : memref<64x256xf32, #tpu.memory_space<vmem>>[vector<16xi32>, vector<16xi32>], vector<16xf32>,
        %gather3A_449 = tpu.vector_load_idx %arg12[%add3A_357, %add3A_442] : memref<64x256xf32, #tpu.memory_space<vmem>>[vector<16xi32>, vector<16xi32>], vector<16xf32>,
        %gather3A_450 = tpu.vector_load_idx %arg12[%add3A_365, %add3A_442] : memref<64x256xf32, #tpu.memory_space<vmem>>[vector<16xi32>, vector<16xi32>], vector<16xf32>,
        tpu.vector_store_idx %arg15[%get3A_339, %add3A_439], %gather3A_443 masked %lt3A_344 {add = true} : memref<168x256xf32, #tpu.memory_space<vmem>>[vector<16xi32>, vector<16xi32>], vector<16xf32>, vector<16xi1>
        tpu.vector_store_idx %arg15[%get3A_346, %add3A_439], %gather3A_444 masked %lt3A_352 {add = true} : memref<168x256xf32, #tpu.memory_space<vmem>>[vector<16xi32>, vector<16xi32>], vector<16xf32>, vector<16xi1>
        tpu.vector_store_idx %arg15[%get3A_354, %add3A_439], %gather3A_445 masked %lt3A_360 {add = true} : memref<168x256xf32, #tpu.memory_space<vmem>>[vector<16xi32>, vector<16xi32>], vector<16xf32>, vector<16xi1>
        tpu.vector_store_idx %arg15[%get3A_362, %add3A_439], %gather3A_446 masked %lt3A_368 {add = true} : memref<168x256xf32, #tpu.memory_space<vmem>>[vector<16xi32>, vector<16xi32>], vector<16xf32>, vector<16xi1>
        tpu.vector_store_idx %arg15[%get3A_339, %add3A_442], %gather3A_447 masked %lt3A_344 {add = true} : memref<168x256xf32, #tpu.memory_space<vmem>>[vector<16xi32>, vector<16xi32>], vector<16xf32>, vector<16xi1>
        tpu.vector_store_idx %arg15[%get3A_346, %add3A_442], %gather3A_448 masked %lt3A_352 {add = true} : memref<168x256xf32, #tpu.memory_space<vmem>>[vector<16xi32>, vector<16xi32>], vector<16xf32>, vector<16xi1>
        tpu.vector_store_idx %arg15[%get3A_354, %add3A_442], %gather3A_449 masked %lt3A_360 {add = true} : memref<168x256xf32, #tpu.memory_space<vmem>>[vector<16xi32>, vector<16xi32>], vector<16xf32>, vector<16xi1>
        tpu.vector_store_idx %arg15[%get3A_362, %add3A_442], %gather3A_450 masked %lt3A_368 {add = true} : memref<168x256xf32, #tpu.memory_space<vmem>>[vector<16xi32>, vector<16xi32>], vector<16xf32>, vector<16xi1>
        %add3A_451 = arith.constant 64 : i32
        %add3A_452 = vector.broadcast %add3A_451 : i32 to vector<16xi32>
        %add3A_453 = arith.addi %get3A_423, %add3A_452 : vector<16xi32>
        %add3A_454 = arith.constant 80 : i32
        %add3A_455 = vector.broadcast %add3A_454 : i32 to vector<16xi32>
        %add3A_456 = arith.addi %get3A_423, %add3A_455 : vector<16xi32>
        %gather3A_457 = tpu.vector_load_idx %arg12[%add3A_342, %add3A_453] : memref<64x256xf32, #tpu.memory_space<vmem>>[vector<16xi32>, vector<16xi32>], vector<16xf32>,
        %gather3A_458 = tpu.vector_load_idx %arg12[%add3A_349, %add3A_453] : memref<64x256xf32, #tpu.memory_space<vmem>>[vector<16xi32>, vector<16xi32>], vector<16xf32>,
        %gather3A_459 = tpu.vector_load_idx %arg12[%add3A_357, %add3A_453] : memref<64x256xf32, #tpu.memory_space<vmem>>[vector<16xi32>, vector<16xi32>], vector<16xf32>,
        %gather3A_460 = tpu.vector_load_idx %arg12[%add3A_365, %add3A_453] : memref<64x256xf32, #tpu.memory_space<vmem>>[vector<16xi32>, vector<16xi32>], vector<16xf32>,
        %gather3A_461 = tpu.vector_load_idx %arg12[%add3A_342, %add3A_456] : memref<64x256xf32, #tpu.memory_space<vmem>>[vector<16xi32>, vector<16xi32>], vector<16xf32>,
        %gather3A_462 = tpu.vector_load_idx %arg12[%add3A_349, %add3A_456] : memref<64x256xf32, #tpu.memory_space<vmem>>[vector<16xi32>, vector<16xi32>], vector<16xf32>,
        %gather3A_463 = tpu.vector_load_idx %arg12[%add3A_357, %add3A_456] : memref<64x256xf32, #tpu.memory_space<vmem>>[vector<16xi32>, vector<16xi32>], vector<16xf32>,
        %gather3A_464 = tpu.vector_load_idx %arg12[%add3A_365, %add3A_456] : memref<64x256xf32, #tpu.memory_space<vmem>>[vector<16xi32>, vector<16xi32>], vector<16xf32>,
        tpu.vector_store_idx %arg15[%get3A_339, %add3A_453], %gather3A_457 masked %lt3A_344 {add = true} : memref<168x256xf32, #tpu.memory_space<vmem>>[vector<16xi32>, vector<16xi32>], vector<16xf32>, vector<16xi1>
        tpu.vector_store_idx %arg15[%get3A_346, %add3A_453], %gather3A_458 masked %lt3A_352 {add = true} : memref<168x256xf32, #tpu.memory_space<vmem>>[vector<16xi32>, vector<16xi32>], vector<16xf32>, vector<16xi1>
        tpu.vector_store_idx %arg15[%get3A_354, %add3A_453], %gather3A_459 masked %lt3A_360 {add = true} : memref<168x256xf32, #tpu.memory_space<vmem>>[vector<16xi32>, vector<16xi32>], vector<16xf32>, vector<16xi1>
        tpu.vector_store_idx %arg15[%get3A_362, %add3A_453], %gather3A_460 masked %lt3A_368 {add = true} : memref<168x256xf32, #tpu.memory_space<vmem>>[vector<16xi32>, vector<16xi32>], vector<16xf32>, vector<16xi1>
        tpu.vector_store_idx %arg15[%get3A_339, %add3A_456], %gather3A_461 masked %lt3A_344 {add = true} : memref<168x256xf32, #tpu.memory_space<vmem>>[vector<16xi32>, vector<16xi32>], vector<16xf32>, vector<16xi1>
        tpu.vector_store_idx %arg15[%get3A_346, %add3A_456], %gather3A_462 masked %lt3A_352 {add = true} : memref<168x256xf32, #tpu.memory_space<vmem>>[vector<16xi32>, vector<16xi32>], vector<16xf32>, vector<16xi1>
        tpu.vector_store_idx %arg15[%get3A_354, %add3A_456], %gather3A_463 masked %lt3A_360 {add = true} : memref<168x256xf32, #tpu.memory_space<vmem>>[vector<16xi32>, vector<16xi32>], vector<16xf32>, vector<16xi1>
        tpu.vector_store_idx %arg15[%get3A_362, %add3A_456], %gather3A_464 masked %lt3A_368 {add = true} : memref<168x256xf32, #tpu.memory_space<vmem>>[vector<16xi32>, vector<16xi32>], vector<16xf32>, vector<16xi1>
        %add3A_465 = arith.constant 96 : i32
        %add3A_466 = vector.broadcast %add3A_465 : i32 to vector<16xi32>
        %add3A_467 = arith.addi %get3A_423, %add3A_466 : vector<16xi32>
        %add3A_468 = arith.constant 112 : i32
        %add3A_469 = vector.broadcast %add3A_468 : i32 to vector<16xi32>
        %add3A_470 = arith.addi %get3A_423, %add3A_469 : vector<16xi32>
        %gather3A_471 = tpu.vector_load_idx %arg12[%add3A_342, %add3A_467] : memref<64x256xf32, #tpu.memory_space<vmem>>[vector<16xi32>, vector<16xi32>], vector<16xf32>,
        %gather3A_472 = tpu.vector_load_idx %arg12[%add3A_349, %add3A_467] : memref<64x256xf32, #tpu.memory_space<vmem>>[vector<16xi32>, vector<16xi32>], vector<16xf32>,
        %gather3A_473 = tpu.vector_load_idx %arg12[%add3A_357, %add3A_467] : memref<64x256xf32, #tpu.memory_space<vmem>>[vector<16xi32>, vector<16xi32>], vector<16xf32>,
        %gather3A_474 = tpu.vector_load_idx %arg12[%add3A_365, %add3A_467] : memref<64x256xf32, #tpu.memory_space<vmem>>[vector<16xi32>, vector<16xi32>], vector<16xf32>,
        %gather3A_475 = tpu.vector_load_idx %arg12[%add3A_342, %add3A_470] : memref<64x256xf32, #tpu.memory_space<vmem>>[vector<16xi32>, vector<16xi32>], vector<16xf32>,
        %gather3A_476 = tpu.vector_load_idx %arg12[%add3A_349, %add3A_470] : memref<64x256xf32, #tpu.memory_space<vmem>>[vector<16xi32>, vector<16xi32>], vector<16xf32>,
        %gather3A_477 = tpu.vector_load_idx %arg12[%add3A_357, %add3A_470] : memref<64x256xf32, #tpu.memory_space<vmem>>[vector<16xi32>, vector<16xi32>], vector<16xf32>,
        %gather3A_478 = tpu.vector_load_idx %arg12[%add3A_365, %add3A_470] : memref<64x256xf32, #tpu.memory_space<vmem>>[vector<16xi32>, vector<16xi32>], vector<16xf32>,
        tpu.vector_store_idx %arg15[%get3A_339, %add3A_467], %gather3A_471 masked %lt3A_344 {add = true} : memref<168x256xf32, #tpu.memory_space<vmem>>[vector<16xi32>, vector<16xi32>], vector<16xf32>, vector<16xi1>
        tpu.vector_store_idx %arg15[%get3A_346, %add3A_467], %gather3A_472 masked %lt3A_352 {add = true} : memref<168x256xf32, #tpu.memory_space<vmem>>[vector<16xi32>, vector<16xi32>], vector<16xf32>, vector<16xi1>
        tpu.vector_store_idx %arg15[%get3A_354, %add3A_467], %gather3A_473 masked %lt3A_360 {add = true} : memref<168x256xf32, #tpu.memory_space<vmem>>[vector<16xi32>, vector<16xi32>], vector<16xf32>, vector<16xi1>
        tpu.vector_store_idx %arg15[%get3A_362, %add3A_467], %gather3A_474 masked %lt3A_368 {add = true} : memref<168x256xf32, #tpu.memory_space<vmem>>[vector<16xi32>, vector<16xi32>], vector<16xf32>, vector<16xi1>
        tpu.vector_store_idx %arg15[%get3A_339, %add3A_470], %gather3A_475 masked %lt3A_344 {add = true} : memref<168x256xf32, #tpu.memory_space<vmem>>[vector<16xi32>, vector<16xi32>], vector<16xf32>, vector<16xi1>
        tpu.vector_store_idx %arg15[%get3A_346, %add3A_470], %gather3A_476 masked %lt3A_352 {add = true} : memref<168x256xf32, #tpu.memory_space<vmem>>[vector<16xi32>, vector<16xi32>], vector<16xf32>, vector<16xi1>
        tpu.vector_store_idx %arg15[%get3A_354, %add3A_470], %gather3A_477 masked %lt3A_360 {add = true} : memref<168x256xf32, #tpu.memory_space<vmem>>[vector<16xi32>, vector<16xi32>], vector<16xf32>, vector<16xi1>
        tpu.vector_store_idx %arg15[%get3A_362, %add3A_470], %gather3A_478 masked %lt3A_368 {add = true} : memref<168x256xf32, #tpu.memory_space<vmem>>[vector<16xi32>, vector<16xi32>], vector<16xf32>, vector<16xi1>
        %add3A_479 = arith.constant 128 : i32
        %add3A_480 = vector.broadcast %add3A_479 : i32 to vector<16xi32>
        %add3A_481 = arith.addi %get3A_423, %add3A_480 : vector<16xi32>
        %add3A_482 = arith.constant 144 : i32
        %add3A_483 = vector.broadcast %add3A_482 : i32 to vector<16xi32>
        %add3A_484 = arith.addi %get3A_423, %add3A_483 : vector<16xi32>
        %gather3A_485 = tpu.vector_load_idx %arg12[%add3A_342, %add3A_481] : memref<64x256xf32, #tpu.memory_space<vmem>>[vector<16xi32>, vector<16xi32>], vector<16xf32>,
        %gather3A_486 = tpu.vector_load_idx %arg12[%add3A_349, %add3A_481] : memref<64x256xf32, #tpu.memory_space<vmem>>[vector<16xi32>, vector<16xi32>], vector<16xf32>,
        %gather3A_487 = tpu.vector_load_idx %arg12[%add3A_357, %add3A_481] : memref<64x256xf32, #tpu.memory_space<vmem>>[vector<16xi32>, vector<16xi32>], vector<16xf32>,
        %gather3A_488 = tpu.vector_load_idx %arg12[%add3A_365, %add3A_481] : memref<64x256xf32, #tpu.memory_space<vmem>>[vector<16xi32>, vector<16xi32>], vector<16xf32>,
        %gather3A_489 = tpu.vector_load_idx %arg12[%add3A_342, %add3A_484] : memref<64x256xf32, #tpu.memory_space<vmem>>[vector<16xi32>, vector<16xi32>], vector<16xf32>,
        %gather3A_490 = tpu.vector_load_idx %arg12[%add3A_349, %add3A_484] : memref<64x256xf32, #tpu.memory_space<vmem>>[vector<16xi32>, vector<16xi32>], vector<16xf32>,
        %gather3A_491 = tpu.vector_load_idx %arg12[%add3A_357, %add3A_484] : memref<64x256xf32, #tpu.memory_space<vmem>>[vector<16xi32>, vector<16xi32>], vector<16xf32>,
        %gather3A_492 = tpu.vector_load_idx %arg12[%add3A_365, %add3A_484] : memref<64x256xf32, #tpu.memory_space<vmem>>[vector<16xi32>, vector<16xi32>], vector<16xf32>,
        tpu.vector_store_idx %arg15[%get3A_339, %add3A_481], %gather3A_485 masked %lt3A_344 {add = true} : memref<168x256xf32, #tpu.memory_space<vmem>>[vector<16xi32>, vector<16xi32>], vector<16xf32>, vector<16xi1>
        tpu.vector_store_idx %arg15[%get3A_346, %add3A_481], %gather3A_486 masked %lt3A_352 {add = true} : memref<168x256xf32, #tpu.memory_space<vmem>>[vector<16xi32>, vector<16xi32>], vector<16xf32>, vector<16xi1>
        tpu.vector_store_idx %arg15[%get3A_354, %add3A_481], %gather3A_487 masked %lt3A_360 {add = true} : memref<168x256xf32, #tpu.memory_space<vmem>>[vector<16xi32>, vector<16xi32>], vector<16xf32>, vector<16xi1>
        tpu.vector_store_idx %arg15[%get3A_362, %add3A_481], %gather3A_488 masked %lt3A_368 {add = true} : memref<168x256xf32, #tpu.memory_space<vmem>>[vector<16xi32>, vector<16xi32>], vector<16xf32>, vector<16xi1>
        tpu.vector_store_idx %arg15[%get3A_339, %add3A_484], %gather3A_489 masked %lt3A_344 {add = true} : memref<168x256xf32, #tpu.memory_space<vmem>>[vector<16xi32>, vector<16xi32>], vector<16xf32>, vector<16xi1>
        tpu.vector_store_idx %arg15[%get3A_346, %add3A_484], %gather3A_490 masked %lt3A_352 {add = true} : memref<168x256xf32, #tpu.memory_space<vmem>>[vector<16xi32>, vector<16xi32>], vector<16xf32>, vector<16xi1>
        tpu.vector_store_idx %arg15[%get3A_354, %add3A_484], %gather3A_491 masked %lt3A_360 {add = true} : memref<168x256xf32, #tpu.memory_space<vmem>>[vector<16xi32>, vector<16xi32>], vector<16xf32>, vector<16xi1>
        tpu.vector_store_idx %arg15[%get3A_362, %add3A_484], %gather3A_492 masked %lt3A_368 {add = true} : memref<168x256xf32, #tpu.memory_space<vmem>>[vector<16xi32>, vector<16xi32>], vector<16xf32>, vector<16xi1>
        %add3A_493 = arith.constant 160 : i32
        %add3A_494 = vector.broadcast %add3A_493 : i32 to vector<16xi32>
        %add3A_495 = arith.addi %get3A_423, %add3A_494 : vector<16xi32>
        %add3A_496 = arith.constant 176 : i32
        %add3A_497 = vector.broadcast %add3A_496 : i32 to vector<16xi32>
        %add3A_498 = arith.addi %get3A_423, %add3A_497 : vector<16xi32>
        %gather3A_499 = tpu.vector_load_idx %arg12[%add3A_342, %add3A_495] : memref<64x256xf32, #tpu.memory_space<vmem>>[vector<16xi32>, vector<16xi32>], vector<16xf32>,
        %gather3A_500 = tpu.vector_load_idx %arg12[%add3A_349, %add3A_495] : memref<64x256xf32, #tpu.memory_space<vmem>>[vector<16xi32>, vector<16xi32>], vector<16xf32>,
        %gather3A_501 = tpu.vector_load_idx %arg12[%add3A_357, %add3A_495] : memref<64x256xf32, #tpu.memory_space<vmem>>[vector<16xi32>, vector<16xi32>], vector<16xf32>,
        %gather3A_502 = tpu.vector_load_idx %arg12[%add3A_365, %add3A_495] : memref<64x256xf32, #tpu.memory_space<vmem>>[vector<16xi32>, vector<16xi32>], vector<16xf32>,
        %gather3A_503 = tpu.vector_load_idx %arg12[%add3A_342, %add3A_498] : memref<64x256xf32, #tpu.memory_space<vmem>>[vector<16xi32>, vector<16xi32>], vector<16xf32>,
        %gather3A_504 = tpu.vector_load_idx %arg12[%add3A_349, %add3A_498] : memref<64x256xf32, #tpu.memory_space<vmem>>[vector<16xi32>, vector<16xi32>], vector<16xf32>,
        %gather3A_505 = tpu.vector_load_idx %arg12[%add3A_357, %add3A_498] : memref<64x256xf32, #tpu.memory_space<vmem>>[vector<16xi32>, vector<16xi32>], vector<16xf32>,
        %gather3A_506 = tpu.vector_load_idx %arg12[%add3A_365, %add3A_498] : memref<64x256xf32, #tpu.memory_space<vmem>>[vector<16xi32>, vector<16xi32>], vector<16xf32>,
        tpu.vector_store_idx %arg15[%get3A_339, %add3A_495], %gather3A_499 masked %lt3A_344 {add = true} : memref<168x256xf32, #tpu.memory_space<vmem>>[vector<16xi32>, vector<16xi32>], vector<16xf32>, vector<16xi1>
        tpu.vector_store_idx %arg15[%get3A_346, %add3A_495], %gather3A_500 masked %lt3A_352 {add = true} : memref<168x256xf32, #tpu.memory_space<vmem>>[vector<16xi32>, vector<16xi32>], vector<16xf32>, vector<16xi1>
        tpu.vector_store_idx %arg15[%get3A_354, %add3A_495], %gather3A_501 masked %lt3A_360 {add = true} : memref<168x256xf32, #tpu.memory_space<vmem>>[vector<16xi32>, vector<16xi32>], vector<16xf32>, vector<16xi1>
        tpu.vector_store_idx %arg15[%get3A_362, %add3A_495], %gather3A_502 masked %lt3A_368 {add = true} : memref<168x256xf32, #tpu.memory_space<vmem>>[vector<16xi32>, vector<16xi32>], vector<16xf32>, vector<16xi1>
        tpu.vector_store_idx %arg15[%get3A_339, %add3A_498], %gather3A_503 masked %lt3A_344 {add = true} : memref<168x256xf32, #tpu.memory_space<vmem>>[vector<16xi32>, vector<16xi32>], vector<16xf32>, vector<16xi1>
        tpu.vector_store_idx %arg15[%get3A_346, %add3A_498], %gather3A_504 masked %lt3A_352 {add = true} : memref<168x256xf32, #tpu.memory_space<vmem>>[vector<16xi32>, vector<16xi32>], vector<16xf32>, vector<16xi1>
        tpu.vector_store_idx %arg15[%get3A_354, %add3A_498], %gather3A_505 masked %lt3A_360 {add = true} : memref<168x256xf32, #tpu.memory_space<vmem>>[vector<16xi32>, vector<16xi32>], vector<16xf32>, vector<16xi1>
        tpu.vector_store_idx %arg15[%get3A_362, %add3A_498], %gather3A_506 masked %lt3A_368 {add = true} : memref<168x256xf32, #tpu.memory_space<vmem>>[vector<16xi32>, vector<16xi32>], vector<16xf32>, vector<16xi1>
        %add3A_507 = arith.constant 192 : i32
        %add3A_508 = vector.broadcast %add3A_507 : i32 to vector<16xi32>
        %add3A_509 = arith.addi %get3A_423, %add3A_508 : vector<16xi32>
        %add3A_510 = arith.constant 208 : i32
        %add3A_511 = vector.broadcast %add3A_510 : i32 to vector<16xi32>
        %add3A_512 = arith.addi %get3A_423, %add3A_511 : vector<16xi32>
        %gather3A_513 = tpu.vector_load_idx %arg12[%add3A_342, %add3A_509] : memref<64x256xf32, #tpu.memory_space<vmem>>[vector<16xi32>, vector<16xi32>], vector<16xf32>,
        %gather3A_514 = tpu.vector_load_idx %arg12[%add3A_349, %add3A_509] : memref<64x256xf32, #tpu.memory_space<vmem>>[vector<16xi32>, vector<16xi32>], vector<16xf32>,
        %gather3A_515 = tpu.vector_load_idx %arg12[%add3A_357, %add3A_509] : memref<64x256xf32, #tpu.memory_space<vmem>>[vector<16xi32>, vector<16xi32>], vector<16xf32>,
        %gather3A_516 = tpu.vector_load_idx %arg12[%add3A_365, %add3A_509] : memref<64x256xf32, #tpu.memory_space<vmem>>[vector<16xi32>, vector<16xi32>], vector<16xf32>,
        %gather3A_517 = tpu.vector_load_idx %arg12[%add3A_342, %add3A_512] : memref<64x256xf32, #tpu.memory_space<vmem>>[vector<16xi32>, vector<16xi32>], vector<16xf32>,
        %gather3A_518 = tpu.vector_load_idx %arg12[%add3A_349, %add3A_512] : memref<64x256xf32, #tpu.memory_space<vmem>>[vector<16xi32>, vector<16xi32>], vector<16xf32>,
        %gather3A_519 = tpu.vector_load_idx %arg12[%add3A_357, %add3A_512] : memref<64x256xf32, #tpu.memory_space<vmem>>[vector<16xi32>, vector<16xi32>], vector<16xf32>,
        %gather3A_520 = tpu.vector_load_idx %arg12[%add3A_365, %add3A_512] : memref<64x256xf32, #tpu.memory_space<vmem>>[vector<16xi32>, vector<16xi32>], vector<16xf32>,
        tpu.vector_store_idx %arg15[%get3A_339, %add3A_509], %gather3A_513 masked %lt3A_344 {add = true} : memref<168x256xf32, #tpu.memory_space<vmem>>[vector<16xi32>, vector<16xi32>], vector<16xf32>, vector<16xi1>
        tpu.vector_store_idx %arg15[%get3A_346, %add3A_509], %gather3A_514 masked %lt3A_352 {add = true} : memref<168x256xf32, #tpu.memory_space<vmem>>[vector<16xi32>, vector<16xi32>], vector<16xf32>, vector<16xi1>
        tpu.vector_store_idx %arg15[%get3A_354, %add3A_509], %gather3A_515 masked %lt3A_360 {add = true} : memref<168x256xf32, #tpu.memory_space<vmem>>[vector<16xi32>, vector<16xi32>], vector<16xf32>, vector<16xi1>
        tpu.vector_store_idx %arg15[%get3A_362, %add3A_509], %gather3A_516 masked %lt3A_368 {add = true} : memref<168x256xf32, #tpu.memory_space<vmem>>[vector<16xi32>, vector<16xi32>], vector<16xf32>, vector<16xi1>
        tpu.vector_store_idx %arg15[%get3A_339, %add3A_512], %gather3A_517 masked %lt3A_344 {add = true} : memref<168x256xf32, #tpu.memory_space<vmem>>[vector<16xi32>, vector<16xi32>], vector<16xf32>, vector<16xi1>
        tpu.vector_store_idx %arg15[%get3A_346, %add3A_512], %gather3A_518 masked %lt3A_352 {add = true} : memref<168x256xf32, #tpu.memory_space<vmem>>[vector<16xi32>, vector<16xi32>], vector<16xf32>, vector<16xi1>
        tpu.vector_store_idx %arg15[%get3A_354, %add3A_512], %gather3A_519 masked %lt3A_360 {add = true} : memref<168x256xf32, #tpu.memory_space<vmem>>[vector<16xi32>, vector<16xi32>], vector<16xf32>, vector<16xi1>
        tpu.vector_store_idx %arg15[%get3A_362, %add3A_512], %gather3A_520 masked %lt3A_368 {add = true} : memref<168x256xf32, #tpu.memory_space<vmem>>[vector<16xi32>, vector<16xi32>], vector<16xf32>, vector<16xi1>
        %add3A_521 = arith.constant 224 : i32
        %add3A_522 = vector.broadcast %add3A_521 : i32 to vector<16xi32>
        %add3A_523 = arith.addi %get3A_423, %add3A_522 : vector<16xi32>
        %add3A_524 = arith.constant 240 : i32
        %add3A_525 = vector.broadcast %add3A_524 : i32 to vector<16xi32>
        %add3A_526 = arith.addi %get3A_423, %add3A_525 : vector<16xi32>
        %gather3A_527 = tpu.vector_load_idx %arg12[%add3A_342, %add3A_523] : memref<64x256xf32, #tpu.memory_space<vmem>>[vector<16xi32>, vector<16xi32>], vector<16xf32>,
        %gather3A_528 = tpu.vector_load_idx %arg12[%add3A_349, %add3A_523] : memref<64x256xf32, #tpu.memory_space<vmem>>[vector<16xi32>, vector<16xi32>], vector<16xf32>,
        %gather3A_529 = tpu.vector_load_idx %arg12[%add3A_357, %add3A_523] : memref<64x256xf32, #tpu.memory_space<vmem>>[vector<16xi32>, vector<16xi32>], vector<16xf32>,
        %gather3A_530 = tpu.vector_load_idx %arg12[%add3A_365, %add3A_523] : memref<64x256xf32, #tpu.memory_space<vmem>>[vector<16xi32>, vector<16xi32>], vector<16xf32>,
        %gather3A_531 = tpu.vector_load_idx %arg12[%add3A_342, %add3A_526] : memref<64x256xf32, #tpu.memory_space<vmem>>[vector<16xi32>, vector<16xi32>], vector<16xf32>,
        %gather3A_532 = tpu.vector_load_idx %arg12[%add3A_349, %add3A_526] : memref<64x256xf32, #tpu.memory_space<vmem>>[vector<16xi32>, vector<16xi32>], vector<16xf32>,
        %gather3A_533 = tpu.vector_load_idx %arg12[%add3A_357, %add3A_526] : memref<64x256xf32, #tpu.memory_space<vmem>>[vector<16xi32>, vector<16xi32>], vector<16xf32>,
        %gather3A_534 = tpu.vector_load_idx %arg12[%add3A_365, %add3A_526] : memref<64x256xf32, #tpu.memory_space<vmem>>[vector<16xi32>, vector<16xi32>], vector<16xf32>,
        tpu.vector_store_idx %arg15[%get3A_339, %add3A_523], %gather3A_527 masked %lt3A_344 {add = true} : memref<168x256xf32, #tpu.memory_space<vmem>>[vector<16xi32>, vector<16xi32>], vector<16xf32>, vector<16xi1>
        tpu.vector_store_idx %arg15[%get3A_346, %add3A_523], %gather3A_528 masked %lt3A_352 {add = true} : memref<168x256xf32, #tpu.memory_space<vmem>>[vector<16xi32>, vector<16xi32>], vector<16xf32>, vector<16xi1>
        tpu.vector_store_idx %arg15[%get3A_354, %add3A_523], %gather3A_529 masked %lt3A_360 {add = true} : memref<168x256xf32, #tpu.memory_space<vmem>>[vector<16xi32>, vector<16xi32>], vector<16xf32>, vector<16xi1>
        tpu.vector_store_idx %arg15[%get3A_362, %add3A_523], %gather3A_530 masked %lt3A_368 {add = true} : memref<168x256xf32, #tpu.memory_space<vmem>>[vector<16xi32>, vector<16xi32>], vector<16xf32>, vector<16xi1>
        tpu.vector_store_idx %arg15[%get3A_339, %add3A_526], %gather3A_531 masked %lt3A_344 {add = true} : memref<168x256xf32, #tpu.memory_space<vmem>>[vector<16xi32>, vector<16xi32>], vector<16xf32>, vector<16xi1>
        tpu.vector_store_idx %arg15[%get3A_346, %add3A_526], %gather3A_532 masked %lt3A_352 {add = true} : memref<168x256xf32, #tpu.memory_space<vmem>>[vector<16xi32>, vector<16xi32>], vector<16xf32>, vector<16xi1>
        tpu.vector_store_idx %arg15[%get3A_354, %add3A_526], %gather3A_533 masked %lt3A_360 {add = true} : memref<168x256xf32, #tpu.memory_space<vmem>>[vector<16xi32>, vector<16xi32>], vector<16xf32>, vector<16xi1>
        tpu.vector_store_idx %arg15[%get3A_362, %add3A_526], %gather3A_534 masked %lt3A_368 {add = true} : memref<168x256xf32, #tpu.memory_space<vmem>>[vector<16xi32>, vector<16xi32>], vector<16xf32>, vector<16xi1>
        %scan3A_535 = arith.constant 0 : i32
        scf.yield %scan3A_535 : i32
      }
      %scan3A_375 = arith.constant 16 : i32
      %dma_wait3A_376 = arith.constant 0 : i32
      %dma_wait3A_377 = arith.constant 0 : i32
      %dma_wait3A_378 = tpu.memref_slice %arg2[%dma_wait3A_376, %dma_wait3A_377] : memref<100000x256xf32, #tpu.memory_space<hbm>> -> memref<100000x256xf32, #tpu.memory_space<hbm>>
      tpu.wait_indirect_dma semaphore(%arg19 : memref<!tpu.dma_semaphore, #tpu.memory_space<semaphore_mem>>) src(%dma_wait3A_378 : memref<100000x256xf32, #tpu.memory_space<hbm>>) dst(%arg13 : memref<64x256xf32, #tpu.memory_space<vmem>>)
      %get3A_379 = arith.constant 0 : index
      %get3A_380 = tpu.vector_load %arg11[%get3A_379] {strides = array<i32>} : memref<64xi32, #tpu.memory_space<vmem>>, vector<16xi32>,
      %add3A_381 = arith.constant 0 : i32
      %add3A_382 = vector.broadcast %add3A_381 : i32 to vector<16xi32>
      %add3A_383 = arith.addi %iota3A, %add3A_382 : vector<16xi32>
      %lt3A_384 = arith.constant 162 : i32
      %lt3A_385 = vector.broadcast %lt3A_384 : i32 to vector<16xi32>
      %lt3A_386 = arith.cmpi slt, %get3A_380, %lt3A_385 : vector<16xi32>
      tpu.vector_store_idx %arg16[%get3A_380, %iota3A], %broadcast_in_dim3A_9 masked %lt3A_386 {add = true} : memref<168x16xf32, #tpu.memory_space<vmem>>[vector<16xi32>, vector<16xi32>], vector<16xf32>, vector<16xi1>
      %get3A_387 = arith.constant 16 : index
      %get3A_388 = tpu.vector_load %arg11[%get3A_387] {strides = array<i32>} : memref<64xi32, #tpu.memory_space<vmem>>, vector<16xi32>,
      %add3A_389 = arith.constant 16 : i32
      %add3A_390 = vector.broadcast %add3A_389 : i32 to vector<16xi32>
      %add3A_391 = arith.addi %iota3A, %add3A_390 : vector<16xi32>
      %lt3A_392 = arith.constant 162 : i32
      %lt3A_393 = vector.broadcast %lt3A_392 : i32 to vector<16xi32>
      %lt3A_394 = arith.cmpi slt, %get3A_388, %lt3A_393 : vector<16xi32>
      tpu.vector_store_idx %arg16[%get3A_388, %iota3A], %broadcast_in_dim3A_9 masked %lt3A_394 {add = true} : memref<168x16xf32, #tpu.memory_space<vmem>>[vector<16xi32>, vector<16xi32>], vector<16xf32>, vector<16xi1>
      %get3A_395 = arith.constant 32 : index
      %get3A_396 = tpu.vector_load %arg11[%get3A_395] {strides = array<i32>} : memref<64xi32, #tpu.memory_space<vmem>>, vector<16xi32>,
      %add3A_397 = arith.constant 32 : i32
      %add3A_398 = vector.broadcast %add3A_397 : i32 to vector<16xi32>
      %add3A_399 = arith.addi %iota3A, %add3A_398 : vector<16xi32>
      %lt3A_400 = arith.constant 162 : i32
      %lt3A_401 = vector.broadcast %lt3A_400 : i32 to vector<16xi32>
      %lt3A_402 = arith.cmpi slt, %get3A_396, %lt3A_401 : vector<16xi32>
      tpu.vector_store_idx %arg16[%get3A_396, %iota3A], %broadcast_in_dim3A_9 masked %lt3A_402 {add = true} : memref<168x16xf32, #tpu.memory_space<vmem>>[vector<16xi32>, vector<16xi32>], vector<16xf32>, vector<16xi1>
      %get3A_403 = arith.constant 48 : index
      %get3A_404 = tpu.vector_load %arg11[%get3A_403] {strides = array<i32>} : memref<64xi32, #tpu.memory_space<vmem>>, vector<16xi32>,
      %add3A_405 = arith.constant 48 : i32
      %add3A_406 = vector.broadcast %add3A_405 : i32 to vector<16xi32>
      %add3A_407 = arith.addi %iota3A, %add3A_406 : vector<16xi32>
      %lt3A_408 = arith.constant 162 : i32
      %lt3A_409 = vector.broadcast %lt3A_408 : i32 to vector<16xi32>
      %lt3A_410 = arith.cmpi slt, %get3A_404, %lt3A_409 : vector<16xi32>
      tpu.vector_store_idx %arg16[%get3A_404, %iota3A], %broadcast_in_dim3A_9 masked %lt3A_410 {add = true} : memref<168x16xf32, #tpu.memory_space<vmem>>[vector<16xi32>, vector<16xi32>], vector<16xf32>, vector<16xi1>
      %scan3A_411 = arith.constant 0 : i32
      %scan3A_412 = arith.constant 0 : i32
      %scan3A_413 = arith.constant 16 : i32
      %scan3A_414 = arith.addi %scan3A_412, %scan3A_413 : i32
      %scan3A_415 = arith.constant 1 : i32
      %scan3A_416 = scf.for %scan3A_419 = %scan3A_412 to %scan3A_414 step %scan3A_415 iter_args(%scan3A_420 = %scan3A_411) -> (i32)  : i32 {
        %get3A_421 = arith.index_cast %scan3A_419 : i32 to index
        %get3A_422 = arith.constant 0 : index
        %get3A_423 = tpu.vector_load %arg17[%get3A_421, %get3A_422] {strides = array<i32>} : memref<16x16xi32, #tpu.memory_space<vmem>>, vector<16xi32>,
        %add3A_424 = arith.constant 0 : i32
        %add3A_425 = vector.broadcast %add3A_424 : i32 to vector<16xi32>
        %add3A_426 = arith.addi %get3A_423, %add3A_425 : vector<16xi32>
        %add3A_427 = arith.constant 16 : i32
        %add3A_428 = vector.broadcast %add3A_427 : i32 to vector<16xi32>
        %add3A_429 = arith.addi %get3A_423, %add3A_428 : vector<16xi32>
        %gather3A = tpu.vector_load_idx %arg13[%add3A_383, %add3A_426] : memref<64x256xf32, #tpu.memory_space<vmem>>[vector<16xi32>, vector<16xi32>], vector<16xf32>,
        %gather3A_430 = tpu.vector_load_idx %arg13[%add3A_391, %add3A_426] : memref<64x256xf32, #tpu.memory_space<vmem>>[vector<16xi32>, vector<16xi32>], vector<16xf32>,
        %gather3A_431 = tpu.vector_load_idx %arg13[%add3A_399, %add3A_426] : memref<64x256xf32, #tpu.memory_space<vmem>>[vector<16xi32>, vector<16xi32>], vector<16xf32>,
        %gather3A_432 = tpu.vector_load_idx %arg13[%add3A_407, %add3A_426] : memref<64x256xf32, #tpu.memory_space<vmem>>[vector<16xi32>, vector<16xi32>], vector<16xf32>,
        %gather3A_433 = tpu.vector_load_idx %arg13[%add3A_383, %add3A_429] : memref<64x256xf32, #tpu.memory_space<vmem>>[vector<16xi32>, vector<16xi32>], vector<16xf32>,
        %gather3A_434 = tpu.vector_load_idx %arg13[%add3A_391, %add3A_429] : memref<64x256xf32, #tpu.memory_space<vmem>>[vector<16xi32>, vector<16xi32>], vector<16xf32>,
        %gather3A_435 = tpu.vector_load_idx %arg13[%add3A_399, %add3A_429] : memref<64x256xf32, #tpu.memory_space<vmem>>[vector<16xi32>, vector<16xi32>], vector<16xf32>,
        %gather3A_436 = tpu.vector_load_idx %arg13[%add3A_407, %add3A_429] : memref<64x256xf32, #tpu.memory_space<vmem>>[vector<16xi32>, vector<16xi32>], vector<16xf32>,
        tpu.vector_store_idx %arg15[%get3A_380, %add3A_426], %gather3A masked %lt3A_386 {add = true} : memref<168x256xf32, #tpu.memory_space<vmem>>[vector<16xi32>, vector<16xi32>], vector<16xf32>, vector<16xi1>
        tpu.vector_store_idx %arg15[%get3A_388, %add3A_426], %gather3A_430 masked %lt3A_394 {add = true} : memref<168x256xf32, #tpu.memory_space<vmem>>[vector<16xi32>, vector<16xi32>], vector<16xf32>, vector<16xi1>
        tpu.vector_store_idx %arg15[%get3A_396, %add3A_426], %gather3A_431 masked %lt3A_402 {add = true} : memref<168x256xf32, #tpu.memory_space<vmem>>[vector<16xi32>, vector<16xi32>], vector<16xf32>, vector<16xi1>
        tpu.vector_store_idx %arg15[%get3A_404, %add3A_426], %gather3A_432 masked %lt3A_410 {add = true} : memref<168x256xf32, #tpu.memory_space<vmem>>[vector<16xi32>, vector<16xi32>], vector<16xf32>, vector<16xi1>
        tpu.vector_store_idx %arg15[%get3A_380, %add3A_429], %gather3A_433 masked %lt3A_386 {add = true} : memref<168x256xf32, #tpu.memory_space<vmem>>[vector<16xi32>, vector<16xi32>], vector<16xf32>, vector<16xi1>
        tpu.vector_store_idx %arg15[%get3A_388, %add3A_429], %gather3A_434 masked %lt3A_394 {add = true} : memref<168x256xf32, #tpu.memory_space<vmem>>[vector<16xi32>, vector<16xi32>], vector<16xf32>, vector<16xi1>
        tpu.vector_store_idx %arg15[%get3A_396, %add3A_429], %gather3A_435 masked %lt3A_402 {add = true} : memref<168x256xf32, #tpu.memory_space<vmem>>[vector<16xi32>, vector<16xi32>], vector<16xf32>, vector<16xi1>
        tpu.vector_store_idx %arg15[%get3A_404, %add3A_429], %gather3A_436 masked %lt3A_410 {add = true} : memref<168x256xf32, #tpu.memory_space<vmem>>[vector<16xi32>, vector<16xi32>], vector<16xf32>, vector<16xi1>
        %add3A_437 = arith.constant 32 : i32
        %add3A_438 = vector.broadcast %add3A_437 : i32 to vector<16xi32>
        %add3A_439 = arith.addi %get3A_423, %add3A_438 : vector<16xi32>
        %add3A_440 = arith.constant 48 : i32
        %add3A_441 = vector.broadcast %add3A_440 : i32 to vector<16xi32>
        %add3A_442 = arith.addi %get3A_423, %add3A_441 : vector<16xi32>
        %gather3A_443 = tpu.vector_load_idx %arg13[%add3A_383, %add3A_439] : memref<64x256xf32, #tpu.memory_space<vmem>>[vector<16xi32>, vector<16xi32>], vector<16xf32>,
        %gather3A_444 = tpu.vector_load_idx %arg13[%add3A_391, %add3A_439] : memref<64x256xf32, #tpu.memory_space<vmem>>[vector<16xi32>, vector<16xi32>], vector<16xf32>,
        %gather3A_445 = tpu.vector_load_idx %arg13[%add3A_399, %add3A_439] : memref<64x256xf32, #tpu.memory_space<vmem>>[vector<16xi32>, vector<16xi32>], vector<16xf32>,
        %gather3A_446 = tpu.vector_load_idx %arg13[%add3A_407, %add3A_439] : memref<64x256xf32, #tpu.memory_space<vmem>>[vector<16xi32>, vector<16xi32>], vector<16xf32>,
        %gather3A_447 = tpu.vector_load_idx %arg13[%add3A_383, %add3A_442] : memref<64x256xf32, #tpu.memory_space<vmem>>[vector<16xi32>, vector<16xi32>], vector<16xf32>,
        %gather3A_448 = tpu.vector_load_idx %arg13[%add3A_391, %add3A_442] : memref<64x256xf32, #tpu.memory_space<vmem>>[vector<16xi32>, vector<16xi32>], vector<16xf32>,
        %gather3A_449 = tpu.vector_load_idx %arg13[%add3A_399, %add3A_442] : memref<64x256xf32, #tpu.memory_space<vmem>>[vector<16xi32>, vector<16xi32>], vector<16xf32>,
        %gather3A_450 = tpu.vector_load_idx %arg13[%add3A_407, %add3A_442] : memref<64x256xf32, #tpu.memory_space<vmem>>[vector<16xi32>, vector<16xi32>], vector<16xf32>,
        tpu.vector_store_idx %arg15[%get3A_380, %add3A_439], %gather3A_443 masked %lt3A_386 {add = true} : memref<168x256xf32, #tpu.memory_space<vmem>>[vector<16xi32>, vector<16xi32>], vector<16xf32>, vector<16xi1>
        tpu.vector_store_idx %arg15[%get3A_388, %add3A_439], %gather3A_444 masked %lt3A_394 {add = true} : memref<168x256xf32, #tpu.memory_space<vmem>>[vector<16xi32>, vector<16xi32>], vector<16xf32>, vector<16xi1>
        tpu.vector_store_idx %arg15[%get3A_396, %add3A_439], %gather3A_445 masked %lt3A_402 {add = true} : memref<168x256xf32, #tpu.memory_space<vmem>>[vector<16xi32>, vector<16xi32>], vector<16xf32>, vector<16xi1>
        tpu.vector_store_idx %arg15[%get3A_404, %add3A_439], %gather3A_446 masked %lt3A_410 {add = true} : memref<168x256xf32, #tpu.memory_space<vmem>>[vector<16xi32>, vector<16xi32>], vector<16xf32>, vector<16xi1>
        tpu.vector_store_idx %arg15[%get3A_380, %add3A_442], %gather3A_447 masked %lt3A_386 {add = true} : memref<168x256xf32, #tpu.memory_space<vmem>>[vector<16xi32>, vector<16xi32>], vector<16xf32>, vector<16xi1>
        tpu.vector_store_idx %arg15[%get3A_388, %add3A_442], %gather3A_448 masked %lt3A_394 {add = true} : memref<168x256xf32, #tpu.memory_space<vmem>>[vector<16xi32>, vector<16xi32>], vector<16xf32>, vector<16xi1>
        tpu.vector_store_idx %arg15[%get3A_396, %add3A_442], %gather3A_449 masked %lt3A_402 {add = true} : memref<168x256xf32, #tpu.memory_space<vmem>>[vector<16xi32>, vector<16xi32>], vector<16xf32>, vector<16xi1>
        tpu.vector_store_idx %arg15[%get3A_404, %add3A_442], %gather3A_450 masked %lt3A_410 {add = true} : memref<168x256xf32, #tpu.memory_space<vmem>>[vector<16xi32>, vector<16xi32>], vector<16xf32>, vector<16xi1>
        %add3A_451 = arith.constant 64 : i32
        %add3A_452 = vector.broadcast %add3A_451 : i32 to vector<16xi32>
        %add3A_453 = arith.addi %get3A_423, %add3A_452 : vector<16xi32>
        %add3A_454 = arith.constant 80 : i32
        %add3A_455 = vector.broadcast %add3A_454 : i32 to vector<16xi32>
        %add3A_456 = arith.addi %get3A_423, %add3A_455 : vector<16xi32>
        %gather3A_457 = tpu.vector_load_idx %arg13[%add3A_383, %add3A_453] : memref<64x256xf32, #tpu.memory_space<vmem>>[vector<16xi32>, vector<16xi32>], vector<16xf32>,
        %gather3A_458 = tpu.vector_load_idx %arg13[%add3A_391, %add3A_453] : memref<64x256xf32, #tpu.memory_space<vmem>>[vector<16xi32>, vector<16xi32>], vector<16xf32>,
        %gather3A_459 = tpu.vector_load_idx %arg13[%add3A_399, %add3A_453] : memref<64x256xf32, #tpu.memory_space<vmem>>[vector<16xi32>, vector<16xi32>], vector<16xf32>,
        %gather3A_460 = tpu.vector_load_idx %arg13[%add3A_407, %add3A_453] : memref<64x256xf32, #tpu.memory_space<vmem>>[vector<16xi32>, vector<16xi32>], vector<16xf32>,
        %gather3A_461 = tpu.vector_load_idx %arg13[%add3A_383, %add3A_456] : memref<64x256xf32, #tpu.memory_space<vmem>>[vector<16xi32>, vector<16xi32>], vector<16xf32>,
        %gather3A_462 = tpu.vector_load_idx %arg13[%add3A_391, %add3A_456] : memref<64x256xf32, #tpu.memory_space<vmem>>[vector<16xi32>, vector<16xi32>], vector<16xf32>,
        %gather3A_463 = tpu.vector_load_idx %arg13[%add3A_399, %add3A_456] : memref<64x256xf32, #tpu.memory_space<vmem>>[vector<16xi32>, vector<16xi32>], vector<16xf32>,
        %gather3A_464 = tpu.vector_load_idx %arg13[%add3A_407, %add3A_456] : memref<64x256xf32, #tpu.memory_space<vmem>>[vector<16xi32>, vector<16xi32>], vector<16xf32>,
        tpu.vector_store_idx %arg15[%get3A_380, %add3A_453], %gather3A_457 masked %lt3A_386 {add = true} : memref<168x256xf32, #tpu.memory_space<vmem>>[vector<16xi32>, vector<16xi32>], vector<16xf32>, vector<16xi1>
        tpu.vector_store_idx %arg15[%get3A_388, %add3A_453], %gather3A_458 masked %lt3A_394 {add = true} : memref<168x256xf32, #tpu.memory_space<vmem>>[vector<16xi32>, vector<16xi32>], vector<16xf32>, vector<16xi1>
        tpu.vector_store_idx %arg15[%get3A_396, %add3A_453], %gather3A_459 masked %lt3A_402 {add = true} : memref<168x256xf32, #tpu.memory_space<vmem>>[vector<16xi32>, vector<16xi32>], vector<16xf32>, vector<16xi1>
        tpu.vector_store_idx %arg15[%get3A_404, %add3A_453], %gather3A_460 masked %lt3A_410 {add = true} : memref<168x256xf32, #tpu.memory_space<vmem>>[vector<16xi32>, vector<16xi32>], vector<16xf32>, vector<16xi1>
        tpu.vector_store_idx %arg15[%get3A_380, %add3A_456], %gather3A_461 masked %lt3A_386 {add = true} : memref<168x256xf32, #tpu.memory_space<vmem>>[vector<16xi32>, vector<16xi32>], vector<16xf32>, vector<16xi1>
        tpu.vector_store_idx %arg15[%get3A_388, %add3A_456], %gather3A_462 masked %lt3A_394 {add = true} : memref<168x256xf32, #tpu.memory_space<vmem>>[vector<16xi32>, vector<16xi32>], vector<16xf32>, vector<16xi1>
        tpu.vector_store_idx %arg15[%get3A_396, %add3A_456], %gather3A_463 masked %lt3A_402 {add = true} : memref<168x256xf32, #tpu.memory_space<vmem>>[vector<16xi32>, vector<16xi32>], vector<16xf32>, vector<16xi1>
        tpu.vector_store_idx %arg15[%get3A_404, %add3A_456], %gather3A_464 masked %lt3A_410 {add = true} : memref<168x256xf32, #tpu.memory_space<vmem>>[vector<16xi32>, vector<16xi32>], vector<16xf32>, vector<16xi1>
        %add3A_465 = arith.constant 96 : i32
        %add3A_466 = vector.broadcast %add3A_465 : i32 to vector<16xi32>
        %add3A_467 = arith.addi %get3A_423, %add3A_466 : vector<16xi32>
        %add3A_468 = arith.constant 112 : i32
        %add3A_469 = vector.broadcast %add3A_468 : i32 to vector<16xi32>
        %add3A_470 = arith.addi %get3A_423, %add3A_469 : vector<16xi32>
        %gather3A_471 = tpu.vector_load_idx %arg13[%add3A_383, %add3A_467] : memref<64x256xf32, #tpu.memory_space<vmem>>[vector<16xi32>, vector<16xi32>], vector<16xf32>,
        %gather3A_472 = tpu.vector_load_idx %arg13[%add3A_391, %add3A_467] : memref<64x256xf32, #tpu.memory_space<vmem>>[vector<16xi32>, vector<16xi32>], vector<16xf32>,
        %gather3A_473 = tpu.vector_load_idx %arg13[%add3A_399, %add3A_467] : memref<64x256xf32, #tpu.memory_space<vmem>>[vector<16xi32>, vector<16xi32>], vector<16xf32>,
        %gather3A_474 = tpu.vector_load_idx %arg13[%add3A_407, %add3A_467] : memref<64x256xf32, #tpu.memory_space<vmem>>[vector<16xi32>, vector<16xi32>], vector<16xf32>,
        %gather3A_475 = tpu.vector_load_idx %arg13[%add3A_383, %add3A_470] : memref<64x256xf32, #tpu.memory_space<vmem>>[vector<16xi32>, vector<16xi32>], vector<16xf32>,
        %gather3A_476 = tpu.vector_load_idx %arg13[%add3A_391, %add3A_470] : memref<64x256xf32, #tpu.memory_space<vmem>>[vector<16xi32>, vector<16xi32>], vector<16xf32>,
        %gather3A_477 = tpu.vector_load_idx %arg13[%add3A_399, %add3A_470] : memref<64x256xf32, #tpu.memory_space<vmem>>[vector<16xi32>, vector<16xi32>], vector<16xf32>,
        %gather3A_478 = tpu.vector_load_idx %arg13[%add3A_407, %add3A_470] : memref<64x256xf32, #tpu.memory_space<vmem>>[vector<16xi32>, vector<16xi32>], vector<16xf32>,
        tpu.vector_store_idx %arg15[%get3A_380, %add3A_467], %gather3A_471 masked %lt3A_386 {add = true} : memref<168x256xf32, #tpu.memory_space<vmem>>[vector<16xi32>, vector<16xi32>], vector<16xf32>, vector<16xi1>
        tpu.vector_store_idx %arg15[%get3A_388, %add3A_467], %gather3A_472 masked %lt3A_394 {add = true} : memref<168x256xf32, #tpu.memory_space<vmem>>[vector<16xi32>, vector<16xi32>], vector<16xf32>, vector<16xi1>
        tpu.vector_store_idx %arg15[%get3A_396, %add3A_467], %gather3A_473 masked %lt3A_402 {add = true} : memref<168x256xf32, #tpu.memory_space<vmem>>[vector<16xi32>, vector<16xi32>], vector<16xf32>, vector<16xi1>
        tpu.vector_store_idx %arg15[%get3A_404, %add3A_467], %gather3A_474 masked %lt3A_410 {add = true} : memref<168x256xf32, #tpu.memory_space<vmem>>[vector<16xi32>, vector<16xi32>], vector<16xf32>, vector<16xi1>
        tpu.vector_store_idx %arg15[%get3A_380, %add3A_470], %gather3A_475 masked %lt3A_386 {add = true} : memref<168x256xf32, #tpu.memory_space<vmem>>[vector<16xi32>, vector<16xi32>], vector<16xf32>, vector<16xi1>
        tpu.vector_store_idx %arg15[%get3A_388, %add3A_470], %gather3A_476 masked %lt3A_394 {add = true} : memref<168x256xf32, #tpu.memory_space<vmem>>[vector<16xi32>, vector<16xi32>], vector<16xf32>, vector<16xi1>
        tpu.vector_store_idx %arg15[%get3A_396, %add3A_470], %gather3A_477 masked %lt3A_402 {add = true} : memref<168x256xf32, #tpu.memory_space<vmem>>[vector<16xi32>, vector<16xi32>], vector<16xf32>, vector<16xi1>
        tpu.vector_store_idx %arg15[%get3A_404, %add3A_470], %gather3A_478 masked %lt3A_410 {add = true} : memref<168x256xf32, #tpu.memory_space<vmem>>[vector<16xi32>, vector<16xi32>], vector<16xf32>, vector<16xi1>
        %add3A_479 = arith.constant 128 : i32
        %add3A_480 = vector.broadcast %add3A_479 : i32 to vector<16xi32>
        %add3A_481 = arith.addi %get3A_423, %add3A_480 : vector<16xi32>
        %add3A_482 = arith.constant 144 : i32
        %add3A_483 = vector.broadcast %add3A_482 : i32 to vector<16xi32>
        %add3A_484 = arith.addi %get3A_423, %add3A_483 : vector<16xi32>
        %gather3A_485 = tpu.vector_load_idx %arg13[%add3A_383, %add3A_481] : memref<64x256xf32, #tpu.memory_space<vmem>>[vector<16xi32>, vector<16xi32>], vector<16xf32>,
        %gather3A_486 = tpu.vector_load_idx %arg13[%add3A_391, %add3A_481] : memref<64x256xf32, #tpu.memory_space<vmem>>[vector<16xi32>, vector<16xi32>], vector<16xf32>,
        %gather3A_487 = tpu.vector_load_idx %arg13[%add3A_399, %add3A_481] : memref<64x256xf32, #tpu.memory_space<vmem>>[vector<16xi32>, vector<16xi32>], vector<16xf32>,
        %gather3A_488 = tpu.vector_load_idx %arg13[%add3A_407, %add3A_481] : memref<64x256xf32, #tpu.memory_space<vmem>>[vector<16xi32>, vector<16xi32>], vector<16xf32>,
        %gather3A_489 = tpu.vector_load_idx %arg13[%add3A_383, %add3A_484] : memref<64x256xf32, #tpu.memory_space<vmem>>[vector<16xi32>, vector<16xi32>], vector<16xf32>,
        %gather3A_490 = tpu.vector_load_idx %arg13[%add3A_391, %add3A_484] : memref<64x256xf32, #tpu.memory_space<vmem>>[vector<16xi32>, vector<16xi32>], vector<16xf32>,
        %gather3A_491 = tpu.vector_load_idx %arg13[%add3A_399, %add3A_484] : memref<64x256xf32, #tpu.memory_space<vmem>>[vector<16xi32>, vector<16xi32>], vector<16xf32>,
        %gather3A_492 = tpu.vector_load_idx %arg13[%add3A_407, %add3A_484] : memref<64x256xf32, #tpu.memory_space<vmem>>[vector<16xi32>, vector<16xi32>], vector<16xf32>,
        tpu.vector_store_idx %arg15[%get3A_380, %add3A_481], %gather3A_485 masked %lt3A_386 {add = true} : memref<168x256xf32, #tpu.memory_space<vmem>>[vector<16xi32>, vector<16xi32>], vector<16xf32>, vector<16xi1>
        tpu.vector_store_idx %arg15[%get3A_388, %add3A_481], %gather3A_486 masked %lt3A_394 {add = true} : memref<168x256xf32, #tpu.memory_space<vmem>>[vector<16xi32>, vector<16xi32>], vector<16xf32>, vector<16xi1>
        tpu.vector_store_idx %arg15[%get3A_396, %add3A_481], %gather3A_487 masked %lt3A_402 {add = true} : memref<168x256xf32, #tpu.memory_space<vmem>>[vector<16xi32>, vector<16xi32>], vector<16xf32>, vector<16xi1>
        tpu.vector_store_idx %arg15[%get3A_404, %add3A_481], %gather3A_488 masked %lt3A_410 {add = true} : memref<168x256xf32, #tpu.memory_space<vmem>>[vector<16xi32>, vector<16xi32>], vector<16xf32>, vector<16xi1>
        tpu.vector_store_idx %arg15[%get3A_380, %add3A_484], %gather3A_489 masked %lt3A_386 {add = true} : memref<168x256xf32, #tpu.memory_space<vmem>>[vector<16xi32>, vector<16xi32>], vector<16xf32>, vector<16xi1>
        tpu.vector_store_idx %arg15[%get3A_388, %add3A_484], %gather3A_490 masked %lt3A_394 {add = true} : memref<168x256xf32, #tpu.memory_space<vmem>>[vector<16xi32>, vector<16xi32>], vector<16xf32>, vector<16xi1>
        tpu.vector_store_idx %arg15[%get3A_396, %add3A_484], %gather3A_491 masked %lt3A_402 {add = true} : memref<168x256xf32, #tpu.memory_space<vmem>>[vector<16xi32>, vector<16xi32>], vector<16xf32>, vector<16xi1>
        tpu.vector_store_idx %arg15[%get3A_404, %add3A_484], %gather3A_492 masked %lt3A_410 {add = true} : memref<168x256xf32, #tpu.memory_space<vmem>>[vector<16xi32>, vector<16xi32>], vector<16xf32>, vector<16xi1>
        %add3A_493 = arith.constant 160 : i32
        %add3A_494 = vector.broadcast %add3A_493 : i32 to vector<16xi32>
        %add3A_495 = arith.addi %get3A_423, %add3A_494 : vector<16xi32>
        %add3A_496 = arith.constant 176 : i32
        %add3A_497 = vector.broadcast %add3A_496 : i32 to vector<16xi32>
        %add3A_498 = arith.addi %get3A_423, %add3A_497 : vector<16xi32>
        %gather3A_499 = tpu.vector_load_idx %arg13[%add3A_383, %add3A_495] : memref<64x256xf32, #tpu.memory_space<vmem>>[vector<16xi32>, vector<16xi32>], vector<16xf32>,
        %gather3A_500 = tpu.vector_load_idx %arg13[%add3A_391, %add3A_495] : memref<64x256xf32, #tpu.memory_space<vmem>>[vector<16xi32>, vector<16xi32>], vector<16xf32>,
        %gather3A_501 = tpu.vector_load_idx %arg13[%add3A_399, %add3A_495] : memref<64x256xf32, #tpu.memory_space<vmem>>[vector<16xi32>, vector<16xi32>], vector<16xf32>,
        %gather3A_502 = tpu.vector_load_idx %arg13[%add3A_407, %add3A_495] : memref<64x256xf32, #tpu.memory_space<vmem>>[vector<16xi32>, vector<16xi32>], vector<16xf32>,
        %gather3A_503 = tpu.vector_load_idx %arg13[%add3A_383, %add3A_498] : memref<64x256xf32, #tpu.memory_space<vmem>>[vector<16xi32>, vector<16xi32>], vector<16xf32>,
        %gather3A_504 = tpu.vector_load_idx %arg13[%add3A_391, %add3A_498] : memref<64x256xf32, #tpu.memory_space<vmem>>[vector<16xi32>, vector<16xi32>], vector<16xf32>,
        %gather3A_505 = tpu.vector_load_idx %arg13[%add3A_399, %add3A_498] : memref<64x256xf32, #tpu.memory_space<vmem>>[vector<16xi32>, vector<16xi32>], vector<16xf32>,
        %gather3A_506 = tpu.vector_load_idx %arg13[%add3A_407, %add3A_498] : memref<64x256xf32, #tpu.memory_space<vmem>>[vector<16xi32>, vector<16xi32>], vector<16xf32>,
        tpu.vector_store_idx %arg15[%get3A_380, %add3A_495], %gather3A_499 masked %lt3A_386 {add = true} : memref<168x256xf32, #tpu.memory_space<vmem>>[vector<16xi32>, vector<16xi32>], vector<16xf32>, vector<16xi1>
        tpu.vector_store_idx %arg15[%get3A_388, %add3A_495], %gather3A_500 masked %lt3A_394 {add = true} : memref<168x256xf32, #tpu.memory_space<vmem>>[vector<16xi32>, vector<16xi32>], vector<16xf32>, vector<16xi1>
        tpu.vector_store_idx %arg15[%get3A_396, %add3A_495], %gather3A_501 masked %lt3A_402 {add = true} : memref<168x256xf32, #tpu.memory_space<vmem>>[vector<16xi32>, vector<16xi32>], vector<16xf32>, vector<16xi1>
        tpu.vector_store_idx %arg15[%get3A_404, %add3A_495], %gather3A_502 masked %lt3A_410 {add = true} : memref<168x256xf32, #tpu.memory_space<vmem>>[vector<16xi32>, vector<16xi32>], vector<16xf32>, vector<16xi1>
        tpu.vector_store_idx %arg15[%get3A_380, %add3A_498], %gather3A_503 masked %lt3A_386 {add = true} : memref<168x256xf32, #tpu.memory_space<vmem>>[vector<16xi32>, vector<16xi32>], vector<16xf32>, vector<16xi1>
        tpu.vector_store_idx %arg15[%get3A_388, %add3A_498], %gather3A_504 masked %lt3A_394 {add = true} : memref<168x256xf32, #tpu.memory_space<vmem>>[vector<16xi32>, vector<16xi32>], vector<16xf32>, vector<16xi1>
        tpu.vector_store_idx %arg15[%get3A_396, %add3A_498], %gather3A_505 masked %lt3A_402 {add = true} : memref<168x256xf32, #tpu.memory_space<vmem>>[vector<16xi32>, vector<16xi32>], vector<16xf32>, vector<16xi1>
        tpu.vector_store_idx %arg15[%get3A_404, %add3A_498], %gather3A_506 masked %lt3A_410 {add = true} : memref<168x256xf32, #tpu.memory_space<vmem>>[vector<16xi32>, vector<16xi32>], vector<16xf32>, vector<16xi1>
        %add3A_507 = arith.constant 192 : i32
        %add3A_508 = vector.broadcast %add3A_507 : i32 to vector<16xi32>
        %add3A_509 = arith.addi %get3A_423, %add3A_508 : vector<16xi32>
        %add3A_510 = arith.constant 208 : i32
        %add3A_511 = vector.broadcast %add3A_510 : i32 to vector<16xi32>
        %add3A_512 = arith.addi %get3A_423, %add3A_511 : vector<16xi32>
        %gather3A_513 = tpu.vector_load_idx %arg13[%add3A_383, %add3A_509] : memref<64x256xf32, #tpu.memory_space<vmem>>[vector<16xi32>, vector<16xi32>], vector<16xf32>,
        %gather3A_514 = tpu.vector_load_idx %arg13[%add3A_391, %add3A_509] : memref<64x256xf32, #tpu.memory_space<vmem>>[vector<16xi32>, vector<16xi32>], vector<16xf32>,
        %gather3A_515 = tpu.vector_load_idx %arg13[%add3A_399, %add3A_509] : memref<64x256xf32, #tpu.memory_space<vmem>>[vector<16xi32>, vector<16xi32>], vector<16xf32>,
        %gather3A_516 = tpu.vector_load_idx %arg13[%add3A_407, %add3A_509] : memref<64x256xf32, #tpu.memory_space<vmem>>[vector<16xi32>, vector<16xi32>], vector<16xf32>,
        %gather3A_517 = tpu.vector_load_idx %arg13[%add3A_383, %add3A_512] : memref<64x256xf32, #tpu.memory_space<vmem>>[vector<16xi32>, vector<16xi32>], vector<16xf32>,
        %gather3A_518 = tpu.vector_load_idx %arg13[%add3A_391, %add3A_512] : memref<64x256xf32, #tpu.memory_space<vmem>>[vector<16xi32>, vector<16xi32>], vector<16xf32>,
        %gather3A_519 = tpu.vector_load_idx %arg13[%add3A_399, %add3A_512] : memref<64x256xf32, #tpu.memory_space<vmem>>[vector<16xi32>, vector<16xi32>], vector<16xf32>,
        %gather3A_520 = tpu.vector_load_idx %arg13[%add3A_407, %add3A_512] : memref<64x256xf32, #tpu.memory_space<vmem>>[vector<16xi32>, vector<16xi32>], vector<16xf32>,
        tpu.vector_store_idx %arg15[%get3A_380, %add3A_509], %gather3A_513 masked %lt3A_386 {add = true} : memref<168x256xf32, #tpu.memory_space<vmem>>[vector<16xi32>, vector<16xi32>], vector<16xf32>, vector<16xi1>
        tpu.vector_store_idx %arg15[%get3A_388, %add3A_509], %gather3A_514 masked %lt3A_394 {add = true} : memref<168x256xf32, #tpu.memory_space<vmem>>[vector<16xi32>, vector<16xi32>], vector<16xf32>, vector<16xi1>
        tpu.vector_store_idx %arg15[%get3A_396, %add3A_509], %gather3A_515 masked %lt3A_402 {add = true} : memref<168x256xf32, #tpu.memory_space<vmem>>[vector<16xi32>, vector<16xi32>], vector<16xf32>, vector<16xi1>
        tpu.vector_store_idx %arg15[%get3A_404, %add3A_509], %gather3A_516 masked %lt3A_410 {add = true} : memref<168x256xf32, #tpu.memory_space<vmem>>[vector<16xi32>, vector<16xi32>], vector<16xf32>, vector<16xi1>
        tpu.vector_store_idx %arg15[%get3A_380, %add3A_512], %gather3A_517 masked %lt3A_386 {add = true} : memref<168x256xf32, #tpu.memory_space<vmem>>[vector<16xi32>, vector<16xi32>], vector<16xf32>, vector<16xi1>
        tpu.vector_store_idx %arg15[%get3A_388, %add3A_512], %gather3A_518 masked %lt3A_394 {add = true} : memref<168x256xf32, #tpu.memory_space<vmem>>[vector<16xi32>, vector<16xi32>], vector<16xf32>, vector<16xi1>
        tpu.vector_store_idx %arg15[%get3A_396, %add3A_512], %gather3A_519 masked %lt3A_402 {add = true} : memref<168x256xf32, #tpu.memory_space<vmem>>[vector<16xi32>, vector<16xi32>], vector<16xf32>, vector<16xi1>
        tpu.vector_store_idx %arg15[%get3A_404, %add3A_512], %gather3A_520 masked %lt3A_410 {add = true} : memref<168x256xf32, #tpu.memory_space<vmem>>[vector<16xi32>, vector<16xi32>], vector<16xf32>, vector<16xi1>
        %add3A_521 = arith.constant 224 : i32
        %add3A_522 = vector.broadcast %add3A_521 : i32 to vector<16xi32>
        %add3A_523 = arith.addi %get3A_423, %add3A_522 : vector<16xi32>
        %add3A_524 = arith.constant 240 : i32
        %add3A_525 = vector.broadcast %add3A_524 : i32 to vector<16xi32>
        %add3A_526 = arith.addi %get3A_423, %add3A_525 : vector<16xi32>
        %gather3A_527 = tpu.vector_load_idx %arg13[%add3A_383, %add3A_523] : memref<64x256xf32, #tpu.memory_space<vmem>>[vector<16xi32>, vector<16xi32>], vector<16xf32>,
        %gather3A_528 = tpu.vector_load_idx %arg13[%add3A_391, %add3A_523] : memref<64x256xf32, #tpu.memory_space<vmem>>[vector<16xi32>, vector<16xi32>], vector<16xf32>,
        %gather3A_529 = tpu.vector_load_idx %arg13[%add3A_399, %add3A_523] : memref<64x256xf32, #tpu.memory_space<vmem>>[vector<16xi32>, vector<16xi32>], vector<16xf32>,
        %gather3A_530 = tpu.vector_load_idx %arg13[%add3A_407, %add3A_523] : memref<64x256xf32, #tpu.memory_space<vmem>>[vector<16xi32>, vector<16xi32>], vector<16xf32>,
        %gather3A_531 = tpu.vector_load_idx %arg13[%add3A_383, %add3A_526] : memref<64x256xf32, #tpu.memory_space<vmem>>[vector<16xi32>, vector<16xi32>], vector<16xf32>,
        %gather3A_532 = tpu.vector_load_idx %arg13[%add3A_391, %add3A_526] : memref<64x256xf32, #tpu.memory_space<vmem>>[vector<16xi32>, vector<16xi32>], vector<16xf32>,
        %gather3A_533 = tpu.vector_load_idx %arg13[%add3A_399, %add3A_526] : memref<64x256xf32, #tpu.memory_space<vmem>>[vector<16xi32>, vector<16xi32>], vector<16xf32>,
        %gather3A_534 = tpu.vector_load_idx %arg13[%add3A_407, %add3A_526] : memref<64x256xf32, #tpu.memory_space<vmem>>[vector<16xi32>, vector<16xi32>], vector<16xf32>,
        tpu.vector_store_idx %arg15[%get3A_380, %add3A_523], %gather3A_527 masked %lt3A_386 {add = true} : memref<168x256xf32, #tpu.memory_space<vmem>>[vector<16xi32>, vector<16xi32>], vector<16xf32>, vector<16xi1>
        tpu.vector_store_idx %arg15[%get3A_388, %add3A_523], %gather3A_528 masked %lt3A_394 {add = true} : memref<168x256xf32, #tpu.memory_space<vmem>>[vector<16xi32>, vector<16xi32>], vector<16xf32>, vector<16xi1>
        tpu.vector_store_idx %arg15[%get3A_396, %add3A_523], %gather3A_529 masked %lt3A_402 {add = true} : memref<168x256xf32, #tpu.memory_space<vmem>>[vector<16xi32>, vector<16xi32>], vector<16xf32>, vector<16xi1>
        tpu.vector_store_idx %arg15[%get3A_404, %add3A_523], %gather3A_530 masked %lt3A_410 {add = true} : memref<168x256xf32, #tpu.memory_space<vmem>>[vector<16xi32>, vector<16xi32>], vector<16xf32>, vector<16xi1>
        tpu.vector_store_idx %arg15[%get3A_380, %add3A_526], %gather3A_531 masked %lt3A_386 {add = true} : memref<168x256xf32, #tpu.memory_space<vmem>>[vector<16xi32>, vector<16xi32>], vector<16xf32>, vector<16xi1>
        tpu.vector_store_idx %arg15[%get3A_388, %add3A_526], %gather3A_532 masked %lt3A_394 {add = true} : memref<168x256xf32, #tpu.memory_space<vmem>>[vector<16xi32>, vector<16xi32>], vector<16xf32>, vector<16xi1>
        tpu.vector_store_idx %arg15[%get3A_396, %add3A_526], %gather3A_533 masked %lt3A_402 {add = true} : memref<168x256xf32, #tpu.memory_space<vmem>>[vector<16xi32>, vector<16xi32>], vector<16xf32>, vector<16xi1>
        tpu.vector_store_idx %arg15[%get3A_404, %add3A_526], %gather3A_534 masked %lt3A_410 {add = true} : memref<168x256xf32, #tpu.memory_space<vmem>>[vector<16xi32>, vector<16xi32>], vector<16xf32>, vector<16xi1>
        %scan3A_535 = arith.constant 0 : i32
        scf.yield %scan3A_535 : i32
      }
      %scan3A_417 = arith.constant 16 : i32
      %scan3A_418 = arith.constant 0 : i32
      scf.yield %scan3A_418 : i32
    }
    %scan3A_174 = arith.constant 25 : i32
    "tpu.region"() ({
      %run_scoped3A = tpu.sem_alloc : memref<!tpu.dma_semaphore, #tpu.memory_space<semaphore_mem>>
      %dma_start3A = arith.constant 0 : i32
      %dma_start3A_175 = arith.constant 0 : i32
      %dma_start3A_176 = tpu.memref_slice %arg5[%add3A, %dma_start3A, %dma_start3A_175] : memref<32x168x256xf32, #tpu.memory_space<hbm>> -> memref<1x168x256xf32, #tpu.memory_space<hbm>>
      %dma_start3A_177 = tpu.memref_squeeze %dma_start3A_176 : memref<1x168x256xf32, #tpu.memory_space<hbm>> -> memref<168x256xf32, #tpu.memory_space<hbm>>
      %dma_start3A_178 = arith.constant 0 : i32
      %dma_start3A_179 = arith.constant 0 : i32
      %dma_start3A_180 = tpu.memref_slice %arg5[%add3A, %dma_start3A_178, %dma_start3A_179] : memref<32x168x256xf32, #tpu.memory_space<hbm>> -> memref<1x168x256xf32, #tpu.memory_space<hbm>>
      %dma_start3A_181 = tpu.memref_squeeze %dma_start3A_180 : memref<1x168x256xf32, #tpu.memory_space<hbm>> -> memref<168x256xf32, #tpu.memory_space<hbm>>
      tpu.enqueue_dma source(%arg15 : memref<168x256xf32, #tpu.memory_space<vmem>>) target(%dma_start3A_181 : memref<168x256xf32, #tpu.memory_space<hbm>>) target_semaphore(%run_scoped3A : memref<!tpu.dma_semaphore, #tpu.memory_space<semaphore_mem>>)
      %dma_wait3A = arith.constant 0 : i32
      %dma_wait3A_182 = arith.constant 0 : i32
      %dma_wait3A_183 = tpu.memref_slice %arg5[%add3A, %dma_wait3A, %dma_wait3A_182] : memref<32x168x256xf32, #tpu.memory_space<hbm>> -> memref<1x168x256xf32, #tpu.memory_space<hbm>>
      %dma_wait3A_184 = tpu.memref_squeeze %dma_wait3A_183 : memref<1x168x256xf32, #tpu.memory_space<hbm>> -> memref<168x256xf32, #tpu.memory_space<hbm>>
      %dma_wait3A_185 = arith.constant 0 : i32
      %dma_wait3A_186 = arith.constant 0 : i32
      %dma_wait3A_187 = tpu.memref_slice %arg5[%add3A, %dma_wait3A_185, %dma_wait3A_186] : memref<32x168x256xf32, #tpu.memory_space<hbm>> -> memref<1x168x256xf32, #tpu.memory_space<hbm>>
      %dma_wait3A_188 = tpu.memref_squeeze %dma_wait3A_187 : memref<1x168x256xf32, #tpu.memory_space<hbm>> -> memref<168x256xf32, #tpu.memory_space<hbm>>
      tpu.wait_dma2 semaphore(%run_scoped3A : memref<!tpu.dma_semaphore, #tpu.memory_space<semaphore_mem>>) src(%arg15 : memref<168x256xf32, #tpu.memory_space<vmem>>) dst(%dma_wait3A_188 : memref<168x256xf32, #tpu.memory_space<hbm>>)
      tpu.yield
    }) : () -> ()
    "tpu.region"() ({
      %run_scoped3A = tpu.sem_alloc : memref<!tpu.dma_semaphore, #tpu.memory_space<semaphore_mem>>
      %dma_start3A = arith.constant 0 : i32
      %dma_start3A_175 = arith.constant 0 : i32
      %dma_start3A_176 = tpu.memref_slice %arg6[%add3A, %dma_start3A, %dma_start3A_175] : memref<32x168x16xf32, #tpu.memory_space<hbm>> -> memref<1x168x16xf32, #tpu.memory_space<hbm>>
      %dma_start3A_177 = tpu.memref_squeeze %dma_start3A_176 : memref<1x168x16xf32, #tpu.memory_space<hbm>> -> memref<168x16xf32, #tpu.memory_space<hbm>>
      %dma_start3A_178 = arith.constant 0 : i32
      %dma_start3A_179 = arith.constant 0 : i32
      %dma_start3A_180 = tpu.memref_slice %arg6[%add3A, %dma_start3A_178, %dma_start3A_179] : memref<32x168x16xf32, #tpu.memory_space<hbm>> -> memref<1x168x16xf32, #tpu.memory_space<hbm>>
      %dma_start3A_181 = tpu.memref_squeeze %dma_start3A_180 : memref<1x168x16xf32, #tpu.memory_space<hbm>> -> memref<168x16xf32, #tpu.memory_space<hbm>>
      tpu.enqueue_dma source(%arg16 : memref<168x16xf32, #tpu.memory_space<vmem>>) target(%dma_start3A_181 : memref<168x16xf32, #tpu.memory_space<hbm>>) target_semaphore(%run_scoped3A : memref<!tpu.dma_semaphore, #tpu.memory_space<semaphore_mem>>)
      %dma_wait3A = arith.constant 0 : i32
      %dma_wait3A_182 = arith.constant 0 : i32
      %dma_wait3A_183 = tpu.memref_slice %arg6[%add3A, %dma_wait3A, %dma_wait3A_182] : memref<32x168x16xf32, #tpu.memory_space<hbm>> -> memref<1x168x16xf32, #tpu.memory_space<hbm>>
      %dma_wait3A_184 = tpu.memref_squeeze %dma_wait3A_183 : memref<1x168x16xf32, #tpu.memory_space<hbm>> -> memref<168x16xf32, #tpu.memory_space<hbm>>
      %dma_wait3A_185 = arith.constant 0 : i32
      %dma_wait3A_186 = arith.constant 0 : i32
      %dma_wait3A_187 = tpu.memref_slice %arg6[%add3A, %dma_wait3A_185, %dma_wait3A_186] : memref<32x168x16xf32, #tpu.memory_space<hbm>> -> memref<1x168x16xf32, #tpu.memory_space<hbm>>
      %dma_wait3A_188 = tpu.memref_squeeze %dma_wait3A_187 : memref<1x168x16xf32, #tpu.memory_space<hbm>> -> memref<168x16xf32, #tpu.memory_space<hbm>>
      tpu.wait_dma2 semaphore(%run_scoped3A : memref<!tpu.dma_semaphore, #tpu.memory_space<semaphore_mem>>) src(%arg16 : memref<168x16xf32, #tpu.memory_space<vmem>>) dst(%dma_wait3A_188 : memref<168x16xf32, #tpu.memory_space<hbm>>)
      tpu.yield
    }) : () -> ()
    return
  }
}

module attributes {stable_mosaic.version = 14 : i64} {
  func.func @_tc_loss_body(%arg0: memref<32x168x256xf32, #tpu.memory_space<vmem>>, %arg1: memref<32x168x16xf32, #tpu.memory_space<vmem>>, %arg2: memref<512x256xf32, #tpu.memory_space<vmem>>, %arg3: memref<1x1xf32, #tpu.memory_space<vmem>>) attributes {dimension_semantics = [], scalar_prefetch = 0 : i64, scratch_operands = 0 : i64, tpu.core_type = #tpu.core_type<tc>} {
    %broadcast_in_dim3A = arith.constant 0.000000e+00 : f32
    %broadcast_in_dim3A_0 = vector.broadcast %broadcast_in_dim3A : f32 to vector<81x256xf32>
    %broadcast_in_dim3A_1 = arith.constant 0.000000e+00 : f32
    %broadcast_in_dim3A_2 = vector.broadcast %broadcast_in_dim3A_1 : f32 to vector<81x16xf32>
    %get3A = arith.constant 0 : index
    %get3A_3 = arith.constant 0 : index
    %get3A_4 = arith.constant 0 : index
    %get3A_5 = vector.load %arg0[%get3A, %get3A_3, %get3A_4] : memref<32x168x256xf32, #tpu.memory_space<vmem>>, vector<1x81x256xf32>
    %get3A_6 = vector.shape_cast %get3A_5 : vector<1x81x256xf32> to vector<81x256xf32>
    %add3A = arith.addf %broadcast_in_dim3A_0, %get3A_6 : vector<81x256xf32>
    %get3A_7 = arith.constant 0 : index
    %get3A_8 = arith.constant 0 : index
    %get3A_9 = arith.constant 0 : index
    %get3A_10 = vector.load %arg1[%get3A_7, %get3A_8, %get3A_9] : memref<32x168x16xf32, #tpu.memory_space<vmem>>, vector<1x81x16xf32>
    %get3A_11 = vector.shape_cast %get3A_10 : vector<1x81x16xf32> to vector<81x16xf32>
    %add3A_12 = arith.addf %broadcast_in_dim3A_2, %get3A_11 : vector<81x16xf32>
    %get3A_13 = arith.constant 1 : index
    %get3A_14 = arith.constant 0 : index
    %get3A_15 = arith.constant 0 : index
    %get3A_16 = vector.load %arg0[%get3A_13, %get3A_14, %get3A_15] : memref<32x168x256xf32, #tpu.memory_space<vmem>>, vector<1x81x256xf32>
    %get3A_17 = vector.shape_cast %get3A_16 : vector<1x81x256xf32> to vector<81x256xf32>
    %add3A_18 = arith.addf %add3A, %get3A_17 : vector<81x256xf32>
    %get3A_19 = arith.constant 1 : index
    %get3A_20 = arith.constant 0 : index
    %get3A_21 = arith.constant 0 : index
    %get3A_22 = vector.load %arg1[%get3A_19, %get3A_20, %get3A_21] : memref<32x168x16xf32, #tpu.memory_space<vmem>>, vector<1x81x16xf32>
    %get3A_23 = vector.shape_cast %get3A_22 : vector<1x81x16xf32> to vector<81x16xf32>
    %add3A_24 = arith.addf %add3A_12, %get3A_23 : vector<81x16xf32>
    %get3A_25 = arith.constant 2 : index
    %get3A_26 = arith.constant 0 : index
    %get3A_27 = arith.constant 0 : index
    %get3A_28 = vector.load %arg0[%get3A_25, %get3A_26, %get3A_27] : memref<32x168x256xf32, #tpu.memory_space<vmem>>, vector<1x81x256xf32>
    %get3A_29 = vector.shape_cast %get3A_28 : vector<1x81x256xf32> to vector<81x256xf32>
    %add3A_30 = arith.addf %add3A_18, %get3A_29 : vector<81x256xf32>
    %get3A_31 = arith.constant 2 : index
    %get3A_32 = arith.constant 0 : index
    %get3A_33 = arith.constant 0 : index
    %get3A_34 = vector.load %arg1[%get3A_31, %get3A_32, %get3A_33] : memref<32x168x16xf32, #tpu.memory_space<vmem>>, vector<1x81x16xf32>
    %get3A_35 = vector.shape_cast %get3A_34 : vector<1x81x16xf32> to vector<81x16xf32>
    %add3A_36 = arith.addf %add3A_24, %get3A_35 : vector<81x16xf32>
    %get3A_37 = arith.constant 3 : index
    %get3A_38 = arith.constant 0 : index
    %get3A_39 = arith.constant 0 : index
    %get3A_40 = vector.load %arg0[%get3A_37, %get3A_38, %get3A_39] : memref<32x168x256xf32, #tpu.memory_space<vmem>>, vector<1x81x256xf32>
    %get3A_41 = vector.shape_cast %get3A_40 : vector<1x81x256xf32> to vector<81x256xf32>
    %add3A_42 = arith.addf %add3A_30, %get3A_41 : vector<81x256xf32>
    %get3A_43 = arith.constant 3 : index
    %get3A_44 = arith.constant 0 : index
    %get3A_45 = arith.constant 0 : index
    %get3A_46 = vector.load %arg1[%get3A_43, %get3A_44, %get3A_45] : memref<32x168x16xf32, #tpu.memory_space<vmem>>, vector<1x81x16xf32>
    %get3A_47 = vector.shape_cast %get3A_46 : vector<1x81x16xf32> to vector<81x16xf32>
    %add3A_48 = arith.addf %add3A_36, %get3A_47 : vector<81x16xf32>
    %get3A_49 = arith.constant 4 : index
    %get3A_50 = arith.constant 0 : index
    %get3A_51 = arith.constant 0 : index
    %get3A_52 = vector.load %arg0[%get3A_49, %get3A_50, %get3A_51] : memref<32x168x256xf32, #tpu.memory_space<vmem>>, vector<1x81x256xf32>
    %get3A_53 = vector.shape_cast %get3A_52 : vector<1x81x256xf32> to vector<81x256xf32>
    %add3A_54 = arith.addf %add3A_42, %get3A_53 : vector<81x256xf32>
    %get3A_55 = arith.constant 4 : index
    %get3A_56 = arith.constant 0 : index
    %get3A_57 = arith.constant 0 : index
    %get3A_58 = vector.load %arg1[%get3A_55, %get3A_56, %get3A_57] : memref<32x168x16xf32, #tpu.memory_space<vmem>>, vector<1x81x16xf32>
    %get3A_59 = vector.shape_cast %get3A_58 : vector<1x81x16xf32> to vector<81x16xf32>
    %add3A_60 = arith.addf %add3A_48, %get3A_59 : vector<81x16xf32>
    %get3A_61 = arith.constant 5 : index
    %get3A_62 = arith.constant 0 : index
    %get3A_63 = arith.constant 0 : index
    %get3A_64 = vector.load %arg0[%get3A_61, %get3A_62, %get3A_63] : memref<32x168x256xf32, #tpu.memory_space<vmem>>, vector<1x81x256xf32>
    %get3A_65 = vector.shape_cast %get3A_64 : vector<1x81x256xf32> to vector<81x256xf32>
    %add3A_66 = arith.addf %add3A_54, %get3A_65 : vector<81x256xf32>
    %get3A_67 = arith.constant 5 : index
    %get3A_68 = arith.constant 0 : index
    %get3A_69 = arith.constant 0 : index
    %get3A_70 = vector.load %arg1[%get3A_67, %get3A_68, %get3A_69] : memref<32x168x16xf32, #tpu.memory_space<vmem>>, vector<1x81x16xf32>
    %get3A_71 = vector.shape_cast %get3A_70 : vector<1x81x16xf32> to vector<81x16xf32>
    %add3A_72 = arith.addf %add3A_60, %get3A_71 : vector<81x16xf32>
    %get3A_73 = arith.constant 6 : index
    %get3A_74 = arith.constant 0 : index
    %get3A_75 = arith.constant 0 : index
    %get3A_76 = vector.load %arg0[%get3A_73, %get3A_74, %get3A_75] : memref<32x168x256xf32, #tpu.memory_space<vmem>>, vector<1x81x256xf32>
    %get3A_77 = vector.shape_cast %get3A_76 : vector<1x81x256xf32> to vector<81x256xf32>
    %add3A_78 = arith.addf %add3A_66, %get3A_77 : vector<81x256xf32>
    %get3A_79 = arith.constant 6 : index
    %get3A_80 = arith.constant 0 : index
    %get3A_81 = arith.constant 0 : index
    %get3A_82 = vector.load %arg1[%get3A_79, %get3A_80, %get3A_81] : memref<32x168x16xf32, #tpu.memory_space<vmem>>, vector<1x81x16xf32>
    %get3A_83 = vector.shape_cast %get3A_82 : vector<1x81x16xf32> to vector<81x16xf32>
    %add3A_84 = arith.addf %add3A_72, %get3A_83 : vector<81x16xf32>
    %broadcast_in_dim3A_85 = arith.constant 0.000000e+00 : f32
    %broadcast_in_dim3A_86 = vector.broadcast %broadcast_in_dim3A_85 : f32 to vector<81x256xf32>
    %broadcast_in_dim3A_87 = arith.constant 0.000000e+00 : f32
    %broadcast_in_dim3A_88 = vector.broadcast %broadcast_in_dim3A_87 : f32 to vector<81x16xf32>
    %get3A_89 = arith.constant 0 : index
    %get3A_90 = arith.constant 81 : index
    %get3A_91 = arith.constant 0 : index
    %get3A_92 = vector.load %arg0[%get3A_89, %get3A_90, %get3A_91] : memref<32x168x256xf32, #tpu.memory_space<vmem>>, vector<1x81x256xf32>
    %get3A_93 = vector.shape_cast %get3A_92 : vector<1x81x256xf32> to vector<81x256xf32>
    %add3A_94 = arith.addf %broadcast_in_dim3A_86, %get3A_93 : vector<81x256xf32>
    %get3A_95 = arith.constant 0 : index
    %get3A_96 = arith.constant 81 : index
    %get3A_97 = arith.constant 0 : index
    %get3A_98 = vector.load %arg1[%get3A_95, %get3A_96, %get3A_97] : memref<32x168x16xf32, #tpu.memory_space<vmem>>, vector<1x81x16xf32>
    %get3A_99 = vector.shape_cast %get3A_98 : vector<1x81x16xf32> to vector<81x16xf32>
    %add3A_100 = arith.addf %broadcast_in_dim3A_88, %get3A_99 : vector<81x16xf32>
    %get3A_101 = arith.constant 1 : index
    %get3A_102 = arith.constant 81 : index
    %get3A_103 = arith.constant 0 : index
    %get3A_104 = vector.load %arg0[%get3A_101, %get3A_102, %get3A_103] : memref<32x168x256xf32, #tpu.memory_space<vmem>>, vector<1x81x256xf32>
    %get3A_105 = vector.shape_cast %get3A_104 : vector<1x81x256xf32> to vector<81x256xf32>
    %add3A_106 = arith.addf %add3A_94, %get3A_105 : vector<81x256xf32>
    %get3A_107 = arith.constant 1 : index
    %get3A_108 = arith.constant 81 : index
    %get3A_109 = arith.constant 0 : index
    %get3A_110 = vector.load %arg1[%get3A_107, %get3A_108, %get3A_109] : memref<32x168x16xf32, #tpu.memory_space<vmem>>, vector<1x81x16xf32>
    %get3A_111 = vector.shape_cast %get3A_110 : vector<1x81x16xf32> to vector<81x16xf32>
    %add3A_112 = arith.addf %add3A_100, %get3A_111 : vector<81x16xf32>
    %get3A_113 = arith.constant 2 : index
    %get3A_114 = arith.constant 81 : index
    %get3A_115 = arith.constant 0 : index
    %get3A_116 = vector.load %arg0[%get3A_113, %get3A_114, %get3A_115] : memref<32x168x256xf32, #tpu.memory_space<vmem>>, vector<1x81x256xf32>
    %get3A_117 = vector.shape_cast %get3A_116 : vector<1x81x256xf32> to vector<81x256xf32>
    %add3A_118 = arith.addf %add3A_106, %get3A_117 : vector<81x256xf32>
    %get3A_119 = arith.constant 2 : index
    %get3A_120 = arith.constant 81 : index
    %get3A_121 = arith.constant 0 : index
    %get3A_122 = vector.load %arg1[%get3A_119, %get3A_120, %get3A_121] : memref<32x168x16xf32, #tpu.memory_space<vmem>>, vector<1x81x16xf32>
    %get3A_123 = vector.shape_cast %get3A_122 : vector<1x81x16xf32> to vector<81x16xf32>
    %add3A_124 = arith.addf %add3A_112, %get3A_123 : vector<81x16xf32>
    %get3A_125 = arith.constant 3 : index
    %get3A_126 = arith.constant 81 : index
    %get3A_127 = arith.constant 0 : index
    %get3A_128 = vector.load %arg0[%get3A_125, %get3A_126, %get3A_127] : memref<32x168x256xf32, #tpu.memory_space<vmem>>, vector<1x81x256xf32>
    %get3A_129 = vector.shape_cast %get3A_128 : vector<1x81x256xf32> to vector<81x256xf32>
    %add3A_130 = arith.addf %add3A_118, %get3A_129 : vector<81x256xf32>
    %get3A_131 = arith.constant 3 : index
    %get3A_132 = arith.constant 81 : index
    %get3A_133 = arith.constant 0 : index
    %get3A_134 = vector.load %arg1[%get3A_131, %get3A_132, %get3A_133] : memref<32x168x16xf32, #tpu.memory_space<vmem>>, vector<1x81x16xf32>
    %get3A_135 = vector.shape_cast %get3A_134 : vector<1x81x16xf32> to vector<81x16xf32>
    %add3A_136 = arith.addf %add3A_124, %get3A_135 : vector<81x16xf32>
    %get3A_137 = arith.constant 4 : index
    %get3A_138 = arith.constant 81 : index
    %get3A_139 = arith.constant 0 : index
    %get3A_140 = vector.load %arg0[%get3A_137, %get3A_138, %get3A_139] : memref<32x168x256xf32, #tpu.memory_space<vmem>>, vector<1x81x256xf32>
    %get3A_141 = vector.shape_cast %get3A_140 : vector<1x81x256xf32> to vector<81x256xf32>
    %add3A_142 = arith.addf %add3A_130, %get3A_141 : vector<81x256xf32>
    %get3A_143 = arith.constant 4 : index
    %get3A_144 = arith.constant 81 : index
    %get3A_145 = arith.constant 0 : index
    %get3A_146 = vector.load %arg1[%get3A_143, %get3A_144, %get3A_145] : memref<32x168x16xf32, #tpu.memory_space<vmem>>, vector<1x81x16xf32>
    %get3A_147 = vector.shape_cast %get3A_146 : vector<1x81x16xf32> to vector<81x16xf32>
    %add3A_148 = arith.addf %add3A_136, %get3A_147 : vector<81x16xf32>
    %get3A_149 = arith.constant 5 : index
    %get3A_150 = arith.constant 81 : index
    %get3A_151 = arith.constant 0 : index
    %get3A_152 = vector.load %arg0[%get3A_149, %get3A_150, %get3A_151] : memref<32x168x256xf32, #tpu.memory_space<vmem>>, vector<1x81x256xf32>
    %get3A_153 = vector.shape_cast %get3A_152 : vector<1x81x256xf32> to vector<81x256xf32>
    %add3A_154 = arith.addf %add3A_142, %get3A_153 : vector<81x256xf32>
    %get3A_155 = arith.constant 5 : index
    %get3A_156 = arith.constant 81 : index
    %get3A_157 = arith.constant 0 : index
    %get3A_158 = vector.load %arg1[%get3A_155, %get3A_156, %get3A_157] : memref<32x168x16xf32, #tpu.memory_space<vmem>>, vector<1x81x16xf32>
    %get3A_159 = vector.shape_cast %get3A_158 : vector<1x81x16xf32> to vector<81x16xf32>
    %add3A_160 = arith.addf %add3A_148, %get3A_159 : vector<81x16xf32>
    %get3A_161 = arith.constant 6 : index
    %get3A_162 = arith.constant 81 : index
    %get3A_163 = arith.constant 0 : index
    %get3A_164 = vector.load %arg0[%get3A_161, %get3A_162, %get3A_163] : memref<32x168x256xf32, #tpu.memory_space<vmem>>, vector<1x81x256xf32>
    %get3A_165 = vector.shape_cast %get3A_164 : vector<1x81x256xf32> to vector<81x256xf32>
    %add3A_166 = arith.addf %add3A_154, %get3A_165 : vector<81x256xf32>
    %get3A_167 = arith.constant 6 : index
    %get3A_168 = arith.constant 81 : index
    %get3A_169 = arith.constant 0 : index
    %get3A_170 = vector.load %arg1[%get3A_167, %get3A_168, %get3A_169] : memref<32x168x16xf32, #tpu.memory_space<vmem>>, vector<1x81x16xf32>
    %get3A_171 = vector.shape_cast %get3A_170 : vector<1x81x16xf32> to vector<81x16xf32>
    %add3A_172 = arith.addf %add3A_160, %get3A_171 : vector<81x16xf32>
    %get3A_173 = arith.constant 7 : index
    %get3A_174 = arith.constant 0 : index
    %get3A_175 = arith.constant 0 : index
    %get3A_176 = vector.load %arg0[%get3A_173, %get3A_174, %get3A_175] : memref<32x168x256xf32, #tpu.memory_space<vmem>>, vector<1x81x256xf32>
    %get3A_177 = vector.shape_cast %get3A_176 : vector<1x81x256xf32> to vector<81x256xf32>
    %add3A_178 = arith.addf %add3A_166, %get3A_177 : vector<81x256xf32>
    %get3A_179 = arith.constant 7 : index
    %get3A_180 = arith.constant 0 : index
    %get3A_181 = arith.constant 0 : index
    %get3A_182 = vector.load %arg1[%get3A_179, %get3A_180, %get3A_181] : memref<32x168x16xf32, #tpu.memory_space<vmem>>, vector<1x81x16xf32>
    %get3A_183 = vector.shape_cast %get3A_182 : vector<1x81x16xf32> to vector<81x16xf32>
    %add3A_184 = arith.addf %add3A_172, %get3A_183 : vector<81x16xf32>
    %get3A_185 = arith.constant 8 : index
    %get3A_186 = arith.constant 0 : index
    %get3A_187 = arith.constant 0 : index
    %get3A_188 = vector.load %arg0[%get3A_185, %get3A_186, %get3A_187] : memref<32x168x256xf32, #tpu.memory_space<vmem>>, vector<1x81x256xf32>
    %get3A_189 = vector.shape_cast %get3A_188 : vector<1x81x256xf32> to vector<81x256xf32>
    %add3A_190 = arith.addf %add3A_178, %get3A_189 : vector<81x256xf32>
    %get3A_191 = arith.constant 8 : index
    %get3A_192 = arith.constant 0 : index
    %get3A_193 = arith.constant 0 : index
    %get3A_194 = vector.load %arg1[%get3A_191, %get3A_192, %get3A_193] : memref<32x168x16xf32, #tpu.memory_space<vmem>>, vector<1x81x16xf32>
    %get3A_195 = vector.shape_cast %get3A_194 : vector<1x81x16xf32> to vector<81x16xf32>
    %add3A_196 = arith.addf %add3A_184, %get3A_195 : vector<81x16xf32>
    %get3A_197 = arith.constant 9 : index
    %get3A_198 = arith.constant 0 : index
    %get3A_199 = arith.constant 0 : index
    %get3A_200 = vector.load %arg0[%get3A_197, %get3A_198, %get3A_199] : memref<32x168x256xf32, #tpu.memory_space<vmem>>, vector<1x81x256xf32>
    %get3A_201 = vector.shape_cast %get3A_200 : vector<1x81x256xf32> to vector<81x256xf32>
    %add3A_202 = arith.addf %add3A_190, %get3A_201 : vector<81x256xf32>
    %get3A_203 = arith.constant 9 : index
    %get3A_204 = arith.constant 0 : index
    %get3A_205 = arith.constant 0 : index
    %get3A_206 = vector.load %arg1[%get3A_203, %get3A_204, %get3A_205] : memref<32x168x16xf32, #tpu.memory_space<vmem>>, vector<1x81x16xf32>
    %get3A_207 = vector.shape_cast %get3A_206 : vector<1x81x16xf32> to vector<81x16xf32>
    %add3A_208 = arith.addf %add3A_196, %get3A_207 : vector<81x16xf32>
    %get3A_209 = arith.constant 10 : index
    %get3A_210 = arith.constant 0 : index
    %get3A_211 = arith.constant 0 : index
    %get3A_212 = vector.load %arg0[%get3A_209, %get3A_210, %get3A_211] : memref<32x168x256xf32, #tpu.memory_space<vmem>>, vector<1x81x256xf32>
    %get3A_213 = vector.shape_cast %get3A_212 : vector<1x81x256xf32> to vector<81x256xf32>
    %add3A_214 = arith.addf %add3A_202, %get3A_213 : vector<81x256xf32>
    %get3A_215 = arith.constant 10 : index
    %get3A_216 = arith.constant 0 : index
    %get3A_217 = arith.constant 0 : index
    %get3A_218 = vector.load %arg1[%get3A_215, %get3A_216, %get3A_217] : memref<32x168x16xf32, #tpu.memory_space<vmem>>, vector<1x81x16xf32>
    %get3A_219 = vector.shape_cast %get3A_218 : vector<1x81x16xf32> to vector<81x16xf32>
    %add3A_220 = arith.addf %add3A_208, %get3A_219 : vector<81x16xf32>
    %get3A_221 = arith.constant 11 : index
    %get3A_222 = arith.constant 0 : index
    %get3A_223 = arith.constant 0 : index
    %get3A_224 = vector.load %arg0[%get3A_221, %get3A_222, %get3A_223] : memref<32x168x256xf32, #tpu.memory_space<vmem>>, vector<1x81x256xf32>
    %get3A_225 = vector.shape_cast %get3A_224 : vector<1x81x256xf32> to vector<81x256xf32>
    %add3A_226 = arith.addf %add3A_214, %get3A_225 : vector<81x256xf32>
    %get3A_227 = arith.constant 11 : index
    %get3A_228 = arith.constant 0 : index
    %get3A_229 = arith.constant 0 : index
    %get3A_230 = vector.load %arg1[%get3A_227, %get3A_228, %get3A_229] : memref<32x168x16xf32, #tpu.memory_space<vmem>>, vector<1x81x16xf32>
    %get3A_231 = vector.shape_cast %get3A_230 : vector<1x81x16xf32> to vector<81x16xf32>
    %add3A_232 = arith.addf %add3A_220, %get3A_231 : vector<81x16xf32>
    %get3A_233 = arith.constant 12 : index
    %get3A_234 = arith.constant 0 : index
    %get3A_235 = arith.constant 0 : index
    %get3A_236 = vector.load %arg0[%get3A_233, %get3A_234, %get3A_235] : memref<32x168x256xf32, #tpu.memory_space<vmem>>, vector<1x81x256xf32>
    %get3A_237 = vector.shape_cast %get3A_236 : vector<1x81x256xf32> to vector<81x256xf32>
    %add3A_238 = arith.addf %add3A_226, %get3A_237 : vector<81x256xf32>
    %get3A_239 = arith.constant 12 : index
    %get3A_240 = arith.constant 0 : index
    %get3A_241 = arith.constant 0 : index
    %get3A_242 = vector.load %arg1[%get3A_239, %get3A_240, %get3A_241] : memref<32x168x16xf32, #tpu.memory_space<vmem>>, vector<1x81x16xf32>
    %get3A_243 = vector.shape_cast %get3A_242 : vector<1x81x16xf32> to vector<81x16xf32>
    %add3A_244 = arith.addf %add3A_232, %get3A_243 : vector<81x16xf32>
    %broadcast_in_dim3A_245 = arith.constant 0.000000e+00 : f32
    %broadcast_in_dim3A_246 = vector.broadcast %broadcast_in_dim3A_245 : f32 to vector<81x256xf32>
    %broadcast_in_dim3A_247 = arith.constant 0.000000e+00 : f32
    %broadcast_in_dim3A_248 = vector.broadcast %broadcast_in_dim3A_247 : f32 to vector<81x16xf32>
    %get3A_249 = arith.constant 7 : index
    %get3A_250 = arith.constant 81 : index
    %get3A_251 = arith.constant 0 : index
    %get3A_252 = vector.load %arg0[%get3A_249, %get3A_250, %get3A_251] : memref<32x168x256xf32, #tpu.memory_space<vmem>>, vector<1x81x256xf32>
    %get3A_253 = vector.shape_cast %get3A_252 : vector<1x81x256xf32> to vector<81x256xf32>
    %add3A_254 = arith.addf %broadcast_in_dim3A_246, %get3A_253 : vector<81x256xf32>
    %get3A_255 = arith.constant 7 : index
    %get3A_256 = arith.constant 81 : index
    %get3A_257 = arith.constant 0 : index
    %get3A_258 = vector.load %arg1[%get3A_255, %get3A_256, %get3A_257] : memref<32x168x16xf32, #tpu.memory_space<vmem>>, vector<1x81x16xf32>
    %get3A_259 = vector.shape_cast %get3A_258 : vector<1x81x16xf32> to vector<81x16xf32>
    %add3A_260 = arith.addf %broadcast_in_dim3A_248, %get3A_259 : vector<81x16xf32>
    %get3A_261 = arith.constant 8 : index
    %get3A_262 = arith.constant 81 : index
    %get3A_263 = arith.constant 0 : index
    %get3A_264 = vector.load %arg0[%get3A_261, %get3A_262, %get3A_263] : memref<32x168x256xf32, #tpu.memory_space<vmem>>, vector<1x81x256xf32>
    %get3A_265 = vector.shape_cast %get3A_264 : vector<1x81x256xf32> to vector<81x256xf32>
    %add3A_266 = arith.addf %add3A_254, %get3A_265 : vector<81x256xf32>
    %get3A_267 = arith.constant 8 : index
    %get3A_268 = arith.constant 81 : index
    %get3A_269 = arith.constant 0 : index
    %get3A_270 = vector.load %arg1[%get3A_267, %get3A_268, %get3A_269] : memref<32x168x16xf32, #tpu.memory_space<vmem>>, vector<1x81x16xf32>
    %get3A_271 = vector.shape_cast %get3A_270 : vector<1x81x16xf32> to vector<81x16xf32>
    %add3A_272 = arith.addf %add3A_260, %get3A_271 : vector<81x16xf32>
    %get3A_273 = arith.constant 9 : index
    %get3A_274 = arith.constant 81 : index
    %get3A_275 = arith.constant 0 : index
    %get3A_276 = vector.load %arg0[%get3A_273, %get3A_274, %get3A_275] : memref<32x168x256xf32, #tpu.memory_space<vmem>>, vector<1x81x256xf32>
    %get3A_277 = vector.shape_cast %get3A_276 : vector<1x81x256xf32> to vector<81x256xf32>
    %add3A_278 = arith.addf %add3A_266, %get3A_277 : vector<81x256xf32>
    %get3A_279 = arith.constant 9 : index
    %get3A_280 = arith.constant 81 : index
    %get3A_281 = arith.constant 0 : index
    %get3A_282 = vector.load %arg1[%get3A_279, %get3A_280, %get3A_281] : memref<32x168x16xf32, #tpu.memory_space<vmem>>, vector<1x81x16xf32>
    %get3A_283 = vector.shape_cast %get3A_282 : vector<1x81x16xf32> to vector<81x16xf32>
    %add3A_284 = arith.addf %add3A_272, %get3A_283 : vector<81x16xf32>
    %get3A_285 = arith.constant 10 : index
    %get3A_286 = arith.constant 81 : index
    %get3A_287 = arith.constant 0 : index
    %get3A_288 = vector.load %arg0[%get3A_285, %get3A_286, %get3A_287] : memref<32x168x256xf32, #tpu.memory_space<vmem>>, vector<1x81x256xf32>
    %get3A_289 = vector.shape_cast %get3A_288 : vector<1x81x256xf32> to vector<81x256xf32>
    %add3A_290 = arith.addf %add3A_278, %get3A_289 : vector<81x256xf32>
    %get3A_291 = arith.constant 10 : index
    %get3A_292 = arith.constant 81 : index
    %get3A_293 = arith.constant 0 : index
    %get3A_294 = vector.load %arg1[%get3A_291, %get3A_292, %get3A_293] : memref<32x168x16xf32, #tpu.memory_space<vmem>>, vector<1x81x16xf32>
    %get3A_295 = vector.shape_cast %get3A_294 : vector<1x81x16xf32> to vector<81x16xf32>
    %add3A_296 = arith.addf %add3A_284, %get3A_295 : vector<81x16xf32>
    %get3A_297 = arith.constant 11 : index
    %get3A_298 = arith.constant 81 : index
    %get3A_299 = arith.constant 0 : index
    %get3A_300 = vector.load %arg0[%get3A_297, %get3A_298, %get3A_299] : memref<32x168x256xf32, #tpu.memory_space<vmem>>, vector<1x81x256xf32>
    %get3A_301 = vector.shape_cast %get3A_300 : vector<1x81x256xf32> to vector<81x256xf32>
    %add3A_302 = arith.addf %add3A_290, %get3A_301 : vector<81x256xf32>
    %get3A_303 = arith.constant 11 : index
    %get3A_304 = arith.constant 81 : index
    %get3A_305 = arith.constant 0 : index
    %get3A_306 = vector.load %arg1[%get3A_303, %get3A_304, %get3A_305] : memref<32x168x16xf32, #tpu.memory_space<vmem>>, vector<1x81x16xf32>
    %get3A_307 = vector.shape_cast %get3A_306 : vector<1x81x16xf32> to vector<81x16xf32>
    %add3A_308 = arith.addf %add3A_296, %get3A_307 : vector<81x16xf32>
    %get3A_309 = arith.constant 12 : index
    %get3A_310 = arith.constant 81 : index
    %get3A_311 = arith.constant 0 : index
    %get3A_312 = vector.load %arg0[%get3A_309, %get3A_310, %get3A_311] : memref<32x168x256xf32, #tpu.memory_space<vmem>>, vector<1x81x256xf32>
    %get3A_313 = vector.shape_cast %get3A_312 : vector<1x81x256xf32> to vector<81x256xf32>
    %add3A_314 = arith.addf %add3A_302, %get3A_313 : vector<81x256xf32>
    %get3A_315 = arith.constant 12 : index
    %get3A_316 = arith.constant 81 : index
    %get3A_317 = arith.constant 0 : index
    %get3A_318 = vector.load %arg1[%get3A_315, %get3A_316, %get3A_317] : memref<32x168x16xf32, #tpu.memory_space<vmem>>, vector<1x81x16xf32>
    %get3A_319 = vector.shape_cast %get3A_318 : vector<1x81x16xf32> to vector<81x16xf32>
    %add3A_320 = arith.addf %add3A_308, %get3A_319 : vector<81x16xf32>
    %get3A_321 = arith.constant 13 : index
    %get3A_322 = arith.constant 0 : index
    %get3A_323 = arith.constant 0 : index
    %get3A_324 = vector.load %arg0[%get3A_321, %get3A_322, %get3A_323] : memref<32x168x256xf32, #tpu.memory_space<vmem>>, vector<1x81x256xf32>
    %get3A_325 = vector.shape_cast %get3A_324 : vector<1x81x256xf32> to vector<81x256xf32>
    %add3A_326 = arith.addf %add3A_314, %get3A_325 : vector<81x256xf32>
    %get3A_327 = arith.constant 13 : index
    %get3A_328 = arith.constant 0 : index
    %get3A_329 = arith.constant 0 : index
    %get3A_330 = vector.load %arg1[%get3A_327, %get3A_328, %get3A_329] : memref<32x168x16xf32, #tpu.memory_space<vmem>>, vector<1x81x16xf32>
    %get3A_331 = vector.shape_cast %get3A_330 : vector<1x81x16xf32> to vector<81x16xf32>
    %add3A_332 = arith.addf %add3A_320, %get3A_331 : vector<81x16xf32>
    %get3A_333 = arith.constant 14 : index
    %get3A_334 = arith.constant 0 : index
    %get3A_335 = arith.constant 0 : index
    %get3A_336 = vector.load %arg0[%get3A_333, %get3A_334, %get3A_335] : memref<32x168x256xf32, #tpu.memory_space<vmem>>, vector<1x81x256xf32>
    %get3A_337 = vector.shape_cast %get3A_336 : vector<1x81x256xf32> to vector<81x256xf32>
    %add3A_338 = arith.addf %add3A_326, %get3A_337 : vector<81x256xf32>
    %get3A_339 = arith.constant 14 : index
    %get3A_340 = arith.constant 0 : index
    %get3A_341 = arith.constant 0 : index
    %get3A_342 = vector.load %arg1[%get3A_339, %get3A_340, %get3A_341] : memref<32x168x16xf32, #tpu.memory_space<vmem>>, vector<1x81x16xf32>
    %get3A_343 = vector.shape_cast %get3A_342 : vector<1x81x16xf32> to vector<81x16xf32>
    %add3A_344 = arith.addf %add3A_332, %get3A_343 : vector<81x16xf32>
    %get3A_345 = arith.constant 15 : index
    %get3A_346 = arith.constant 0 : index
    %get3A_347 = arith.constant 0 : index
    %get3A_348 = vector.load %arg0[%get3A_345, %get3A_346, %get3A_347] : memref<32x168x256xf32, #tpu.memory_space<vmem>>, vector<1x81x256xf32>
    %get3A_349 = vector.shape_cast %get3A_348 : vector<1x81x256xf32> to vector<81x256xf32>
    %add3A_350 = arith.addf %add3A_338, %get3A_349 : vector<81x256xf32>
    %get3A_351 = arith.constant 15 : index
    %get3A_352 = arith.constant 0 : index
    %get3A_353 = arith.constant 0 : index
    %get3A_354 = vector.load %arg1[%get3A_351, %get3A_352, %get3A_353] : memref<32x168x16xf32, #tpu.memory_space<vmem>>, vector<1x81x16xf32>
    %get3A_355 = vector.shape_cast %get3A_354 : vector<1x81x16xf32> to vector<81x16xf32>
    %add3A_356 = arith.addf %add3A_344, %get3A_355 : vector<81x16xf32>
    %get3A_357 = arith.constant 16 : index
    %get3A_358 = arith.constant 0 : index
    %get3A_359 = arith.constant 0 : index
    %get3A_360 = vector.load %arg0[%get3A_357, %get3A_358, %get3A_359] : memref<32x168x256xf32, #tpu.memory_space<vmem>>, vector<1x81x256xf32>
    %get3A_361 = vector.shape_cast %get3A_360 : vector<1x81x256xf32> to vector<81x256xf32>
    %add3A_362 = arith.addf %add3A_350, %get3A_361 : vector<81x256xf32>
    %get3A_363 = arith.constant 16 : index
    %get3A_364 = arith.constant 0 : index
    %get3A_365 = arith.constant 0 : index
    %get3A_366 = vector.load %arg1[%get3A_363, %get3A_364, %get3A_365] : memref<32x168x16xf32, #tpu.memory_space<vmem>>, vector<1x81x16xf32>
    %get3A_367 = vector.shape_cast %get3A_366 : vector<1x81x16xf32> to vector<81x16xf32>
    %add3A_368 = arith.addf %add3A_356, %get3A_367 : vector<81x16xf32>
    %get3A_369 = arith.constant 17 : index
    %get3A_370 = arith.constant 0 : index
    %get3A_371 = arith.constant 0 : index
    %get3A_372 = vector.load %arg0[%get3A_369, %get3A_370, %get3A_371] : memref<32x168x256xf32, #tpu.memory_space<vmem>>, vector<1x81x256xf32>
    %get3A_373 = vector.shape_cast %get3A_372 : vector<1x81x256xf32> to vector<81x256xf32>
    %add3A_374 = arith.addf %add3A_362, %get3A_373 : vector<81x256xf32>
    %get3A_375 = arith.constant 17 : index
    %get3A_376 = arith.constant 0 : index
    %get3A_377 = arith.constant 0 : index
    %get3A_378 = vector.load %arg1[%get3A_375, %get3A_376, %get3A_377] : memref<32x168x16xf32, #tpu.memory_space<vmem>>, vector<1x81x16xf32>
    %get3A_379 = vector.shape_cast %get3A_378 : vector<1x81x16xf32> to vector<81x16xf32>
    %add3A_380 = arith.addf %add3A_368, %get3A_379 : vector<81x16xf32>
    %get3A_381 = arith.constant 18 : index
    %get3A_382 = arith.constant 0 : index
    %get3A_383 = arith.constant 0 : index
    %get3A_384 = vector.load %arg0[%get3A_381, %get3A_382, %get3A_383] : memref<32x168x256xf32, #tpu.memory_space<vmem>>, vector<1x81x256xf32>
    %get3A_385 = vector.shape_cast %get3A_384 : vector<1x81x256xf32> to vector<81x256xf32>
    %add3A_386 = arith.addf %add3A_374, %get3A_385 : vector<81x256xf32>
    %get3A_387 = arith.constant 18 : index
    %get3A_388 = arith.constant 0 : index
    %get3A_389 = arith.constant 0 : index
    %get3A_390 = vector.load %arg1[%get3A_387, %get3A_388, %get3A_389] : memref<32x168x16xf32, #tpu.memory_space<vmem>>, vector<1x81x16xf32>
    %get3A_391 = vector.shape_cast %get3A_390 : vector<1x81x16xf32> to vector<81x16xf32>
    %add3A_392 = arith.addf %add3A_380, %get3A_391 : vector<81x16xf32>
    %broadcast_in_dim3A_393 = arith.constant 0.000000e+00 : f32
    %broadcast_in_dim3A_394 = vector.broadcast %broadcast_in_dim3A_393 : f32 to vector<81x256xf32>
    %broadcast_in_dim3A_395 = arith.constant 0.000000e+00 : f32
    %broadcast_in_dim3A_396 = vector.broadcast %broadcast_in_dim3A_395 : f32 to vector<81x16xf32>
    %get3A_397 = arith.constant 13 : index
    %get3A_398 = arith.constant 81 : index
    %get3A_399 = arith.constant 0 : index
    %get3A_400 = vector.load %arg0[%get3A_397, %get3A_398, %get3A_399] : memref<32x168x256xf32, #tpu.memory_space<vmem>>, vector<1x81x256xf32>
    %get3A_401 = vector.shape_cast %get3A_400 : vector<1x81x256xf32> to vector<81x256xf32>
    %add3A_402 = arith.addf %broadcast_in_dim3A_394, %get3A_401 : vector<81x256xf32>
    %get3A_403 = arith.constant 13 : index
    %get3A_404 = arith.constant 81 : index
    %get3A_405 = arith.constant 0 : index
    %get3A_406 = vector.load %arg1[%get3A_403, %get3A_404, %get3A_405] : memref<32x168x16xf32, #tpu.memory_space<vmem>>, vector<1x81x16xf32>
    %get3A_407 = vector.shape_cast %get3A_406 : vector<1x81x16xf32> to vector<81x16xf32>
    %add3A_408 = arith.addf %broadcast_in_dim3A_396, %get3A_407 : vector<81x16xf32>
    %get3A_409 = arith.constant 14 : index
    %get3A_410 = arith.constant 81 : index
    %get3A_411 = arith.constant 0 : index
    %get3A_412 = vector.load %arg0[%get3A_409, %get3A_410, %get3A_411] : memref<32x168x256xf32, #tpu.memory_space<vmem>>, vector<1x81x256xf32>
    %get3A_413 = vector.shape_cast %get3A_412 : vector<1x81x256xf32> to vector<81x256xf32>
    %add3A_414 = arith.addf %add3A_402, %get3A_413 : vector<81x256xf32>
    %get3A_415 = arith.constant 14 : index
    %get3A_416 = arith.constant 81 : index
    %get3A_417 = arith.constant 0 : index
    %get3A_418 = vector.load %arg1[%get3A_415, %get3A_416, %get3A_417] : memref<32x168x16xf32, #tpu.memory_space<vmem>>, vector<1x81x16xf32>
    %get3A_419 = vector.shape_cast %get3A_418 : vector<1x81x16xf32> to vector<81x16xf32>
    %add3A_420 = arith.addf %add3A_408, %get3A_419 : vector<81x16xf32>
    %get3A_421 = arith.constant 15 : index
    %get3A_422 = arith.constant 81 : index
    %get3A_423 = arith.constant 0 : index
    %get3A_424 = vector.load %arg0[%get3A_421, %get3A_422, %get3A_423] : memref<32x168x256xf32, #tpu.memory_space<vmem>>, vector<1x81x256xf32>
    %get3A_425 = vector.shape_cast %get3A_424 : vector<1x81x256xf32> to vector<81x256xf32>
    %add3A_426 = arith.addf %add3A_414, %get3A_425 : vector<81x256xf32>
    %get3A_427 = arith.constant 15 : index
    %get3A_428 = arith.constant 81 : index
    %get3A_429 = arith.constant 0 : index
    %get3A_430 = vector.load %arg1[%get3A_427, %get3A_428, %get3A_429] : memref<32x168x16xf32, #tpu.memory_space<vmem>>, vector<1x81x16xf32>
    %get3A_431 = vector.shape_cast %get3A_430 : vector<1x81x16xf32> to vector<81x16xf32>
    %add3A_432 = arith.addf %add3A_420, %get3A_431 : vector<81x16xf32>
    %get3A_433 = arith.constant 16 : index
    %get3A_434 = arith.constant 81 : index
    %get3A_435 = arith.constant 0 : index
    %get3A_436 = vector.load %arg0[%get3A_433, %get3A_434, %get3A_435] : memref<32x168x256xf32, #tpu.memory_space<vmem>>, vector<1x81x256xf32>
    %get3A_437 = vector.shape_cast %get3A_436 : vector<1x81x256xf32> to vector<81x256xf32>
    %add3A_438 = arith.addf %add3A_426, %get3A_437 : vector<81x256xf32>
    %get3A_439 = arith.constant 16 : index
    %get3A_440 = arith.constant 81 : index
    %get3A_441 = arith.constant 0 : index
    %get3A_442 = vector.load %arg1[%get3A_439, %get3A_440, %get3A_441] : memref<32x168x16xf32, #tpu.memory_space<vmem>>, vector<1x81x16xf32>
    %get3A_443 = vector.shape_cast %get3A_442 : vector<1x81x16xf32> to vector<81x16xf32>
    %add3A_444 = arith.addf %add3A_432, %get3A_443 : vector<81x16xf32>
    %get3A_445 = arith.constant 17 : index
    %get3A_446 = arith.constant 81 : index
    %get3A_447 = arith.constant 0 : index
    %get3A_448 = vector.load %arg0[%get3A_445, %get3A_446, %get3A_447] : memref<32x168x256xf32, #tpu.memory_space<vmem>>, vector<1x81x256xf32>
    %get3A_449 = vector.shape_cast %get3A_448 : vector<1x81x256xf32> to vector<81x256xf32>
    %add3A_450 = arith.addf %add3A_438, %get3A_449 : vector<81x256xf32>
    %get3A_451 = arith.constant 17 : index
    %get3A_452 = arith.constant 81 : index
    %get3A_453 = arith.constant 0 : index
    %get3A_454 = vector.load %arg1[%get3A_451, %get3A_452, %get3A_453] : memref<32x168x16xf32, #tpu.memory_space<vmem>>, vector<1x81x16xf32>
    %get3A_455 = vector.shape_cast %get3A_454 : vector<1x81x16xf32> to vector<81x16xf32>
    %add3A_456 = arith.addf %add3A_444, %get3A_455 : vector<81x16xf32>
    %get3A_457 = arith.constant 18 : index
    %get3A_458 = arith.constant 81 : index
    %get3A_459 = arith.constant 0 : index
    %get3A_460 = vector.load %arg0[%get3A_457, %get3A_458, %get3A_459] : memref<32x168x256xf32, #tpu.memory_space<vmem>>, vector<1x81x256xf32>
    %get3A_461 = vector.shape_cast %get3A_460 : vector<1x81x256xf32> to vector<81x256xf32>
    %add3A_462 = arith.addf %add3A_450, %get3A_461 : vector<81x256xf32>
    %get3A_463 = arith.constant 18 : index
    %get3A_464 = arith.constant 81 : index
    %get3A_465 = arith.constant 0 : index
    %get3A_466 = vector.load %arg1[%get3A_463, %get3A_464, %get3A_465] : memref<32x168x16xf32, #tpu.memory_space<vmem>>, vector<1x81x16xf32>
    %get3A_467 = vector.shape_cast %get3A_466 : vector<1x81x16xf32> to vector<81x16xf32>
    %add3A_468 = arith.addf %add3A_456, %get3A_467 : vector<81x16xf32>
    %get3A_469 = arith.constant 19 : index
    %get3A_470 = arith.constant 0 : index
    %get3A_471 = arith.constant 0 : index
    %get3A_472 = vector.load %arg0[%get3A_469, %get3A_470, %get3A_471] : memref<32x168x256xf32, #tpu.memory_space<vmem>>, vector<1x81x256xf32>
    %get3A_473 = vector.shape_cast %get3A_472 : vector<1x81x256xf32> to vector<81x256xf32>
    %add3A_474 = arith.addf %add3A_462, %get3A_473 : vector<81x256xf32>
    %get3A_475 = arith.constant 19 : index
    %get3A_476 = arith.constant 0 : index
    %get3A_477 = arith.constant 0 : index
    %get3A_478 = vector.load %arg1[%get3A_475, %get3A_476, %get3A_477] : memref<32x168x16xf32, #tpu.memory_space<vmem>>, vector<1x81x16xf32>
    %get3A_479 = vector.shape_cast %get3A_478 : vector<1x81x16xf32> to vector<81x16xf32>
    %add3A_480 = arith.addf %add3A_468, %get3A_479 : vector<81x16xf32>
    %get3A_481 = arith.constant 20 : index
    %get3A_482 = arith.constant 0 : index
    %get3A_483 = arith.constant 0 : index
    %get3A_484 = vector.load %arg0[%get3A_481, %get3A_482, %get3A_483] : memref<32x168x256xf32, #tpu.memory_space<vmem>>, vector<1x81x256xf32>
    %get3A_485 = vector.shape_cast %get3A_484 : vector<1x81x256xf32> to vector<81x256xf32>
    %add3A_486 = arith.addf %add3A_474, %get3A_485 : vector<81x256xf32>
    %get3A_487 = arith.constant 20 : index
    %get3A_488 = arith.constant 0 : index
    %get3A_489 = arith.constant 0 : index
    %get3A_490 = vector.load %arg1[%get3A_487, %get3A_488, %get3A_489] : memref<32x168x16xf32, #tpu.memory_space<vmem>>, vector<1x81x16xf32>
    %get3A_491 = vector.shape_cast %get3A_490 : vector<1x81x16xf32> to vector<81x16xf32>
    %add3A_492 = arith.addf %add3A_480, %get3A_491 : vector<81x16xf32>
    %get3A_493 = arith.constant 21 : index
    %get3A_494 = arith.constant 0 : index
    %get3A_495 = arith.constant 0 : index
    %get3A_496 = vector.load %arg0[%get3A_493, %get3A_494, %get3A_495] : memref<32x168x256xf32, #tpu.memory_space<vmem>>, vector<1x81x256xf32>
    %get3A_497 = vector.shape_cast %get3A_496 : vector<1x81x256xf32> to vector<81x256xf32>
    %add3A_498 = arith.addf %add3A_486, %get3A_497 : vector<81x256xf32>
    %get3A_499 = arith.constant 21 : index
    %get3A_500 = arith.constant 0 : index
    %get3A_501 = arith.constant 0 : index
    %get3A_502 = vector.load %arg1[%get3A_499, %get3A_500, %get3A_501] : memref<32x168x16xf32, #tpu.memory_space<vmem>>, vector<1x81x16xf32>
    %get3A_503 = vector.shape_cast %get3A_502 : vector<1x81x16xf32> to vector<81x16xf32>
    %add3A_504 = arith.addf %add3A_492, %get3A_503 : vector<81x16xf32>
    %get3A_505 = arith.constant 22 : index
    %get3A_506 = arith.constant 0 : index
    %get3A_507 = arith.constant 0 : index
    %get3A_508 = vector.load %arg0[%get3A_505, %get3A_506, %get3A_507] : memref<32x168x256xf32, #tpu.memory_space<vmem>>, vector<1x81x256xf32>
    %get3A_509 = vector.shape_cast %get3A_508 : vector<1x81x256xf32> to vector<81x256xf32>
    %add3A_510 = arith.addf %add3A_498, %get3A_509 : vector<81x256xf32>
    %get3A_511 = arith.constant 22 : index
    %get3A_512 = arith.constant 0 : index
    %get3A_513 = arith.constant 0 : index
    %get3A_514 = vector.load %arg1[%get3A_511, %get3A_512, %get3A_513] : memref<32x168x16xf32, #tpu.memory_space<vmem>>, vector<1x81x16xf32>
    %get3A_515 = vector.shape_cast %get3A_514 : vector<1x81x16xf32> to vector<81x16xf32>
    %add3A_516 = arith.addf %add3A_504, %get3A_515 : vector<81x16xf32>
    %get3A_517 = arith.constant 23 : index
    %get3A_518 = arith.constant 0 : index
    %get3A_519 = arith.constant 0 : index
    %get3A_520 = vector.load %arg0[%get3A_517, %get3A_518, %get3A_519] : memref<32x168x256xf32, #tpu.memory_space<vmem>>, vector<1x81x256xf32>
    %get3A_521 = vector.shape_cast %get3A_520 : vector<1x81x256xf32> to vector<81x256xf32>
    %add3A_522 = arith.addf %add3A_510, %get3A_521 : vector<81x256xf32>
    %get3A_523 = arith.constant 23 : index
    %get3A_524 = arith.constant 0 : index
    %get3A_525 = arith.constant 0 : index
    %get3A_526 = vector.load %arg1[%get3A_523, %get3A_524, %get3A_525] : memref<32x168x16xf32, #tpu.memory_space<vmem>>, vector<1x81x16xf32>
    %get3A_527 = vector.shape_cast %get3A_526 : vector<1x81x16xf32> to vector<81x16xf32>
    %add3A_528 = arith.addf %add3A_516, %get3A_527 : vector<81x16xf32>
    %get3A_529 = arith.constant 24 : index
    %get3A_530 = arith.constant 0 : index
    %get3A_531 = arith.constant 0 : index
    %get3A_532 = vector.load %arg0[%get3A_529, %get3A_530, %get3A_531] : memref<32x168x256xf32, #tpu.memory_space<vmem>>, vector<1x81x256xf32>
    %get3A_533 = vector.shape_cast %get3A_532 : vector<1x81x256xf32> to vector<81x256xf32>
    %add3A_534 = arith.addf %add3A_522, %get3A_533 : vector<81x256xf32>
    %get3A_535 = arith.constant 24 : index
    %get3A_536 = arith.constant 0 : index
    %get3A_537 = arith.constant 0 : index
    %get3A_538 = vector.load %arg1[%get3A_535, %get3A_536, %get3A_537] : memref<32x168x16xf32, #tpu.memory_space<vmem>>, vector<1x81x16xf32>
    %get3A_539 = vector.shape_cast %get3A_538 : vector<1x81x16xf32> to vector<81x16xf32>
    %add3A_540 = arith.addf %add3A_528, %get3A_539 : vector<81x16xf32>
    %broadcast_in_dim3A_541 = arith.constant 0.000000e+00 : f32
    %broadcast_in_dim3A_542 = vector.broadcast %broadcast_in_dim3A_541 : f32 to vector<81x256xf32>
    %broadcast_in_dim3A_543 = arith.constant 0.000000e+00 : f32
    %broadcast_in_dim3A_544 = vector.broadcast %broadcast_in_dim3A_543 : f32 to vector<81x16xf32>
    %get3A_545 = arith.constant 19 : index
    %get3A_546 = arith.constant 81 : index
    %get3A_547 = arith.constant 0 : index
    %get3A_548 = vector.load %arg0[%get3A_545, %get3A_546, %get3A_547] : memref<32x168x256xf32, #tpu.memory_space<vmem>>, vector<1x81x256xf32>
    %get3A_549 = vector.shape_cast %get3A_548 : vector<1x81x256xf32> to vector<81x256xf32>
    %add3A_550 = arith.addf %broadcast_in_dim3A_542, %get3A_549 : vector<81x256xf32>
    %get3A_551 = arith.constant 19 : index
    %get3A_552 = arith.constant 81 : index
    %get3A_553 = arith.constant 0 : index
    %get3A_554 = vector.load %arg1[%get3A_551, %get3A_552, %get3A_553] : memref<32x168x16xf32, #tpu.memory_space<vmem>>, vector<1x81x16xf32>
    %get3A_555 = vector.shape_cast %get3A_554 : vector<1x81x16xf32> to vector<81x16xf32>
    %add3A_556 = arith.addf %broadcast_in_dim3A_544, %get3A_555 : vector<81x16xf32>
    %get3A_557 = arith.constant 20 : index
    %get3A_558 = arith.constant 81 : index
    %get3A_559 = arith.constant 0 : index
    %get3A_560 = vector.load %arg0[%get3A_557, %get3A_558, %get3A_559] : memref<32x168x256xf32, #tpu.memory_space<vmem>>, vector<1x81x256xf32>
    %get3A_561 = vector.shape_cast %get3A_560 : vector<1x81x256xf32> to vector<81x256xf32>
    %add3A_562 = arith.addf %add3A_550, %get3A_561 : vector<81x256xf32>
    %get3A_563 = arith.constant 20 : index
    %get3A_564 = arith.constant 81 : index
    %get3A_565 = arith.constant 0 : index
    %get3A_566 = vector.load %arg1[%get3A_563, %get3A_564, %get3A_565] : memref<32x168x16xf32, #tpu.memory_space<vmem>>, vector<1x81x16xf32>
    %get3A_567 = vector.shape_cast %get3A_566 : vector<1x81x16xf32> to vector<81x16xf32>
    %add3A_568 = arith.addf %add3A_556, %get3A_567 : vector<81x16xf32>
    %get3A_569 = arith.constant 21 : index
    %get3A_570 = arith.constant 81 : index
    %get3A_571 = arith.constant 0 : index
    %get3A_572 = vector.load %arg0[%get3A_569, %get3A_570, %get3A_571] : memref<32x168x256xf32, #tpu.memory_space<vmem>>, vector<1x81x256xf32>
    %get3A_573 = vector.shape_cast %get3A_572 : vector<1x81x256xf32> to vector<81x256xf32>
    %add3A_574 = arith.addf %add3A_562, %get3A_573 : vector<81x256xf32>
    %get3A_575 = arith.constant 21 : index
    %get3A_576 = arith.constant 81 : index
    %get3A_577 = arith.constant 0 : index
    %get3A_578 = vector.load %arg1[%get3A_575, %get3A_576, %get3A_577] : memref<32x168x16xf32, #tpu.memory_space<vmem>>, vector<1x81x16xf32>
    %get3A_579 = vector.shape_cast %get3A_578 : vector<1x81x16xf32> to vector<81x16xf32>
    %add3A_580 = arith.addf %add3A_568, %get3A_579 : vector<81x16xf32>
    %get3A_581 = arith.constant 22 : index
    %get3A_582 = arith.constant 81 : index
    %get3A_583 = arith.constant 0 : index
    %get3A_584 = vector.load %arg0[%get3A_581, %get3A_582, %get3A_583] : memref<32x168x256xf32, #tpu.memory_space<vmem>>, vector<1x81x256xf32>
    %get3A_585 = vector.shape_cast %get3A_584 : vector<1x81x256xf32> to vector<81x256xf32>
    %add3A_586 = arith.addf %add3A_574, %get3A_585 : vector<81x256xf32>
    %get3A_587 = arith.constant 22 : index
    %get3A_588 = arith.constant 81 : index
    %get3A_589 = arith.constant 0 : index
    %get3A_590 = vector.load %arg1[%get3A_587, %get3A_588, %get3A_589] : memref<32x168x16xf32, #tpu.memory_space<vmem>>, vector<1x81x16xf32>
    %get3A_591 = vector.shape_cast %get3A_590 : vector<1x81x16xf32> to vector<81x16xf32>
    %add3A_592 = arith.addf %add3A_580, %get3A_591 : vector<81x16xf32>
    %get3A_593 = arith.constant 23 : index
    %get3A_594 = arith.constant 81 : index
    %get3A_595 = arith.constant 0 : index
    %get3A_596 = vector.load %arg0[%get3A_593, %get3A_594, %get3A_595] : memref<32x168x256xf32, #tpu.memory_space<vmem>>, vector<1x81x256xf32>
    %get3A_597 = vector.shape_cast %get3A_596 : vector<1x81x256xf32> to vector<81x256xf32>
    %add3A_598 = arith.addf %add3A_586, %get3A_597 : vector<81x256xf32>
    %get3A_599 = arith.constant 23 : index
    %get3A_600 = arith.constant 81 : index
    %get3A_601 = arith.constant 0 : index
    %get3A_602 = vector.load %arg1[%get3A_599, %get3A_600, %get3A_601] : memref<32x168x16xf32, #tpu.memory_space<vmem>>, vector<1x81x16xf32>
    %get3A_603 = vector.shape_cast %get3A_602 : vector<1x81x16xf32> to vector<81x16xf32>
    %add3A_604 = arith.addf %add3A_592, %get3A_603 : vector<81x16xf32>
    %get3A_605 = arith.constant 24 : index
    %get3A_606 = arith.constant 81 : index
    %get3A_607 = arith.constant 0 : index
    %get3A_608 = vector.load %arg0[%get3A_605, %get3A_606, %get3A_607] : memref<32x168x256xf32, #tpu.memory_space<vmem>>, vector<1x81x256xf32>
    %get3A_609 = vector.shape_cast %get3A_608 : vector<1x81x256xf32> to vector<81x256xf32>
    %add3A_610 = arith.addf %add3A_598, %get3A_609 : vector<81x256xf32>
    %get3A_611 = arith.constant 24 : index
    %get3A_612 = arith.constant 81 : index
    %get3A_613 = arith.constant 0 : index
    %get3A_614 = vector.load %arg1[%get3A_611, %get3A_612, %get3A_613] : memref<32x168x16xf32, #tpu.memory_space<vmem>>, vector<1x81x16xf32>
    %get3A_615 = vector.shape_cast %get3A_614 : vector<1x81x16xf32> to vector<81x16xf32>
    %add3A_616 = arith.addf %add3A_604, %get3A_615 : vector<81x16xf32>
    %get3A_617 = arith.constant 25 : index
    %get3A_618 = arith.constant 0 : index
    %get3A_619 = arith.constant 0 : index
    %get3A_620 = vector.load %arg0[%get3A_617, %get3A_618, %get3A_619] : memref<32x168x256xf32, #tpu.memory_space<vmem>>, vector<1x81x256xf32>
    %get3A_621 = vector.shape_cast %get3A_620 : vector<1x81x256xf32> to vector<81x256xf32>
    %add3A_622 = arith.addf %add3A_610, %get3A_621 : vector<81x256xf32>
    %get3A_623 = arith.constant 25 : index
    %get3A_624 = arith.constant 0 : index
    %get3A_625 = arith.constant 0 : index
    %get3A_626 = vector.load %arg1[%get3A_623, %get3A_624, %get3A_625] : memref<32x168x16xf32, #tpu.memory_space<vmem>>, vector<1x81x16xf32>
    %get3A_627 = vector.shape_cast %get3A_626 : vector<1x81x16xf32> to vector<81x16xf32>
    %add3A_628 = arith.addf %add3A_616, %get3A_627 : vector<81x16xf32>
    %get3A_629 = arith.constant 26 : index
    %get3A_630 = arith.constant 0 : index
    %get3A_631 = arith.constant 0 : index
    %get3A_632 = vector.load %arg0[%get3A_629, %get3A_630, %get3A_631] : memref<32x168x256xf32, #tpu.memory_space<vmem>>, vector<1x81x256xf32>
    %get3A_633 = vector.shape_cast %get3A_632 : vector<1x81x256xf32> to vector<81x256xf32>
    %add3A_634 = arith.addf %add3A_622, %get3A_633 : vector<81x256xf32>
    %get3A_635 = arith.constant 26 : index
    %get3A_636 = arith.constant 0 : index
    %get3A_637 = arith.constant 0 : index
    %get3A_638 = vector.load %arg1[%get3A_635, %get3A_636, %get3A_637] : memref<32x168x16xf32, #tpu.memory_space<vmem>>, vector<1x81x16xf32>
    %get3A_639 = vector.shape_cast %get3A_638 : vector<1x81x16xf32> to vector<81x16xf32>
    %add3A_640 = arith.addf %add3A_628, %get3A_639 : vector<81x16xf32>
    %get3A_641 = arith.constant 27 : index
    %get3A_642 = arith.constant 0 : index
    %get3A_643 = arith.constant 0 : index
    %get3A_644 = vector.load %arg0[%get3A_641, %get3A_642, %get3A_643] : memref<32x168x256xf32, #tpu.memory_space<vmem>>, vector<1x81x256xf32>
    %get3A_645 = vector.shape_cast %get3A_644 : vector<1x81x256xf32> to vector<81x256xf32>
    %add3A_646 = arith.addf %add3A_634, %get3A_645 : vector<81x256xf32>
    %get3A_647 = arith.constant 27 : index
    %get3A_648 = arith.constant 0 : index
    %get3A_649 = arith.constant 0 : index
    %get3A_650 = vector.load %arg1[%get3A_647, %get3A_648, %get3A_649] : memref<32x168x16xf32, #tpu.memory_space<vmem>>, vector<1x81x16xf32>
    %get3A_651 = vector.shape_cast %get3A_650 : vector<1x81x16xf32> to vector<81x16xf32>
    %add3A_652 = arith.addf %add3A_640, %get3A_651 : vector<81x16xf32>
    %get3A_653 = arith.constant 28 : index
    %get3A_654 = arith.constant 0 : index
    %get3A_655 = arith.constant 0 : index
    %get3A_656 = vector.load %arg0[%get3A_653, %get3A_654, %get3A_655] : memref<32x168x256xf32, #tpu.memory_space<vmem>>, vector<1x81x256xf32>
    %get3A_657 = vector.shape_cast %get3A_656 : vector<1x81x256xf32> to vector<81x256xf32>
    %add3A_658 = arith.addf %add3A_646, %get3A_657 : vector<81x256xf32>
    %get3A_659 = arith.constant 28 : index
    %get3A_660 = arith.constant 0 : index
    %get3A_661 = arith.constant 0 : index
    %get3A_662 = vector.load %arg1[%get3A_659, %get3A_660, %get3A_661] : memref<32x168x16xf32, #tpu.memory_space<vmem>>, vector<1x81x16xf32>
    %get3A_663 = vector.shape_cast %get3A_662 : vector<1x81x16xf32> to vector<81x16xf32>
    %add3A_664 = arith.addf %add3A_652, %get3A_663 : vector<81x16xf32>
    %get3A_665 = arith.constant 29 : index
    %get3A_666 = arith.constant 0 : index
    %get3A_667 = arith.constant 0 : index
    %get3A_668 = vector.load %arg0[%get3A_665, %get3A_666, %get3A_667] : memref<32x168x256xf32, #tpu.memory_space<vmem>>, vector<1x81x256xf32>
    %get3A_669 = vector.shape_cast %get3A_668 : vector<1x81x256xf32> to vector<81x256xf32>
    %add3A_670 = arith.addf %add3A_658, %get3A_669 : vector<81x256xf32>
    %get3A_671 = arith.constant 29 : index
    %get3A_672 = arith.constant 0 : index
    %get3A_673 = arith.constant 0 : index
    %get3A_674 = vector.load %arg1[%get3A_671, %get3A_672, %get3A_673] : memref<32x168x16xf32, #tpu.memory_space<vmem>>, vector<1x81x16xf32>
    %get3A_675 = vector.shape_cast %get3A_674 : vector<1x81x16xf32> to vector<81x16xf32>
    %add3A_676 = arith.addf %add3A_664, %get3A_675 : vector<81x16xf32>
    %get3A_677 = arith.constant 30 : index
    %get3A_678 = arith.constant 0 : index
    %get3A_679 = arith.constant 0 : index
    %get3A_680 = vector.load %arg0[%get3A_677, %get3A_678, %get3A_679] : memref<32x168x256xf32, #tpu.memory_space<vmem>>, vector<1x81x256xf32>
    %get3A_681 = vector.shape_cast %get3A_680 : vector<1x81x256xf32> to vector<81x256xf32>
    %add3A_682 = arith.addf %add3A_670, %get3A_681 : vector<81x256xf32>
    %get3A_683 = arith.constant 30 : index
    %get3A_684 = arith.constant 0 : index
    %get3A_685 = arith.constant 0 : index
    %get3A_686 = vector.load %arg1[%get3A_683, %get3A_684, %get3A_685] : memref<32x168x16xf32, #tpu.memory_space<vmem>>, vector<1x81x16xf32>
    %get3A_687 = vector.shape_cast %get3A_686 : vector<1x81x16xf32> to vector<81x16xf32>
    %add3A_688 = arith.addf %add3A_676, %get3A_687 : vector<81x16xf32>
    %get3A_689 = arith.constant 31 : index
    %get3A_690 = arith.constant 0 : index
    %get3A_691 = arith.constant 0 : index
    %get3A_692 = vector.load %arg0[%get3A_689, %get3A_690, %get3A_691] : memref<32x168x256xf32, #tpu.memory_space<vmem>>, vector<1x81x256xf32>
    %get3A_693 = vector.shape_cast %get3A_692 : vector<1x81x256xf32> to vector<81x256xf32>
    %add3A_694 = arith.addf %add3A_682, %get3A_693 : vector<81x256xf32>
    %get3A_695 = arith.constant 31 : index
    %get3A_696 = arith.constant 0 : index
    %get3A_697 = arith.constant 0 : index
    %get3A_698 = vector.load %arg1[%get3A_695, %get3A_696, %get3A_697] : memref<32x168x16xf32, #tpu.memory_space<vmem>>, vector<1x81x16xf32>
    %get3A_699 = vector.shape_cast %get3A_698 : vector<1x81x16xf32> to vector<81x16xf32>
    %add3A_700 = arith.addf %add3A_688, %get3A_699 : vector<81x16xf32>
    %broadcast_in_dim3A_701 = arith.constant 0.000000e+00 : f32
    %broadcast_in_dim3A_702 = vector.broadcast %broadcast_in_dim3A_701 : f32 to vector<107x256xf32>
    %concatenate3A = tpu.concatenate %add3A_78, %add3A_238, %add3A_386, %add3A_534, %add3A_694, %broadcast_in_dim3A_702 in 0 : vector<81x256xf32>, vector<81x256xf32>, vector<81x256xf32>, vector<81x256xf32>, vector<81x256xf32>, vector<107x256xf32> -> vector<512x256xf32>
    %broadcast_in_dim3A_703 = arith.constant 0.000000e+00 : f32
    %broadcast_in_dim3A_704 = vector.broadcast %broadcast_in_dim3A_703 : f32 to vector<107x16xf32>
    %concatenate3A_705 = tpu.concatenate %add3A_84, %add3A_244, %add3A_392, %add3A_540, %add3A_700, %broadcast_in_dim3A_704 in 0 : vector<81x16xf32>, vector<81x16xf32>, vector<81x16xf32>, vector<81x16xf32>, vector<81x16xf32>, vector<107x16xf32> -> vector<512x16xf32>
    %reduce_sum3A = arith.constant dense<0.000000e+00> : vector<512xf32>
    %reduce_sum3A_706 = vector.multi_reduction <add>, %concatenate3A_705, %reduce_sum3A [1] : vector<512x16xf32> to vector<512xf32>
    %broadcast_in_dim3A_707 = vector.shape_cast %reduce_sum3A_706 : vector<512xf32> to vector<512x1xf32>
    %gt3A = arith.constant 0.000000e+00 : f32
    %gt3A_708 = vector.broadcast %gt3A : f32 to vector<512x1xf32>
    %gt3A_709 = arith.cmpf ogt, %broadcast_in_dim3A_707, %gt3A_708 : vector<512x1xf32>
    %convert_element_type3A = arith.extui %gt3A_709 : vector<512x1xi1> to vector<512x1xi32>
    %convert_element_type3A_710 = arith.sitofp %convert_element_type3A : vector<512x1xi32> to vector<512x1xf32>
    %max3A = arith.constant 1.000000e+00 : f32
    %max3A_711 = vector.broadcast %max3A : f32 to vector<512x1xf32>
    %max3A_712 = arith.maximumf %broadcast_in_dim3A_707, %max3A_711 : vector<512x1xf32>
    %div3A = vector.broadcast %max3A_712 : vector<512x1xf32> to vector<512x256xf32>
    %div3A_713 = arith.divf %concatenate3A, %div3A : vector<512x256xf32>
    %gt3A_714 = arith.constant 0.000000e+00 : f32
    %gt3A_715 = vector.broadcast %gt3A_714 : f32 to vector<512x1xf32>
    %gt3A_716 = arith.cmpf ogt, %broadcast_in_dim3A_707, %gt3A_715 : vector<512x1xf32>
    %jit3A = arith.constant 0.00999999977 : f32
    %broadcast_in_dim3A_717 = vector.shape_cast %gt3A_716 : vector<512x1xi1> to vector<512x1xi1>
    %broadcast_in_dim3A_718 = vector.broadcast %broadcast_in_dim3A_717 : vector<512x1xi1> to vector<512x256xi1>
    %broadcast_in_dim3A_719 = vector.broadcast %jit3A : f32 to vector<512x256xf32>
    %select_n3A = arith.select %broadcast_in_dim3A_718, %div3A_713, %broadcast_in_dim3A_719 : vector<512x256xi1>, vector<512x256xf32>
    %get3A_720 = arith.constant 0 : index
    %get3A_721 = arith.constant 0 : index
    %get3A_722 = vector.load %arg2[%get3A_720, %get3A_721] : memref<512x256xf32, #tpu.memory_space<vmem>>, vector<512x256xf32>
    %mul3A = arith.mulf %get3A_722, %get3A_722 : vector<512x256xf32>
    %reduce_sum3A_723 = arith.constant dense<0.000000e+00> : vector<512xf32>
    %reduce_sum3A_724 = vector.multi_reduction <add>, %mul3A, %reduce_sum3A_723 [1] : vector<512x256xf32> to vector<512xf32>
    %broadcast_in_dim3A_725 = vector.shape_cast %reduce_sum3A_724 : vector<512xf32> to vector<512x1xf32>
    %max3A_726 = arith.constant 1.000000e-30 : f32
    %max3A_727 = vector.broadcast %max3A_726 : f32 to vector<512x1xf32>
    %max3A_728 = arith.maximumf %broadcast_in_dim3A_725, %max3A_727 : vector<512x1xf32>
    %rsqrt3A = math.rsqrt %max3A_728 : vector<512x1xf32>
    %mul3A_729 = vector.broadcast %rsqrt3A : vector<512x1xf32> to vector<512x256xf32>
    %mul3A_730 = arith.mulf %get3A_722, %mul3A_729 : vector<512x256xf32>
    %mul3A_731 = arith.mulf %select_n3A, %select_n3A : vector<512x256xf32>
    %reduce_sum3A_732 = arith.constant dense<0.000000e+00> : vector<512xf32>
    %reduce_sum3A_733 = vector.multi_reduction <add>, %mul3A_731, %reduce_sum3A_732 [1] : vector<512x256xf32> to vector<512xf32>
    %broadcast_in_dim3A_734 = vector.shape_cast %reduce_sum3A_733 : vector<512xf32> to vector<512x1xf32>
    %max3A_735 = arith.constant 1.000000e-30 : f32
    %max3A_736 = vector.broadcast %max3A_735 : f32 to vector<512x1xf32>
    %max3A_737 = arith.maximumf %broadcast_in_dim3A_734, %max3A_736 : vector<512x1xf32>
    %rsqrt3A_738 = math.rsqrt %max3A_737 : vector<512x1xf32>
    %mul3A_739 = vector.broadcast %rsqrt3A_738 : vector<512x1xf32> to vector<512x256xf32>
    %mul3A_740 = arith.mulf %select_n3A, %mul3A_739 : vector<512x256xf32>
    %dot_general3A = arith.constant dense<0.000000e+00> : vector<512x512xf32>
    %dot_general3A_741 = tpu.matmul %mul3A_730, %mul3A_740, %dot_general3A {dimension_numbers = #tpu.dot_dimension_numbers<[1], [1], [0], [0], [0, 0, 1, 0], [], []>, transpose_lhs_hint = false} : vector<512x256xf32>, vector<512x256xf32>, vector<512x512xf32> -> vector<512x512xf32>
    %div3A_742 = arith.constant 7.000000e-02 : f32
    %div3A_743 = vector.broadcast %div3A_742 : f32 to vector<512x512xf32>
    %div3A_744 = arith.divf %dot_general3A_741, %div3A_743 : vector<512x512xf32>
    %iota3A = tpu.iota {dimensions = array<i32: 0>} : vector<512x512xi32>
    %iota3A_745 = tpu.iota {dimensions = array<i32: 1>} : vector<512x512xi32>
    %jit3A_746 = arith.constant 5 : i32
    %eq3A = arith.constant 0 : i32
    %eq3A_747 = arith.cmpi eq, %jit3A_746, %eq3A : i32
    %jit3A_748 = arith.constant 1 : i32
    %select_n3A_749 = arith.select %eq3A_747, %jit3A_748, %jit3A_746 : i32
    %rem3A = vector.broadcast %select_n3A_749 : i32 to vector<512x512xi32>
    %rem3A_750 = arith.remsi %iota3A, %rem3A : vector<512x512xi32>
    %ne3A = arith.constant 0 : i32
    %ne3A_751 = vector.broadcast %ne3A : i32 to vector<512x512xi32>
    %ne3A_752 = arith.cmpi ne, %rem3A_750, %ne3A_751 : vector<512x512xi32>
    %lt3A = arith.constant 0 : i32
    %lt3A_753 = vector.broadcast %lt3A : i32 to vector<512x512xi32>
    %lt3A_754 = arith.cmpi slt, %rem3A_750, %lt3A_753 : vector<512x512xi32>
    %lt3A_755 = arith.constant 0 : i32
    %lt3A_756 = arith.cmpi slt, %select_n3A_749, %lt3A_755 : i32
    %ne3A_757 = vector.broadcast %lt3A_756 : i1 to vector<512x512xi1>
    %ne3A_758 = vector.broadcast %ne3A_757 : vector<512x512xi1> to vector<512x512xi1>
    %ne3A_759 = arith.xori %lt3A_754, %ne3A_758 : vector<512x512xi1>
    %and3A = arith.andi %ne3A_759, %ne3A_752 : vector<512x512xi1>
    %add3A_760 = vector.broadcast %select_n3A_749 : i32 to vector<512x512xi32>
    %add3A_761 = arith.addi %rem3A_750, %add3A_760 : vector<512x512xi32>
    %select_n3A_762 = arith.select %and3A, %add3A_761, %rem3A_750 : vector<512x512xi1>, vector<512x512xi32>
    %jit3A_763 = arith.constant 81 : i32
    %div3A_764 = vector.broadcast %jit3A_763 : i32 to vector<512x512xi32>
    %div3A_765 = arith.divsi %iota3A_745, %div3A_764 : vector<512x512xi32>
    %sign3A = arith.constant 0 : i32
    %sign3A_766 = vector.broadcast %sign3A : i32 to vector<512x512xi32>
    %sign3A_767 = arith.cmpi sgt, %iota3A_745, %sign3A_766 : vector<512x512xi32>
    %sign3A_768 = arith.extui %sign3A_767 : vector<512x512xi1> to vector<512x512xi32>
    %sign3A_769 = arith.constant 0 : i32
    %sign3A_770 = vector.broadcast %sign3A_769 : i32 to vector<512x512xi32>
    %sign3A_771 = arith.cmpi slt, %iota3A_745, %sign3A_770 : vector<512x512xi32>
    %sign3A_772 = arith.extui %sign3A_771 : vector<512x512xi1> to vector<512x512xi32>
    %sign3A_773 = arith.subi %sign3A_768, %sign3A_772 : vector<512x512xi32>
    %sign3A_774 = arith.constant 0 : i32
    %sign3A_775 = arith.cmpi sgt, %jit3A_763, %sign3A_774 : i32
    %sign3A_776 = arith.extui %sign3A_775 : i1 to i32
    %sign3A_777 = arith.constant 0 : i32
    %sign3A_778 = arith.cmpi slt, %jit3A_763, %sign3A_777 : i32
    %sign3A_779 = arith.extui %sign3A_778 : i1 to i32
    %sign3A_780 = arith.subi %sign3A_776, %sign3A_779 : i32
    %ne3A_781 = vector.broadcast %sign3A_780 : i32 to vector<512x512xi32>
    %ne3A_782 = arith.cmpi ne, %sign3A_773, %ne3A_781 : vector<512x512xi32>
    %rem3A_783 = vector.broadcast %jit3A_763 : i32 to vector<512x512xi32>
    %rem3A_784 = arith.remsi %iota3A_745, %rem3A_783 : vector<512x512xi32>
    %ne3A_785 = arith.constant 0 : i32
    %ne3A_786 = vector.broadcast %ne3A_785 : i32 to vector<512x512xi32>
    %ne3A_787 = arith.cmpi ne, %rem3A_784, %ne3A_786 : vector<512x512xi32>
    %and3A_788 = arith.andi %ne3A_782, %ne3A_787 : vector<512x512xi1>
    %sub3A = arith.constant 1 : i32
    %sub3A_789 = vector.broadcast %sub3A : i32 to vector<512x512xi32>
    %sub3A_790 = arith.subi %div3A_765, %sub3A_789 : vector<512x512xi32>
    %select_n3A_791 = arith.select %and3A_788, %sub3A_790, %div3A_765 : vector<512x512xi1>, vector<512x512xi32>
    %eq3A_792 = arith.cmpi eq, %select_n3A_791, %select_n3A_762 : vector<512x512xi32>
    %jit3A_793 = arith.constant -1.000000e+30 : f32
    %broadcast_in_dim3A_794 = vector.broadcast %jit3A_793 : f32 to vector<512x512xf32>
    %select_n3A_795 = arith.select %eq3A_792, %div3A_744, %broadcast_in_dim3A_794 : vector<512x512xi1>, vector<512x512xf32>
    %reduce_max3A = arith.constant dense<0xFF800000> : vector<512xf32>
    %reduce_max3A_796 = vector.multi_reduction <maximumf>, %select_n3A_795, %reduce_max3A [1] : vector<512x512xf32> to vector<512xf32>
    %broadcast_in_dim3A_797 = vector.shape_cast %reduce_max3A_796 : vector<512xf32> to vector<512x1xf32>
    %sub3A_798 = vector.broadcast %broadcast_in_dim3A_797 : vector<512x1xf32> to vector<512x512xf32>
    %sub3A_799 = arith.subf %select_n3A_795, %sub3A_798 : vector<512x512xf32>
    %exp3A = math.exp %sub3A_799 : vector<512x512xf32>
    %reduce_sum3A_800 = arith.constant dense<0.000000e+00> : vector<512xf32>
    %reduce_sum3A_801 = vector.multi_reduction <add>, %exp3A, %reduce_sum3A_800 [1] : vector<512x512xf32> to vector<512xf32>
    %broadcast_in_dim3A_802 = vector.shape_cast %reduce_sum3A_801 : vector<512xf32> to vector<512x1xf32>
    %log3A = math.log %broadcast_in_dim3A_802 : vector<512x1xf32>
    %add3A_803 = arith.addf %log3A, %broadcast_in_dim3A_797 : vector<512x1xf32>
    %mul3A_804 = arith.constant 81 : i32
    %mul3A_805 = vector.broadcast %mul3A_804 : i32 to vector<512x512xi32>
    %mul3A_806 = arith.muli %select_n3A_762, %mul3A_805 : vector<512x512xi32>
    %jit3A_807 = arith.constant 81 : i32
    %eq3A_808 = arith.constant 0 : i32
    %eq3A_809 = arith.cmpi eq, %jit3A_807, %eq3A_808 : i32
    %jit3A_810 = arith.constant 1 : i32
    %select_n3A_811 = arith.select %eq3A_809, %jit3A_810, %jit3A_807 : i32
    %rem3A_812 = vector.broadcast %select_n3A_811 : i32 to vector<512x512xi32>
    %rem3A_813 = arith.remsi %iota3A, %rem3A_812 : vector<512x512xi32>
    %ne3A_814 = arith.constant 0 : i32
    %ne3A_815 = vector.broadcast %ne3A_814 : i32 to vector<512x512xi32>
    %ne3A_816 = arith.cmpi ne, %rem3A_813, %ne3A_815 : vector<512x512xi32>
    %lt3A_817 = arith.constant 0 : i32
    %lt3A_818 = vector.broadcast %lt3A_817 : i32 to vector<512x512xi32>
    %lt3A_819 = arith.cmpi slt, %rem3A_813, %lt3A_818 : vector<512x512xi32>
    %lt3A_820 = arith.constant 0 : i32
    %lt3A_821 = arith.cmpi slt, %select_n3A_811, %lt3A_820 : i32
    %ne3A_822 = vector.broadcast %lt3A_821 : i1 to vector<512x512xi1>
    %ne3A_823 = vector.broadcast %ne3A_822 : vector<512x512xi1> to vector<512x512xi1>
    %ne3A_824 = arith.xori %lt3A_819, %ne3A_823 : vector<512x512xi1>
    %and3A_825 = arith.andi %ne3A_824, %ne3A_816 : vector<512x512xi1>
    %add3A_826 = vector.broadcast %select_n3A_811 : i32 to vector<512x512xi32>
    %add3A_827 = arith.addi %rem3A_813, %add3A_826 : vector<512x512xi32>
    %select_n3A_828 = arith.select %and3A_825, %add3A_827, %rem3A_813 : vector<512x512xi1>, vector<512x512xi32>
    %add3A_829 = arith.addi %mul3A_806, %select_n3A_828 : vector<512x512xi32>
    %eq3A_830 = arith.cmpi eq, %iota3A_745, %add3A_829 : vector<512x512xi32>
    %jit3A_831 = arith.constant 0.000000e+00 : f32
    %broadcast_in_dim3A_832 = vector.broadcast %jit3A_831 : f32 to vector<512x512xf32>
    %select_n3A_833 = arith.select %eq3A_830, %div3A_744, %broadcast_in_dim3A_832 : vector<512x512xi1>, vector<512x512xf32>
    %reduce_sum3A_834 = arith.constant dense<0.000000e+00> : vector<512xf32>
    %reduce_sum3A_835 = vector.multi_reduction <add>, %select_n3A_833, %reduce_sum3A_834 [1] : vector<512x512xf32> to vector<512xf32>
    %broadcast_in_dim3A_836 = vector.shape_cast %reduce_sum3A_835 : vector<512xf32> to vector<512x1xf32>
    %sub3A_837 = arith.subf %add3A_803, %broadcast_in_dim3A_836 : vector<512x1xf32>
    %mul3A_838 = arith.constant 81 : i32
    %mul3A_839 = vector.broadcast %mul3A_838 : i32 to vector<512x512xi32>
    %mul3A_840 = arith.muli %select_n3A_762, %mul3A_839 : vector<512x512xi32>
    %jit3A_841 = arith.constant 5 : i32
    %div3A_842 = vector.broadcast %jit3A_841 : i32 to vector<512x512xi32>
    %div3A_843 = arith.divsi %iota3A, %div3A_842 : vector<512x512xi32>
    %sign3A_844 = arith.constant 0 : i32
    %sign3A_845 = vector.broadcast %sign3A_844 : i32 to vector<512x512xi32>
    %sign3A_846 = arith.cmpi sgt, %iota3A, %sign3A_845 : vector<512x512xi32>
    %sign3A_847 = arith.extui %sign3A_846 : vector<512x512xi1> to vector<512x512xi32>
    %sign3A_848 = arith.constant 0 : i32
    %sign3A_849 = vector.broadcast %sign3A_848 : i32 to vector<512x512xi32>
    %sign3A_850 = arith.cmpi slt, %iota3A, %sign3A_849 : vector<512x512xi32>
    %sign3A_851 = arith.extui %sign3A_850 : vector<512x512xi1> to vector<512x512xi32>
    %sign3A_852 = arith.subi %sign3A_847, %sign3A_851 : vector<512x512xi32>
    %sign3A_853 = arith.constant 0 : i32
    %sign3A_854 = arith.cmpi sgt, %jit3A_841, %sign3A_853 : i32
    %sign3A_855 = arith.extui %sign3A_854 : i1 to i32
    %sign3A_856 = arith.constant 0 : i32
    %sign3A_857 = arith.cmpi slt, %jit3A_841, %sign3A_856 : i32
    %sign3A_858 = arith.extui %sign3A_857 : i1 to i32
    %sign3A_859 = arith.subi %sign3A_855, %sign3A_858 : i32
    %ne3A_860 = vector.broadcast %sign3A_859 : i32 to vector<512x512xi32>
    %ne3A_861 = arith.cmpi ne, %sign3A_852, %ne3A_860 : vector<512x512xi32>
    %rem3A_862 = vector.broadcast %jit3A_841 : i32 to vector<512x512xi32>
    %rem3A_863 = arith.remsi %iota3A, %rem3A_862 : vector<512x512xi32>
    %ne3A_864 = arith.constant 0 : i32
    %ne3A_865 = vector.broadcast %ne3A_864 : i32 to vector<512x512xi32>
    %ne3A_866 = arith.cmpi ne, %rem3A_863, %ne3A_865 : vector<512x512xi32>
    %and3A_867 = arith.andi %ne3A_861, %ne3A_866 : vector<512x512xi1>
    %sub3A_868 = arith.constant 1 : i32
    %sub3A_869 = vector.broadcast %sub3A_868 : i32 to vector<512x512xi32>
    %sub3A_870 = arith.subi %div3A_843, %sub3A_869 : vector<512x512xi32>
    %select_n3A_871 = arith.select %and3A_867, %sub3A_870, %div3A_843 : vector<512x512xi1>, vector<512x512xi32>
    %add3A_872 = arith.addi %mul3A_840, %select_n3A_871 : vector<512x512xi32>
    %reshape3A = vector.shape_cast %convert_element_type3A_710 : vector<512x1xf32> to vector<1x512xf32>
    %eq3A_873 = arith.cmpi eq, %iota3A_745, %add3A_872 : vector<512x512xi32>
    %jit3A_874 = arith.constant 0.000000e+00 : f32
    %broadcast_in_dim3A_875 = vector.shape_cast %reshape3A : vector<1x512xf32> to vector<1x512xf32>
    %broadcast_in_dim3A_876 = vector.broadcast %broadcast_in_dim3A_875 : vector<1x512xf32> to vector<512x512xf32>
    %broadcast_in_dim3A_877 = vector.broadcast %jit3A_874 : f32 to vector<512x512xf32>
    %select_n3A_878 = arith.select %eq3A_873, %broadcast_in_dim3A_876, %broadcast_in_dim3A_877 : vector<512x512xi1>, vector<512x512xf32>
    %reduce_sum3A_879 = arith.constant dense<0.000000e+00> : vector<512xf32>
    %reduce_sum3A_880 = vector.multi_reduction <add>, %select_n3A_878, %reduce_sum3A_879 [1] : vector<512x512xf32> to vector<512xf32>
    %broadcast_in_dim3A_881 = vector.shape_cast %reduce_sum3A_880 : vector<512xf32> to vector<512x1xf32>
    %iota3A_882 = tpu.iota {dimensions = array<i32: 0>} : vector<512x1xi32>
    %lt3A_883 = arith.constant 405 : i32
    %lt3A_884 = vector.broadcast %lt3A_883 : i32 to vector<512x1xi32>
    %lt3A_885 = arith.cmpi slt, %iota3A_882, %lt3A_884 : vector<512x1xi32>
    %jit3A_886 = arith.constant 0.000000e+00 : f32
    %broadcast_in_dim3A_887 = vector.broadcast %jit3A_886 : f32 to vector<512x1xf32>
    %select_n3A_888 = arith.select %lt3A_885, %broadcast_in_dim3A_881, %broadcast_in_dim3A_887 : vector<512x1xi1>, vector<512x1xf32>
    %mul3A_889 = arith.mulf %sub3A_837, %select_n3A_888 : vector<512x1xf32>
    %reduce_sum3A_890 = arith.constant dense<0.000000e+00> : vector<1xf32>
    %reduce_sum3A_891 = vector.multi_reduction <add>, %mul3A_889, %reduce_sum3A_890 [0] : vector<512x1xf32> to vector<1xf32>
    %broadcast_in_dim3A_892 = vector.shape_cast %reduce_sum3A_891 : vector<1xf32> to vector<1x1xf32>
    %reduce_sum3A_893 = arith.constant dense<0.000000e+00> : vector<1xf32>
    %reduce_sum3A_894 = vector.multi_reduction <add>, %select_n3A_888, %reduce_sum3A_893 [0] : vector<512x1xf32> to vector<1xf32>
    %broadcast_in_dim3A_895 = vector.shape_cast %reduce_sum3A_894 : vector<1xf32> to vector<1x1xf32>
    %max3A_896 = arith.constant 1.000000e+00 : f32
    %max3A_897 = vector.broadcast %max3A_896 : f32 to vector<1x1xf32>
    %max3A_898 = arith.maximumf %broadcast_in_dim3A_895, %max3A_897 : vector<1x1xf32>
    %div3A_899 = arith.divf %broadcast_in_dim3A_892, %max3A_898 : vector<1x1xf32>
    %swap3A = arith.constant 0 : index
    %swap3A_900 = arith.constant 0 : index
    %swap3A_901 = vector.load %arg3[%swap3A, %swap3A_900] : memref<1x1xf32, #tpu.memory_space<vmem>>, vector<1x1xf32>
    tpu.vector_store %arg3[%swap3A, %swap3A_900], %div3A_899 {strides = array<i32>} : memref<1x1xf32, #tpu.memory_space<vmem>>, vector<1x1xf32>,
    return
  }
}

</mosaic_0001>

<sc_bundles>
// kernel: kernel.4.cloned.1.call-start
scs
__scs_entry_jumppad:
0x0: {  	(pc) =	sbr.rel $0x88, $3  }
0x1: {  	(tag) =	ssettag $0x0;
	lr =	simm.s32 $0x1  }
0x2: {  	[smem:$0x3F9D] =	sst lr;
	_ =	strace $0xD0000000  }
0x3: {  	_ = 	snop  }
0x4: {  	_ = 	snop  }
0x5: {  	_ = 	snop  }
0x6: {  	_ = 	snop  }
0x7: {  	_ = 	snop  }
__scs_overlays_trampoline_lowered:
0x8: {  	[smem:$0x3FAC] =	sst s0  }
0x9: {  	[smem:$0x3FAD] =	sst s1  }
0xa: {  	[smem:$0x3FAE] =	sst s2  }
0xb: {  	[smem:$0x3FAF] =	sst s3  }
0xc: {  	[smem:$0x3FB0] =	sst s4  }
0xd: {  	[smem:$0x3FB1] =	sst s5  }
0xe: {  	[smem:$0x3FB2] =	sst s6  }
0xf: {  	[smem:$0x3FB3] =	sst s7  }
0x10: {  	[smem:$0x3FB4] =	sst s8  }
0x11: {  	[smem:$0x3FB5] =	sst s9;
	s0 =	simm.s32 @!p0 $0x0  }
0x12: {  	s1 =	sld [smem:$0x3F9B];
	s0 =	simm.s32 @p0 $0x1  }
0x13: {  	[smem:$0x3FB6] =	sst s0;
	s0 =	simm.s32 @!p1 $0x0  }
0x14: {  	s2 =	sld [smem:$0x3F9A];
	s0 =	simm.s32 @p1 $0x1  }
0x15: {  	[smem:$0x3FB7] =	sst s0;
	s0 =	simm.s32 @!p2 $0x0  }
0x16: {  	s3 =	sld [smem:$0x3FDB];
	s0 =	simm.s32 @p2 $0x1  }
0x17: {  	s4 =	simm.s32 $0x1BF5;
	[smem:$0x3FB9] =	sst s0  }
0x18: {  	s0 =	sld [smem:$0x3F9C];
	_ =	swait.ge [sflag:s4], $0x0  }
0x19: {  	s7 =	sld [smem:$0x3F9D]  }
0x1a: {  	s8 =	sadd.s32 $0xFFFFE003, lr  }
0x1b: {  	s9 =	sadd.s32 $0xFFFFFEF7, lr;
	s5 =	simm.s32 $0xFFFFFFFF;
	p2 =	slt.u32 s8, $0xFFFFF086  }
0x1c: {  	p1 =	slt.u32 s9, $0xF7A;
	s5 =	simm.s32 @!p2 $0x0  }
0x1d: {  	s5 =	simm.s32 @p1 $0x1;
	p0 =	seq.s32 s7, s2  }
0x1e: {  	s7 =	smul.u32 @!p0 $0xF7A, s2;
	p2 =	seq.s32 @!p0 s5, $0x0  }
0x1f: {  	s9 =	smul.u32 $0xF7A, s1;
	s8 =	simm.s32 @!p0 $0x1BF5;
	p2 =	por !p2, p0  }
0x20: {  	[sflag:s8] =	ssyncset.s32 @!p0 $0xFFFFF086;
	s6 =	sadd.s32 @!p0 s3, s7;
	s7 =	simm.s32 @!p0 $0x108  }
0x21: {  	s3 =	sadd.s32 s3, s9;
	s6 =	sadd.s32 @!p0 $0x88, s6;
	s7 =	simm.s32 @p2 $0x1082  }
0x22: {  	[simem:s7], [sflag:s8] =	dma.local @!p0 [hbm:s6], $0xF7A  }
0x23: {  	s9 =	sor.u32 $0xD0000000, s2;
	s6 =	simm.s32 $0x108;
	_ =	swait.ge @!p0 [sflag:s8], $0x0  }
0x24: {  	s3 =	sadd.s32 $0x88, s3;
	s6 =	simm.s32 @!p1 $0x1082;
	[sflag:s4] =	ssyncset.s32 $0xFFFFF086  }
0x25: {  	[simem:s6], [sflag:s4] =	dma.local [hbm:s3], $0xF7A  }
0x26: {  	[smem:$0x3F9D] =	sst s1;
	(tag) =	ssettag s2;
	_ =	strace s9  }
0x27: {  	s1 =	sld [smem:$0x3FAD]  }
0x28: {  	s2 =	sld [smem:$0x3FAE]  }
0x29: {  	s4 =	sld [smem:$0x3FB0]  }
0x2a: {  	p0 =	seq.s32 s5, $0x0;
	s5 =	sld [smem:$0x3FB1]  }
0x2b: {  	s6 =	sld [smem:$0x3FB2]  }
0x2c: {  	s7 =	sld [smem:$0x3FB3]  }
0x2d: {  	s3 =	simm.s32 $0x108;
	s8 =	sld [smem:$0x3FB4]  }
0x2e: {  	s3 =	simm.s32 @!p0 $0x1082;
	s9 =	sld [smem:$0x3FB5]  }
0x2f: {  	lr =	sadd.s32 s0, s3;
	s0 =	sld [smem:$0x3FAC]  }
0x30: {  	s3 =	sld [smem:$0x3FAF]  }
0x31: {  	[smem:$0x3FB8] =	sst s10  }
0x32: {  	s10 =	sld [smem:$0x3FB6];
	_ =	sdelay $0x3  }
0x33: {  	p0 =	seq.s32 s10, $0x1;
	s10 =	sld [smem:$0x3FB8];
	_ =	sdelay $0x3  }
0x34: {  	[smem:$0x3FB8] =	sst s10  }
0x35: {  	s10 =	sld [smem:$0x3FB7];
	_ =	sdelay $0x3  }
0x36: {  	p1 =	seq.s32 s10, $0x1;
	s10 =	sld [smem:$0x3FB8];
	_ =	sdelay $0x3  }
0x37: {  	[smem:$0x3FB8] =	sst s10  }
0x38: {  	s10 =	sld [smem:$0x3FB9]  }
0x39: {  	_ = 	snop;
	(pc) =	sbr.ind lr, $3  }
0x3a: {  	_ = 	snop  }
0x3b: {  	_ = 	snop  }
0x3c: {  	p2 =	seq.s32 s10, $0x1;
	s10 =	sld [smem:$0x3FB8]  }
0x3d: {  	_ =	shalt  }
0x3e: {  	_ =	shalt  }
0x3f: {  	_ =	shalt  }
0x40: {  	_ =	shalt  }
0x41: {  	_ =	shalt  }
0x42: {  	_ =	shalt  }
0x43: {  	_ =	shalt  }
0x44: {  	_ =	shalt  }
0x45: {  	_ =	shalt  }
0x46: {  	_ =	shalt  }
0x47: {  	_ =	shalt  }
0x48: {  	_ =	shalt  }
0x49: {  	_ =	shalt  }
0x4a: {  	_ =	shalt  }
0x4b: {  	_ =	shalt  }
0x4c: {  	_ =	shalt  }
0x4d: {  	_ =	shalt  }
0x4e: {  	_ =	shalt  }
0x4f: {  	_ =	shalt  }
0x50: {  	_ =	shalt  }
0x51: {  	_ =	shalt  }
0x52: {  	_ =	shalt  }
0x53: {  	_ =	shalt  }
0x54: {  	_ =	shalt  }
0x55: {  	_ =	shalt  }
0x56: {  	_ =	shalt  }
0x57: {  	_ =	shalt  }
0x58: {  	_ =	shalt  }
0x59: {  	_ =	shalt  }
0x5a: {  	_ =	shalt  }
0x5b: {  	_ =	shalt  }
0x5c: {  	_ =	shalt  }
0x5d: {  	_ =	shalt  }
0x5e: {  	_ =	shalt  }
0x5f: {  	_ =	shalt  }
0x60: {  	_ =	shalt  }
0x61: {  	_ =	shalt  }
0x62: {  	_ =	shalt  }
0x63: {  	_ =	shalt  }
0x64: {  	_ =	shalt  }
0x65: {  	_ =	shalt  }
0x66: {  	_ =	shalt  }
0x67: {  	_ =	shalt  }
0x68: {  	_ =	shalt  }
0x69: {  	_ =	shalt  }
0x6a: {  	_ =	shalt  }
0x6b: {  	_ =	shalt  }
0x6c: {  	_ =	shalt  }
0x6d: {  	_ =	shalt  }
0x6e: {  	_ =	shalt  }
0x6f: {  	_ =	shalt  }
0x70: {  	_ =	shalt  }
0x71: {  	_ =	shalt  }
0x72: {  	_ =	shalt  }
0x73: {  	_ =	shalt  }
0x74: {  	_ =	shalt  }
0x75: {  	_ =	shalt  }
0x76: {  	_ =	shalt  }
0x77: {  	_ =	shalt  }
0x78: {  	_ =	shalt  }
0x79: {  	_ =	shalt  }
0x7a: {  	_ =	shalt  }
0x7b: {  	_ =	shalt  }
0x7c: {  	_ =	shalt  }
0x7d: {  	_ =	shalt  }
0x7e: {  	_ =	shalt  }
0x7f: {  	_ =	shalt  }
0x80: {  	_ =	shalt  }
0x81: {  	_ =	shalt  }
0x82: {  	_ =	shalt  }
0x83: {  	_ =	shalt  }
0x84: {  	_ =	shalt  }
0x85: {  	_ =	shalt  }
0x86: {  	_ =	shalt  }
0x87: {  	_ =	shalt  }
.Lfunc_end0:
.L_simem_size_0:
called_computation_lowered:
.L_overlay_start_0:
0x88: {  	s2 =	sld [smem:$0x3FD9]  }
0x89: {  	s3 =	sld [smem:$0x3FFE];
	_ =	sdelay $0x1  }
0x8a: {  	s1 =	srdreg.scid  }
0x8b: {  	s0 =	sand.u32 $0x1, s1  }
0x8c: {  	s17 =	sshll.u32 s0, $0xA;
	s2 =	sadd.s32 s3, s2  }
0x8d: {  	s2 =	sadd.s32 s2, s17  }
0x8e: {  	[smem:$0x3FC4] =	sst s2  }
0x8f: {  	_ = 	snop  }
0x90: {  	s2 =	sld [smem:$0x3FC9]  }
0x91: {  	s18 =	sld [smem:$0x3FC8];
	(tm) =	ssettm $0x1  }
0x92: {  	s4 =	sld [smem:$0x3FFB];
	_ =	sdelay $0x3  }
0x93: {  	_ =	strace s4  }
0x94: {  	s4 =	sld [smem:$0x3FFC];
	_ =	sdelay $0x3  }
0x95: {  	_ =	strace s4  }
0x96: {  	s4 =	sld [smem:$0x3FFD];
	_ =	sdelay $0x3  }
0x97: {  	_ =	strace s4  }
0x98: {  	_ =	strace $0x8FFFFFFF  }
0x99: {  	s19 =	sld [smem:$0x3FDB];
	_ =	sdelay $0x1  }
0x9a: {  	s5 =	simm.s32 $_scs_section_size  }
0x9b: {  	s6 =	simm.s32 $_size__tile_overlayer_lowered;
	s7 =	simm.s32 $_tile_overlayer_lowered  }
0x9c: {  	s22 =	simm.s32 $0x1BFF;
	s21 =	sshll.u32 s7, $0x1;
	s4 =	sadd.s32 s5, s19  }
0x9d: {  	s8 =	simm.s32 $0x0;
	s20 =	sshll.u32 s6, $0x1;
	s6 =	sadd.s32 s21, s4  }
0x9e: {  	[timem:s8], [sflag:s22] =	dma.local [hbm:s6], s20  }
0x9f: {  	_ =	swait.ge [sflag:s22], s20  }
0xa0: {  	s5 =	ssub.s32 $0x0, s20;
	[sflag:s22] =	ssyncset.done $0x0  }
0xa1: {  	[sflag:s22] =	ssyncadd.s32 s5;
	_ =	sdelay $0x1  }
0xa2: {  	s23 =	simm.s32 $0x1B8B  }
0xa3: {  	_ =	swait.ge [sflag:s23], $0x1  }
0xa4: {  	[sflag:s23] =	ssyncset.done $0x0  }
0xa5: {  	s25 =	simm.s32 $0x1B8E;
	s24 =	sld [smem:$0x3FFE];
	[sflag:s23] =	ssyncadd.s32 $0xFFFFFFFF  }
0xa6: {  	s26 =	simm.s32 $execute0_lowered;
	[smem:$0x3FD2] =	sst s25  }
0xa7: {  	s6 =	sshll.u32 s26, $0x1;
	_ =	strace $0x80000046;
	[dreg:$0x1] =	wrdreg $0xFFFFFFFF  }
0xa8: {  	s28 =	simm.s32 $_size_execute0_lowered;
	s4 =	sadd.s32 s4, s6;
	[dreg:$0x0] =	wrdreg $0x0  }
0xa9: {  	s6 =	sshll.u32 s28, $0x1;
	[dreg:$0x2] =	wrdreg s4  }
0xaa: {  	[dreg:$0x3] =	wrdreg s6  }
0xab: {  	[dreg:$0x4] =	wrdreg $0xC0  }
0xac: {  	_ =	task [dreg:s8], $0x5FFFF  }
0xad: {  	[dreg:$0x1] =	wrdreg $0xFFFFFFFF  }
0xae: {  	[dreg:$0x0] =	wrdreg $0x60  }
0xaf: {  	[dreg:$0x2] =	wrdreg s2  }
0xb0: {  	[dreg:$0x3] =	wrdreg s24  }
0xb1: {  	[dreg:$0x4] =	wrdreg s18  }
0xb2: {  	[dreg:$0x5] =	wrdreg $0x9  }
0xb3: {  	_ =	task.clear_ibuf [dreg:s8], $0x6FFFF;
	_ =	strace $0x90000046  }
0xb4: {  	s29 =	simm.s32 $0x9;
	_ =	strace $0x80000048  }
0xb5: {  	_ =	swait.ge [sflag:s29], $0x1  }
0xb6: {  	[sflag:s29] =	ssyncadd.s32 $0xFFFFFFFF  }
0xb7: {  	_ =	strace $0x90000048  }
0xb8: {  	_ =	sfence  }
0xb9: {  	s30 =	sld [smem:$0x0];
	_ =	sdelay $0x2  }
0xba: {  	s31 =	sshll.u32 s1, $0xD;
	s1 =	sshrl.u32 s1, $0x2  }
0xbb: {  	s3 =	sand.u32 $0x4000, s31;
	s1 =	sadd.s32 s1, s30  }
0xbc: {  	s0 =	sor.u32 s3, s0;
	s1 =	sshll.u32 s1, $0x11  }
0xbd: {  	s0 =	sor.u32 s1, s0  }
0xbe: {  	s0 =	sadd.s32 $0x8F2B, s0  }
0xbf: {  	[sflag:s0] =	ssyncadd.remote.s32 $0x1  }
0xc0: {  	_ =	sfence.sel $0xFFFF  }
0xc1: {  	[dreg:$0x0] =	wrdreg $0xFFFFFFFF;
	(pc) =	sbr.abs _section_cstart, $3  }
0xc2: {  	[dreg:$0x1] =	wrdreg $0xFFFFFFFF  }
0xc3: {  	_ =	task.clear_ibuf [dreg:s8], $0x2FFFF;
	_ =	strace $0x9FFFFFFF  }
0xc4: {  	(tm) =	ssettm $0x7FFFFFFF  }
0xc5: {  	_ =	shalt  }
tec
execute0_lowered:
.L_overlay_start_1:
0x0: {  	(tag) =	ssettag $0x1  }
0x1: {  	v0 =	vimm.s32 $0xFEDCBA9  }
0x2: {  	v1 =	vimm.s32 $0x87654321;
	v3 =	vimm.s32 $0x10FEDCBA;
	v4 =	vimm.s32 $0x98765432  }
0x3: {  	v5 =	vimm.s32 $0x210FEDCB;
	v6 =	vimm.s32 $0xA9876543;
	v19 =	vimm.s32 $0x6543210F  }
0x4: {  	v20 =	vimm.s32 $0xFEDCBA98;
	v21 =	vimm.s32 $0xEDCBA987;
	v22 =	vimm.s32 $0x76543210  }
0x5: {  	vm0 =	vmmov $0xffff;
	vm15 =	vcmask $0x300;
	vm14 =	vcmask $0x704  }
0x6: {  	vm13 =	vcmask $0xB08;
	vm12 =	vcmask $0xF0C;
	vm11 =	vcmask $0x1310  }
0x7: {  	vm10 =	vcmask $0x1714;
	vm9 =	vcmask $0x1B18;
	vm8 =	vcmask $0x1F1C  }
0x8: {  	vm7 =	vcmask $0x2320;
	vm6 =	vcmask $0x2724;
	vm5 =	vcmask $0x2B28  }
0x9: {  	vm3 =	vcmask $0x2F2C;
	vm4 =	vcmask $0x3330;
	vm2 =	vcmask $0x3734  }
0xa: {  	vm1 =	vcmask $0x3B38;
	v26 =	vimm.s32 $0x1F80;
	v27 =	vimm.s32 $0x2F80  }
0xb: {  	v28 =	vimm.s32 $0x3F80;
	v0 =	vunpack.c.l.s4.s8 v0;
	v1 =	vunpack.c.l.s4.s8 v1  }
0xc: {  	v3 =	vunpack.c.l.s4.s8 v3;
	v4 =	vunpack.c.l.s4.s8 v4;
	v5 =	vunpack.c.l.s4.s8 v5  }
0xd: {  	v20 =	vunpack.c.l.s4.s8 v20;
	v19 =	vunpack.c.l.s4.s8 v19;
	v21 =	vunpack.c.l.s4.s8 v21  }
0xe: {  	v22 =	vunpack.c.l.s4.s8 v22;
	v26 =	vsel vm15, $0x1400, v26;
	v27 =	vsel vm15, $0x2400, v27  }
0xf: {  	v28 =	vsel vm15, $0x3400, v28;
	v26 =	vsel vm14, $0x1480, v26;
	v27 =	vsel vm14, $0x2480, v27  }
0x10: {  	v28 =	vsel vm14, $0x3480, v28;
	v9 =	vunpack.c.0.s8.s32 v0;
	v10 =	vunpack.c.0.s8.s32 v1  }
0x11: {  	v0 =	vimm.f32 $0.0e+00;
	v1 =	vlaneseq.u32;
	v11 =	vunpack.c.0.s8.s32 v3  }
0x12: {  	v3 =	vunpack.c.l.s4.s8 v6;
	v12 =	vunpack.c.0.s8.s32 v4;
	v13 =	vunpack.c.0.s8.s32 v5  }
0x13: {  	v4 =	vimm.s32 $0x3210FEDC;
	v5 =	vimm.s32 $0x43210FED;
	v6 =	vimm.s32 $0xCBA98765  }
0x14: {  	v19 =	vunpack.c.0.s8.s32 v19;
	v26 =	vsel vm13, $0x1500, v26;
	v27 =	vsel vm13, $0x2500, v27  }
0x15: {  	v28 =	vsel vm13, $0x3500, v28;
	v5 =	vunpack.c.l.s4.s8 v5;
	v6 =	vunpack.c.l.s4.s8 v6  }
0x16: {  	v26 =	vsel vm12, $0x1580, v26;
	v27 =	vsel vm12, $0x2580, v27;
	v28 =	vsel vm12, $0x3580, v28  }
0x17: {  	v2 =	vcombine.low v10, v9;
	v14 =	vunpack.c.0.s8.s32 v3;
	v3 =	vunpack.c.l.s4.s8 v4  }
0x18: {  	v4 =	vimm.s32 $0xBA987654;
	v7 =	vcombine.low v12, v11;
	v10 =	vcombine.low v9, v10  }
0x19: {  	v11 =	vcombine.low v11, v12;
	v26 =	vsel vm11, $0x1600, v26;
	v27 =	vsel vm11, $0x2600, v27  }
0x1a: {  	v28 =	vsel vm11, $0x3600, v28;
	v4 =	vunpack.c.l.s4.s8 v4;
	v17 =	vunpack.c.0.s8.s32 v5  }
0x1b: {  	v18 =	vunpack.c.0.s8.s32 v6;
	v6 =	vimm.s32 $0x543210FE;
	v26 =	vsel vm10, $0x1680, v26  }
0x1c: {  	v27 =	vsel vm10, $0x2680, v27;
	v28 =	vsel vm10, $0x3680, v28;
	v2 =	vand.u32 $0xF, v2  }
0x1d: {  	v8 =	vcombine.low v14, v13;
	v15 =	vunpack.c.0.s8.s32 v3;
	v3 =	vand.u32 $0xF, v7  }
0x1e: {  	v6 =	vunpack.c.l.s4.s8 v6;
	v12 =	vcombine.low v13, v14;
	v10 =	vand.u32 $0xF, v10  }
0x1f: {  	v11 =	vand.u32 $0xF, v11;
	v26 =	vsel vm9, $0x1700, v26;
	v27 =	vsel vm9, $0x2700, v27  }
0x20: {  	v28 =	vsel vm9, $0x3700, v28;
	v16 =	vunpack.c.0.s8.s32 v4;
	v7 =	vcombine.low v18, v17  }
0x21: {  	v14 =	vcombine.low v17, v18;
	v17 =	vand.u32 $0x7, v1;
	v18 =	vshrl.u32 v1, $0x3  }
0x22: {  	v26 =	vsel vm8, $0x1780, v26;
	v27 =	vsel vm8, $0x2780, v27;
	v28 =	vsel vm8, $0x3780, v28  }
0x23: {  	v4 =	vand.u32 $0xF, v8;
	v8 =	vimm.s32 $0xDCBA9876;
	v23 =	vunpack.c.0.s8.s32 v6  }
0x24: {  	v6 =	vunpack.c.0.s8.s32 v20;
	v20 =	vunpack.c.0.s8.s32 v21;
	v12 =	vand.u32 $0xF, v12  }
0x25: {  	v18 =	vmul.u32 $0x8, v18;
	v26 =	vsel vm7, $0x1C00, v26;
	v27 =	vsel vm7, $0x2C00, v27  }
0x26: {  	v28 =	vsel vm7, $0x3C00, v28;
	v5 =	vcombine.low v16, v15;
	v8 =	vunpack.c.l.s4.s8 v8  }
0x27: {  	v13 =	vcombine.low v15, v16;
	v14 =	vand.u32 $0xF, v14;
	v26 =	vsel vm6, $0x1C80, v26  }
0x28: {  	v27 =	vsel vm6, $0x2C80, v27;
	v28 =	vsel vm6, $0x3C80, v28;
	v25 =	vcombine.low v20, v19  }
0x29: {  	v16 =	vcombine.low v19, v20;
	v19 =	vor.u32 $0x8, v1;
	v20 =	vimm.s32 $0xB80  }
0x2a: {  	v26 =	vsel vm5, $0x1D00, v26;
	v27 =	vsel vm5, $0x2D00, v27;
	v28 =	vsel vm5, $0x3D00, v28  }
0x2b: {  	v24 =	vunpack.c.0.s8.s32 v8;
	v8 =	vunpack.c.0.s8.s32 v22;
	v5 =	vand.u32 $0xF, v5  }
0x2c: {  	v22 =	vand.u32 $0xF, v6;
	v6 =	vand.u32 $0xF, v7;
	v13 =	vand.u32 $0xF, v13  }
0x2d: {  	v20 =	vsel vm15, $0x0, v20;
	v26 =	vsel vm3, $0x1D80, v26;
	v21 =	vcombine.low v24, v23  }
0x2e: {  	v27 =	vsel vm3, $0x2D80, v27;
	v28 =	vsel vm3, $0x3D80, v28;
	v9 =	vand.u32 $0xF, v25  }
0x2f: {  	v7 =	vcombine.low v22, v8;
	v8 =	vand.u32 $0xF, v21;
	v21 =	vimm.s32 $0x1B80  }
0x30: {  	v16 =	vand.u32 $0xF, v16;
	v20 =	vsel vm14, $0x80, v20;
	v21 =	vsel vm15, $0x1000, v21  }
0x31: {  	v25 =	vimm.s32 $0xF80;
	v26 =	vsel vm4, $0x1E00, v26;
	v21 =	vsel vm14, $0x1080, v21  }
0x32: {  	v27 =	vsel vm4, $0x2E00, v27;
	v20 =	vsel vm13, $0x100, v20;
	v21 =	vsel vm13, $0x1100, v21  }
0x33: {  	v28 =	vsel vm4, $0x3E00, v28;
	v20 =	vsel vm12, $0x180, v20;
	v21 =	vsel vm12, $0x1180, v21  }
0x34: {  	v15 =	vcombine.low v23, v24;
	v20 =	vsel vm11, $0x200, v20;
	v21 =	vsel vm11, $0x1200, v21  }
0x35: {  	v24 =	vimm.s32 $0x3B80;
	v20 =	vsel vm10, $0x280, v20;
	v21 =	vsel vm10, $0x1280, v21  }
0x36: {  	v25 =	vsel vm15, $0x400, v25;
	v20 =	vsel vm9, $0x300, v20;
	v21 =	vsel vm9, $0x1300, v21  }
0x37: {  	v26 =	vsel vm2, $0x1E80, v26;
	v20 =	vsel vm8, $0x380, v20;
	v21 =	vsel vm8, $0x1380, v21  }
0x38: {  	v27 =	vsel vm2, $0x2E80, v27;
	v20 =	vsel vm7, $0x800, v20;
	v21 =	vsel vm7, $0x1800, v21  }
0x39: {  	v28 =	vsel vm2, $0x3E80, v28;
	v20 =	vsel vm6, $0x880, v20;
	v21 =	vsel vm6, $0x1880, v21  }
0x3a: {  	v24 =	vsel vm15, $0x3000, v24;
	v20 =	vsel vm5, $0x900, v20;
	v21 =	vsel vm5, $0x1900, v21  }
0x3b: {  	v25 =	vsel vm14, $0x480, v25;
	v20 =	vsel vm3, $0x980, v20;
	v21 =	vsel vm3, $0x1980, v21  }
0x3c: {  	s0 =	srdreg.scid;
	s1 =	rddreg [dreg:$0x0];
	v26 =	vsel vm1, $0x1F00, v26;
	v20 =	vsel vm4, $0xA00, v20;
	v21 =	vsel vm4, $0x1A00, v21  }
0x3d: {  	s2 =	stileid.u32;
	s4 =	rddreg [dreg:$0x1];
	v27 =	vsel vm1, $0x2F00, v27;
	v22 =	vsel vm2, $0xA80, v20;
	v23 =	vsel vm2, $0x1A80, v21  }
0x3e: {  	s3 =	rddreg [dreg:$0x2];
	s8 =	simm.s32 $0x0;
	s9 =	simm.s32 $0x3;
	v21 =	vsel vm1, $0xB00, v22;
	v22 =	vsel vm1, $0x1B00, v23;
	v23 =	vimm.s32 $0x2B80  }
0x3f: {  	s10 =	simm.s32 $0x1E00;
	s13 =	simm.s32 $0x3600;
	s14 =	simm.s32 $0x3E00;
	v28 =	vsel vm1, $0x3F00, v28;
	v15 =	vand.u32 $0xF, v15;
	v23 =	vsel vm15, $0x2000, v23  }
0x40: {  	s15 =	simm.s32 $0x4600;
	s16 =	simm.s32 $0x4E00;
	s17 =	simm.s32 $0x5600;
	v24 =	vsel vm14, $0x3080, v24;
	v25 =	vsel vm13, $0x500, v25;
	v23 =	vsel vm14, $0x2080, v23  }
0x41: {  	s18 =	simm.s32 $0x40;
	s19 =	simm.s32 $0x1C00;
	s20 =	simm.s32 $0x9E00;
	v24 =	vsel vm13, $0x3100, v24;
	v25 =	vsel vm12, $0x580, v25;
	v23 =	vsel vm13, $0x2100, v23  }
0x42: {  	s21 =	simm.s32 $0x5E00;
	s22 =	simm.s32 $0x6600;
	s23 =	simm.s32 $0x6E00;
	v24 =	vsel vm12, $0x3180, v24;
	v25 =	vsel vm11, $0x600, v25;
	v23 =	vsel vm12, $0x2180, v23  }
0x43: {  	s24 =	simm.s32 $0x7600;
	s28 =	simm.s32 $0x8E00;
	s29 =	simm.s32 $0x9600;
	v24 =	vsel vm11, $0x3200, v24;
	v25 =	vsel vm10, $0x680, v25;
	v23 =	vsel vm11, $0x2200, v23  }
0x44: {  	s30 =	simm.s32 $0x1C80;
	s0 =	sand.u32 $0x1, s0;
	s2 =	sshll.u32 s2, $0x1;
	v24 =	vsel vm10, $0x3280, v24;
	v25 =	vsel vm9, $0x700, v25;
	v23 =	vsel vm10, $0x2280, v23  }
0x45: {  	s31 =	simm.s32 $0x1;
	s2 =	sor.u32 s0, s2;
	s0 =	ssub.s32 $0x2, s0;
	v24 =	vsel vm9, $0x3300, v24;
	v25 =	vsel vm8, $0x780, v25;
	v23 =	vsel vm9, $0x2300, v23  }
0x46: {  	[smem:$0x7FF] =	sst s8;
	s5 =	smul.u32 $0x380, s2;
	s7 =	sshrl.u32 s0, $0x1;
	v24 =	vsel vm8, $0x3380, v24;
	v25 =	vsel vm7, $0xC00, v25;
	v23 =	vsel vm8, $0x2380, v23  }
0x47: {  	_ =	strace $0x80000047;
	s6 =	smul.u32 $0x1500, s2;
	s0 =	ssub.s32 s0, s7;
	v24 =	vsel vm7, $0x3800, v24;
	v25 =	vsel vm6, $0xC80, v25;
	v23 =	vsel vm7, $0x2800, v23  }
0x48: {  	s2 =	smul.u32 $0xA80, s2;
	s5 =	sadd.s32 s5, s4;
	s0 =	smax.u32 s0, $0x1;
	v24 =	vsel vm6, $0x3880, v24;
	v25 =	vsel vm5, $0xD00, v25;
	v23 =	vsel vm6, $0x2880, v23  }
0x49: {  	s6 =	sadd.s32 s6, s4;
	s25 =	sadd.s32 $0xE00, s5;
	[dreg:$0x7] =	wrdreg s0;
	v20 =	vimm.f32 $1.000000000e+00;
	v24 =	vsel vm5, $0x3900, v24;
	v23 =	vsel vm5, $0x2900, v23  }
0x4a: {  	s2 =	sadd.s32 s2, s4;
	s26 =	sadd.s32 $0x7E00, s6;
	[dreg:$0x4] =	wrdreg s25;
	v25 =	vsel vm3, $0xD80, v25;
	v24 =	vsel vm3, $0x3980, v24;
	v23 =	vsel vm3, $0x2980, v23  }
0x4b: {  	s2 =	sadd.s32 $0x31E00, s2;
	s0 =	simm.s32 $0x9E80;
	[dreg:$0x5] =	wrdreg s26;
	v25 =	vsel vm4, $0xE00, v25;
	v24 =	vsel vm4, $0x3A00, v24;
	v23 =	vsel vm4, $0x2A00, v23  }
0x4c: {  	s5 =	simm.s32 $0x2;
	s6 =	simm.s32 $0x0;
	[dreg:$0x6] =	wrdreg s2;
	v25 =	vsel vm2, $0xE80, v25;
	v24 =	vsel vm2, $0x3A80, v24;
	v23 =	vsel vm2, $0x2A80, v23  }
0x4d: {  	s25 =	simm.s32 $0x7E00;
	s26 =	simm.s32 $0x8600;
	s2 =	simm.s32 $0x14680;
	v25 =	vsel vm1, $0xF00, v25;
	v24 =	vsel vm1, $0x3B00, v24;
	v23 =	vsel vm1, $0x2B00, v23  }
.LBB2_1:
0x4e: {  	s4 =	sand.u32 $0xF800, s8;
	s12 =	sand.u32 $0x380, s8  }
0x4f: {  	s4 =	sor.u32 s12, s4  }
0x50: {  	[tilespmem:s4+$0x9E90] =	vst v0  }
0x51: {  	[tilespmem:s4+$0x9EA0] =	vst v0  }
0x52: {  	[tilespmem:s4+$0x9EB0] =	vst v0  }
0x53: {  	[tilespmem:s4+$0x9EC0] =	vst v0  }
0x54: {  	[tilespmem:s4+$0x9ED0] =	vst v0  }
0x55: {  	[tilespmem:s4+$0x9EE0] =	vst v0  }
0x56: {  	[tilespmem:s4+$0x9EF0] =	vst v0  }
0x57: {  	[tilespmem:s4+$0xA280] =	vst v0  }
0x58: {  	[tilespmem:s4+$0xA290] =	vst v0  }
0x59: {  	[tilespmem:s4+$0xA2A0] =	vst v0  }
0x5a: {  	[tilespmem:s4+$0xA2B0] =	vst v0  }
0x5b: {  	[tilespmem:s4+$0xA2C0] =	vst v0  }
0x5c: {  	[tilespmem:s4+$0xA2D0] =	vst v0  }
0x5d: {  	[dreg:$0x8] =	wrdreg s6;
	[tilespmem:s4+$0xA2E0] =	vst v0  }
0x5e: {  	s8 =	simm.s32 $0x80;
	s6 =	simm.s32 $0x100;
	s7 =	simm.s32 $0x14680;
	[tilespmem:s4+$0xA2F0] =	vst v0  }
.LBB2_2:
0x5f: {  	s11 =	sand.u32 $0xF800, s6;
	s12 =	sand.u32 $0x380, s8;
	p0 =	sne.s32 s6, $0xA700;
	[tilespmem:s4+$0x9E80] =	vst v0  }
0x60: {  	s4 =	sor.u32 s12, s11;
	[tilespmem:s7+$0x0] =	vst v0  }
0x61: {  	[tilespmem:s4+$0x9E90] =	vst v0  }
0x62: {  	[tilespmem:s4+$0x9EA0] =	vst v0  }
0x63: {  	[tilespmem:s4+$0x9EB0] =	vst v0  }
0x64: {  	[tilespmem:s4+$0x9EC0] =	vst v0  }
0x65: {  	[tilespmem:s4+$0x9ED0] =	vst v0  }
0x66: {  	[tilespmem:s4+$0x9EE0] =	vst v0  }
0x67: {  	[tilespmem:s4+$0x9EF0] =	vst v0  }
0x68: {  	[tilespmem:s4+$0xA280] =	vst v0  }
0x69: {  	[tilespmem:s4+$0xA290] =	vst v0  }
0x6a: {  	[tilespmem:s4+$0xA2A0] =	vst v0  }
.Ltmp0:
0x6b: {  	[tilespmem:s4+$0xA2B0] =	vst v0;
	(pc) =	sbr.rel @p0 .LBB2_2-.Ltmp0, $4  }
0x6c: {  	[tilespmem:s4+$0xA2C0] =	vst v0  }
0x6d: {  	[tilespmem:s4+$0xA2D0] =	vst v0  }
0x6e: {  	[tilespmem:s4+$0xA2E0] =	vst v0  }
0x6f: {  	s8 =	sadd.s32 $0x80, s8;
	s6 =	sadd.s32 $0x100, s6;
	s7 =	sadd.s32 $0x80, s7;
	[tilespmem:s4+$0xA2F0] =	vst v0  }
0x70: {  	[tilespmem:s4+$0x9E80] =	vst v0  }
0x71: {  	[tilespmem:s7+$0x0] =	vst v0  }
0x72: {  	[tilespmem:$0x19A80] =	vst v1  }
0x73: {  	[tilespmem:$0x19B00] =	vst v2  }
0x74: {  	[tilespmem:$0x19B80] =	vst v3  }
0x75: {  	[tilespmem:$0x19C00] =	vst v4  }
0x76: {  	[tilespmem:$0x19C80] =	vst v5  }
0x77: {  	[tilespmem:$0x19D00] =	vst v6  }
0x78: {  	[tilespmem:$0x19D80] =	vst v8  }
0x79: {  	[tilespmem:$0x19E00] =	vst v9  }
0x7a: {  	[tilespmem:$0x19E80] =	vst v7  }
0x7b: {  	[tilespmem:$0x19F00] =	vst v10  }
0x7c: {  	[tilespmem:$0x19F80] =	vst v11  }
0x7d: {  	[tilespmem:$0x1A000] =	vst v12  }
0x7e: {  	[tilespmem:$0x1A080] =	vst v13  }
0x7f: {  	[tilespmem:$0x1A100] =	vst v14  }
0x80: {  	[tilespmem:$0x1A180] =	vst v15  }
0x81: {  	s12 =	rddreg [dreg:$0x4];
	s7 =	simm.s32 $0x0;
	[tilespmem:$0x1A200] =	vst v16  }
0x82: {  	[tilespmem:s7], [sflag:$0x3] =	stream.linear.gather [hbm4b:s12+s7], $0x1900, $0x38;
	[tilespmem:$0x1A280] =	vst v63  }
0x83: {  	_ =	swait.ge [sflag:s9], $0x1900  }
0x84: {  	s8 =	simm.s32 $0x0;
	[sflag:s9] =	ssyncset.done $0x0  }
0x85: {  	s11 =	simm.s32 $0x2600;
	s12 =	simm.s32 $0x2E00;
	[sflag:s9] =	ssyncadd.s32 $0xFFFFE700  }
.LBB2_4:
0x86: {  	s4 =	sshll.u32 s8, $0x8  }
0x87: {  	s4 =	sand.u32 $0x3FFFFF00, s4  }
0x88: {  	v29 =	vld [tilespmem:s4+$0x0];
	_ =	sdelay $0x4  }
0x89: {  	v30 =	vand.u32 $0xFFFFF, v29  }
0x8a: {  	[tilespmem:$0x1C00] =	vst v30  }
0x8b: {  	v30 =	vld [tilespmem:s4+$0x10];
	_ =	sdelay $0x4  }
0x8c: {  	v30 =	vand.u32 $0xFFFFF, v30  }
0x8d: {  	[tilespmem:$0x1C10] =	vst v30  }
0x8e: {  	v30 =	vld [tilespmem:s4+$0x20];
	_ =	sdelay $0x3  }
0x8f: {  	v31 =	vshll.u32 v29, $0x1  }
0x90: {  	v29 =	vand.u32 $0x7, v29;
	v31 =	vand.u32 $0x1FFFF0, v31;
	v30 =	vand.u32 $0xFFFFF, v30  }
0x91: {  	v29 =	vor.u32 v29, v31;
	[tilespmem:$0x1C20] =	vst v30  }
0x92: {  	v31 =	vperm.xlane v29, v17;
	v30 =	vld [tilespmem:s4+$0x30];
	_ =	sdelay $0x1  }
0x93: {  	v29 =	vperm.xlane v29, v19;
	v31 =	vadd.s32 v18, v31;
	_ =	sdelay $0x1  }
0x94: {  	v29 =	vadd.s32 v18, v29  }
0x95: {  	v30 =	vand.u32 $0xFFFFF, v30  }
0x96: {  	[tilespmem:$0x1C30] =	vst v30  }
0x97: {  	[tilespmem:s10], [sflag:$0x1] =	stream.indirect_vreg.gather [hbm4b:s1+s7], $0x80, v31, vm0, $0xb8;
	[tilespmem:$0x1A280] =	vst v63  }
0x98: {  	_ = 	snop  }
0x99: {  	[tilespmem:s11], [sflag:$0x1] =	stream.indirect_vreg.gather [hbm4b:s1+s7], $0x80, v29, vm0, $0xb8;
	[tilespmem:$0x1A280] =	vst v63  }
0x9a: {  	v29 =	vld [tilespmem:$0x1C10];
	_ =	sdelay $0x4  }
0x9b: {  	v30 =	vshll.u32 v29, $0x1  }
0x9c: {  	v29 =	vand.u32 $0x7, v29;
	v30 =	vand.u32 $0xFFFFFFF0, v30  }
0x9d: {  	v29 =	vor.u32 v29, v30  }
0x9e: {  	v30 =	vperm.xlane v29, v17;
	_ =	sdelay $0x1  }
0x9f: {  	v29 =	vperm.xlane v29, v19;
	v30 =	vadd.s32 v18, v30;
	_ =	sdelay $0x1  }
0xa0: {  	v29 =	vadd.s32 v18, v29;
	_ =	sdelay $0x2  }
0xa1: {  	[tilespmem:s12], [sflag:$0x1] =	stream.indirect_vreg.gather [hbm4b:s1+s7], $0x80, v30, vm0, $0xb8;
	[tilespmem:$0x1A280] =	vst v63  }
0xa2: {  	_ = 	snop  }
0xa3: {  	[tilespmem:s13], [sflag:$0x1] =	stream.indirect_vreg.gather [hbm4b:s1+s7], $0x80, v29, vm0, $0xb8;
	[tilespmem:$0x1A280] =	vst v63  }
0xa4: {  	v29 =	vld [tilespmem:$0x1C20];
	_ =	sdelay $0x4  }
0xa5: {  	v30 =	vshll.u32 v29, $0x1  }
0xa6: {  	v29 =	vand.u32 $0x7, v29;
	v30 =	vand.u32 $0xFFFFFFF0, v30  }
0xa7: {  	v29 =	vor.u32 v29, v30  }
0xa8: {  	v30 =	vperm.xlane v29, v17;
	_ =	sdelay $0x1  }
0xa9: {  	v29 =	vperm.xlane v29, v19;
	v30 =	vadd.s32 v18, v30;
	_ =	sdelay $0x1  }
0xaa: {  	v29 =	vadd.s32 v18, v29;
	_ =	sdelay $0x2  }
0xab: {  	[tilespmem:s14], [sflag:$0x1] =	stream.indirect_vreg.gather [hbm4b:s1+s7], $0x80, v30, vm0, $0xb8;
	[tilespmem:$0x1A280] =	vst v63  }
0xac: {  	_ = 	snop  }
0xad: {  	[tilespmem:s15], [sflag:$0x1] =	stream.indirect_vreg.gather [hbm4b:s1+s7], $0x80, v29, vm0, $0xb8;
	[tilespmem:$0x1A280] =	vst v63  }
0xae: {  	v29 =	vld [tilespmem:$0x1C30];
	_ =	sdelay $0x4  }
0xaf: {  	v30 =	vshll.u32 v29, $0x1  }
0xb0: {  	v29 =	vand.u32 $0x7, v29;
	v30 =	vand.u32 $0xFFFFFFF0, v30  }
0xb1: {  	v29 =	vor.u32 v29, v30  }
0xb2: {  	v30 =	vperm.xlane v29, v17;
	_ =	sdelay $0x1  }
0xb3: {  	v29 =	vperm.xlane v29, v19;
	v30 =	vadd.s32 v18, v30;
	_ =	sdelay $0x1  }
0xb4: {  	v29 =	vadd.s32 v18, v29;
	_ =	sdelay $0x2  }
0xb5: {  	[tilespmem:s16], [sflag:$0x1] =	stream.indirect_vreg.gather [hbm4b:s1+s7], $0x80, v30, vm0, $0xb8;
	[tilespmem:$0x1A280] =	vst v63  }
0xb6: {  	_ = 	snop  }
0xb7: {  	[tilespmem:s17], [sflag:$0x1] =	stream.indirect_vreg.gather [hbm4b:s1+s7], $0x80, v29, vm0, $0xb8;
	[tilespmem:$0x1A280] =	vst v63  }
0xb8: {  	_ = 	snop  }
0xb9: {  	[tilespmem:s20], [sflag:$0x3] =	stream.indirect.gather [hbm4b:s3+s18], $0x1, s19, s18, $0xb8;
	[tilespmem:$0x1A280] =	vst v63  }
0xba: {  	_ =	swait.ge [sflag:s9], $0x40  }
0xbb: {  	[sflag:s9] =	ssyncset.done $0x0  }
0xbc: {  	[sflag:s9] =	ssyncadd.s32 $0xFFFFFFC0  }
0xbd: {  	v29 =	vld [tilespmem:s4+$0x0]  }
0xbe: {  	v30 =	vld [tilespmem:$0x9E00];
	_ =	sdelay $0x3  }
0xbf: {  	v29 =	vshrl.u32 v29, $0x14  }
0xc0: {  	v29 =	vadd.s32 v30, v29  }
0xc1: {  	[tilespmem:$0x1D00] =	vst v29  }
0xc2: {  	v29 =	vld [tilespmem:s4+$0x10]  }
0xc3: {  	v30 =	vld [tilespmem:$0x9E10];
	_ =	sdelay $0x3  }
0xc4: {  	v29 =	vshrl.u32 v29, $0x14  }
0xc5: {  	v29 =	vadd.s32 v30, v29  }
0xc6: {  	[tilespmem:$0x1D10] =	vst v29  }
0xc7: {  	v29 =	vld [tilespmem:s4+$0x20]  }
0xc8: {  	v30 =	vld [tilespmem:$0x9E20];
	_ =	sdelay $0x3  }
0xc9: {  	v29 =	vshrl.u32 v29, $0x14  }
0xca: {  	v29 =	vadd.s32 v30, v29  }
0xcb: {  	[tilespmem:$0x1D20] =	vst v29  }
0xcc: {  	v29 =	vld [tilespmem:s4+$0x30]  }
0xcd: {  	v30 =	vld [tilespmem:$0x9E30];
	_ =	sdelay $0x3  }
0xce: {  	v29 =	vshrl.u32 v29, $0x14  }
0xcf: {  	v29 =	vadd.s32 v30, v29  }
0xd0: {  	[tilespmem:$0x1D30] =	vst v29  }
0xd1: {  	v29 =	vld [tilespmem:s4+$0x80];
	_ =	sdelay $0x4  }
0xd2: {  	v30 =	vand.u32 $0xFFFFF, v29  }
0xd3: {  	[tilespmem:$0x1C80] =	vst v30  }
0xd4: {  	v30 =	vld [tilespmem:s4+$0x90];
	_ =	sdelay $0x4  }
0xd5: {  	v30 =	vand.u32 $0xFFFFF, v30  }
0xd6: {  	[tilespmem:$0x1C90] =	vst v30  }
0xd7: {  	v30 =	vld [tilespmem:s4+$0xA0];
	_ =	sdelay $0x3  }
0xd8: {  	v31 =	vshll.u32 v29, $0x1  }
0xd9: {  	v29 =	vand.u32 $0x7, v29;
	v31 =	vand.u32 $0x1FFFF0, v31;
	v30 =	vand.u32 $0xFFFFF, v30  }
0xda: {  	v29 =	vor.u32 v29, v31;
	[tilespmem:$0x1CA0] =	vst v30  }
0xdb: {  	v31 =	vperm.xlane v29, v17;
	v30 =	vld [tilespmem:s4+$0xB0];
	_ =	sdelay $0x1  }
0xdc: {  	v29 =	vperm.xlane v29, v19;
	v31 =	vadd.s32 v18, v31;
	_ =	sdelay $0x1  }
0xdd: {  	v29 =	vadd.s32 v18, v29  }
0xde: {  	v30 =	vand.u32 $0xFFFFF, v30  }
0xdf: {  	[tilespmem:$0x1CB0] =	vst v30  }
0xe0: {  	[tilespmem:s21], [sflag:$0x2] =	stream.indirect_vreg.gather [hbm4b:s1+s7], $0x80, v31, vm0, $0xb8;
	[tilespmem:$0x1A280] =	vst v63  }
0xe1: {  	_ = 	snop  }
0xe2: {  	[tilespmem:s22], [sflag:$0x2] =	stream.indirect_vreg.gather [hbm4b:s1+s7], $0x80, v29, vm0, $0xb8;
	[tilespmem:$0x1A280] =	vst v63  }
0xe3: {  	v29 =	vld [tilespmem:$0x1C90];
	_ =	sdelay $0x4  }
0xe4: {  	v30 =	vshll.u32 v29, $0x1  }
0xe5: {  	v29 =	vand.u32 $0x7, v29;
	v30 =	vand.u32 $0xFFFFFFF0, v30  }
0xe6: {  	v29 =	vor.u32 v29, v30  }
0xe7: {  	v30 =	vperm.xlane v29, v17;
	_ =	sdelay $0x1  }
0xe8: {  	v29 =	vperm.xlane v29, v19;
	v30 =	vadd.s32 v18, v30;
	_ =	sdelay $0x1  }
0xe9: {  	v29 =	vadd.s32 v18, v29;
	_ =	sdelay $0x2  }
0xea: {  	[tilespmem:s23], [sflag:$0x2] =	stream.indirect_vreg.gather [hbm4b:s1+s7], $0x80, v30, vm0, $0xb8;
	[tilespmem:$0x1A280] =	vst v63  }
0xeb: {  	_ = 	snop  }
0xec: {  	[tilespmem:s24], [sflag:$0x2] =	stream.indirect_vreg.gather [hbm4b:s1+s7], $0x80, v29, vm0, $0xb8;
	[tilespmem:$0x1A280] =	vst v63  }
0xed: {  	v29 =	vld [tilespmem:$0x1CA0];
	_ =	sdelay $0x4  }
0xee: {  	v30 =	vshll.u32 v29, $0x1  }
0xef: {  	v29 =	vand.u32 $0x7, v29;
	v30 =	vand.u32 $0xFFFFFFF0, v30  }
0xf0: {  	v29 =	vor.u32 v29, v30  }
0xf1: {  	v30 =	vperm.xlane v29, v17;
	_ =	sdelay $0x1  }
0xf2: {  	v29 =	vperm.xlane v29, v19;
	v30 =	vadd.s32 v18, v30;
	_ =	sdelay $0x1  }
0xf3: {  	v29 =	vadd.s32 v18, v29;
	_ =	sdelay $0x2  }
0xf4: {  	[tilespmem:s25], [sflag:$0x2] =	stream.indirect_vreg.gather [hbm4b:s1+s7], $0x80, v30, vm0, $0xb8;
	[tilespmem:$0x1A280] =	vst v63  }
0xf5: {  	_ = 	snop  }
0xf6: {  	[tilespmem:s26], [sflag:$0x2] =	stream.indirect_vreg.gather [hbm4b:s1+s7], $0x80, v29, vm0, $0xb8;
	[tilespmem:$0x1A280] =	vst v63  }
0xf7: {  	v29 =	vld [tilespmem:$0x1CB0];
	_ =	sdelay $0x4  }
0xf8: {  	v30 =	vshll.u32 v29, $0x1  }
0xf9: {  	v29 =	vand.u32 $0x7, v29;
	v30 =	vand.u32 $0xFFFFFFF0, v30  }
0xfa: {  	v29 =	vor.u32 v29, v30  }
0xfb: {  	v30 =	vperm.xlane v29, v17;
	_ =	sdelay $0x1  }
0xfc: {  	v29 =	vperm.xlane v29, v19;
	v30 =	vadd.s32 v18, v30;
	_ =	sdelay $0x1  }
0xfd: {  	v29 =	vadd.s32 v18, v29;
	_ =	sdelay $0x2  }
0xfe: {  	[tilespmem:s28], [sflag:$0x2] =	stream.indirect_vreg.gather [hbm4b:s1+s7], $0x80, v30, vm0, $0xb8;
	[tilespmem:$0x1A280] =	vst v63  }
0xff: {  	_ = 	snop  }
0x100: {  	[tilespmem:s29], [sflag:$0x2] =	stream.indirect_vreg.gather [hbm4b:s1+s7], $0x80, v29, vm0, $0xb8;
	[tilespmem:$0x1A280] =	vst v63  }
0x101: {  	_ = 	snop  }
0x102: {  	[tilespmem:s20], [sflag:$0x3] =	stream.indirect.gather [hbm4b:s3+s18], $0x1, s30, s18, $0xb8;
	[tilespmem:$0x1A280] =	vst v63  }
0x103: {  	_ =	swait.ge [sflag:s9], $0x40  }
0x104: {  	[sflag:s9] =	ssyncset.done $0x0  }
0x105: {  	[sflag:s9] =	ssyncadd.s32 $0xFFFFFFC0  }
0x106: {  	v29 =	vld [tilespmem:s4+$0x80]  }
0x107: {  	v30 =	vld [tilespmem:$0x9E00];
	_ =	sdelay $0x3  }
0x108: {  	v29 =	vshrl.u32 v29, $0x14  }
0x109: {  	v29 =	vadd.s32 v30, v29  }
0x10a: {  	[tilespmem:$0x1D80] =	vst v29  }
0x10b: {  	v29 =	vld [tilespmem:s4+$0x90]  }
0x10c: {  	v30 =	vld [tilespmem:$0x9E10];
	_ =	sdelay $0x3  }
0x10d: {  	v29 =	vshrl.u32 v29, $0x14  }
0x10e: {  	v29 =	vadd.s32 v30, v29  }
0x10f: {  	[tilespmem:$0x1D90] =	vst v29  }
0x110: {  	v29 =	vld [tilespmem:s4+$0xA0]  }
0x111: {  	v30 =	vld [tilespmem:$0x9E20];
	_ =	sdelay $0x3  }
0x112: {  	v29 =	vshrl.u32 v29, $0x14  }
0x113: {  	v29 =	vadd.s32 v30, v29  }
0x114: {  	[tilespmem:$0x1DA0] =	vst v29  }
0x115: {  	v29 =	vld [tilespmem:s4+$0xB0]  }
0x116: {  	v30 =	vld [tilespmem:$0x9E30];
	_ =	sdelay $0x3  }
0x117: {  	v29 =	vshrl.u32 v29, $0x14  }
0x118: {  	v29 =	vadd.s32 v30, v29  }
0x119: {  	[tilespmem:$0x1DB0] =	vst v29  }
0x11a: {  	_ =	swait.ge [sflag:s31], $0x4000  }
0x11b: {  	[sflag:s31] =	ssyncset.done $0x0  }
0x11c: {  	[sflag:s31] =	ssyncadd.s32 $0xFFFFC000  }
0x11d: {  	v29 =	vld [tilespmem:$0x1D00];
	_ =	sdelay $0x4  }
0x11e: {  	vm1 =	vlt.s32 v29, $0xA2;
	v30 =	vshll.u32 v29, $0x7  }
0x11f: {  	v31 =	vor.u32 v1, v30;
	_ =	sdelay $0x4  }
0x120: {  	[tilespmem:v31+s2+$0x0] =	vst.idx.add.f32.msk vm1, v20  }
0x121: {  	v31 =	vld [tilespmem:$0x1D10];
	_ =	sdelay $0x4  }
0x122: {  	vm2 =	vlt.s32 v31, $0xA2;
	v32 =	vshll.u32 v31, $0x7  }
0x123: {  	v33 =	vor.u32 v1, v32;
	_ =	sdelay $0x4  }
0x124: {  	[tilespmem:v33+s2+$0x0] =	vst.idx.add.f32.msk vm2, v20  }
0x125: {  	v33 =	vld [tilespmem:$0x1D20];
	_ =	sdelay $0x4  }
0x126: {  	vm3 =	vlt.s32 v33, $0xA2;
	v34 =	vshll.u32 v33, $0x7  }
0x127: {  	v35 =	vor.u32 v1, v34;
	_ =	sdelay $0x4  }
0x128: {  	[tilespmem:v35+s2+$0x0] =	vst.idx.add.f32.msk vm3, v20  }
0x129: {  	v35 =	vld [tilespmem:$0x1D30];
	_ =	sdelay $0x4  }
0x12a: {  	v29 =	vshll.u32 v29, $0x8;
	vm4 =	vlt.s32 v35, $0xA2;
	v36 =	vshll.u32 v35, $0x7  }
0x12b: {  	v29 =	vand.u32 $0xFFFFF800, v29;
	v30 =	vand.u32 $0x380, v30;
	v37 =	vor.u32 v1, v36  }
0x12c: {  	v29 =	vor.u32 v30, v29;
	v31 =	vshll.u32 v31, $0x8  }
0x12d: {  	v30 =	vand.u32 $0xFFFFF800, v31;
	v32 =	vand.u32 $0x380, v32;
	v31 =	vshll.u32 v33, $0x8  }
0x12e: {  	v30 =	vor.u32 v32, v30;
	v31 =	vand.u32 $0xFFFFF800, v31;
	v62 =	vshll.u32 v35, $0x8  }
0x12f: {  	v34 =	vand.u32 $0x380, v34;
	v33 =	vand.u32 $0xFFFFF800, v62;
	v63 =	vand.u32 $0x380, v36  }
0x130: {  	s4 =	simm.s32 $0x0;
	v31 =	vor.u32 v34, v31;
	v32 =	vor.u32 v63, v33;
	[tilespmem:v37+s2+$0x0] =	vst.idx.add.f32.msk vm4, v20  }
.LBB2_5:
0x131: {  	s6 =	sshra.s32 s4, $0x2  }
0x132: {  	v33 =	vld [tilespmem:s6+$0x19A80];
	_ =	sdelay $0x4  }
0x133: {  	v35 =	vshll.u32 v33, $0x3  }
0x134: {  	v34 =	vand.u32 $0x7F, v33;
	v35 =	vand.u32 $0xFFFFFC00, v35  }
0x135: {  	v36 =	vor.u32 v34, v35  }
0x136: {  	v37 =	vadd.s32 $0x10, v33;
	v38 =	vadd.s32 v21, v36  }
0x137: {  	v40 =	vshll.u32 v37, $0x3;
	v39 =	vadd.s32 v22, v36  }
0x138: {  	v37 =	vand.u32 $0x7F, v37;
	v40 =	vand.u32 $0xFFFFFC00, v40;
	v41 =	vadd.s32 v23, v36  }
0x139: {  	v42 =	vadd.s32 v24, v36;
	v43 =	vor.u32 v37, v40  }
0x13a: {  	v44 =	vadd.s32 v21, v43  }
0x13b: {  	v45 =	vadd.s32 v22, v43;
	v38 =	vld.idx.msk [tilespmem:v38+s10+$0x0], $0xffff  }
0x13c: {  	v46 =	vadd.s32 v23, v43;
	v39 =	vld.idx.msk [tilespmem:v39+s10+$0x0], $0xffff  }
0x13d: {  	v47 =	vadd.s32 v29, v35;
	v43 =	vadd.s32 v24, v43;
	v41 =	vld.idx.msk [tilespmem:v41+s10+$0x0], $0xffff  }
0x13e: {  	v48 =	vadd.s32 v30, v35;
	v47 =	vor.u32 v34, v47;
	v42 =	vld.idx.msk [tilespmem:v42+s10+$0x0], $0xffff  }
0x13f: {  	v49 =	vadd.s32 v31, v35;
	v48 =	vor.u32 v34, v48;
	v44 =	vld.idx.msk [tilespmem:v44+s10+$0x0], $0xffff  }
0x140: {  	v50 =	vadd.s32 v32, v35;
	v49 =	vor.u32 v34, v49;
	v45 =	vld.idx.msk [tilespmem:v45+s10+$0x0], $0xffff  }
0x141: {  	v54 =	vadd.s32 $0x20, v33;
	v51 =	vadd.s32 v29, v40;
	v50 =	vor.u32 v34, v50;
	v46 =	vld.idx.msk [tilespmem:v46+s10+$0x0], $0xffff  }
0x142: {  	v52 =	vadd.s32 v30, v40;
	v53 =	vadd.s32 v31, v40;
	v51 =	vor.u32 v37, v51;
	v43 =	vld.idx.msk [tilespmem:v43+s10+$0x0], $0xffff  }
0x143: {  	v63 =	vshll.u32 v54, $0x3;
	v61 =	vor.u32 v37, v52;
	v62 =	vor.u32 v37, v53;
	[tilespmem:v47+s0+$0x0] =	vst.idx.add.f32.msk vm1, v38  }
0x144: {  	v53 =	vadd.s32 v32, v40;
	v40 =	vand.u32 $0x7F, v54;
	[tilespmem:v48+s0+$0x0] =	vst.idx.add.f32.msk vm2, v39;
	v48 =	vand.u32 $0xFFFFFC00, v63  }
0x145: {  	v37 =	vor.u32 v37, v53;
	[tilespmem:v49+s0+$0x0] =	vst.idx.add.f32.msk vm3, v41;
	v54 =	vor.u32 v40, v48  }
0x146: {  	v55 =	vadd.s32 $0x30, v33;
	[tilespmem:v50+s0+$0x0] =	vst.idx.add.f32.msk vm4, v42;
	v56 =	vadd.s32 v21, v54  }
0x147: {  	v58 =	vshll.u32 v55, $0x3;
	v57 =	vadd.s32 v22, v54;
	[tilespmem:v51+s0+$0x0] =	vst.idx.add.f32.msk vm1, v44  }
0x148: {  	v41 =	vand.u32 $0x7F, v55;
	v59 =	vadd.s32 v23, v54;
	[tilespmem:v61+s0+$0x0] =	vst.idx.add.f32.msk vm2, v45;
	v45 =	vand.u32 $0xFFFFFC00, v58  }
0x149: {  	v39 =	vadd.s32 v24, v54;
	[tilespmem:v62+s0+$0x0] =	vst.idx.add.f32.msk vm3, v46;
	v60 =	vor.u32 v41, v45  }
0x14a: {  	[tilespmem:v37+s0+$0x0] =	vst.idx.add.f32.msk vm4, v43;
	v61 =	vadd.s32 v21, v60  }
0x14b: {  	v62 =	vadd.s32 v22, v60;
	v42 =	vld.idx.msk [tilespmem:v56+s10+$0x0], $0xffff  }
0x14c: {  	v63 =	vadd.s32 v23, v60;
	v44 =	vld.idx.msk [tilespmem:v57+s10+$0x0], $0xffff  }
0x14d: {  	v54 =	vadd.s32 v29, v48;
	v46 =	vadd.s32 v24, v60;
	v38 =	vld.idx.msk [tilespmem:v59+s10+$0x0], $0xffff  }
0x14e: {  	v55 =	vadd.s32 v30, v48;
	v49 =	vor.u32 v40, v54;
	v39 =	vld.idx.msk [tilespmem:v39+s10+$0x0], $0xffff  }
0x14f: {  	v50 =	vor.u32 v40, v55;
	v56 =	vadd.s32 v31, v48;
	v37 =	vld.idx.msk [tilespmem:v61+s10+$0x0], $0xffff  }
0x150: {  	v48 =	vadd.s32 v32, v48;
	v51 =	vor.u32 v40, v56;
	v43 =	vld.idx.msk [tilespmem:v62+s10+$0x0], $0xffff  }
0x151: {  	v58 =	vadd.s32 v30, v45;
	v57 =	vadd.s32 v29, v45;
	v40 =	vor.u32 v40, v48;
	v47 =	vld.idx.msk [tilespmem:v63+s10+$0x0], $0xffff  }
0x152: {  	v53 =	vadd.s32 v32, v45;
	v60 =	vadd.s32 $0x40, v33;
	v48 =	vor.u32 v41, v57;
	v46 =	vld.idx.msk [tilespmem:v46+s10+$0x0], $0xffff  }
0x153: {  	v59 =	vadd.s32 v31, v45;
	v61 =	vor.u32 v41, v58;
	v63 =	vshll.u32 v60, $0x3;
	[tilespmem:v49+s0+$0x0] =	vst.idx.add.f32.msk vm1, v42  }
0x154: {  	v45 =	vand.u32 $0x7F, v60;
	v62 =	vor.u32 v41, v59;
	[tilespmem:v50+s0+$0x0] =	vst.idx.add.f32.msk vm2, v44;
	v50 =	vand.u32 $0xFFFFFC00, v63  }
0x155: {  	v54 =	vor.u32 v41, v53;
	[tilespmem:v51+s0+$0x0] =	vst.idx.add.f32.msk vm3, v38;
	v55 =	vor.u32 v45, v50  }
0x156: {  	v56 =	vadd.s32 $0x50, v33;
	[tilespmem:v40+s0+$0x0] =	vst.idx.add.f32.msk vm4, v39;
	v57 =	vadd.s32 v21, v55  }
0x157: {  	v59 =	vshll.u32 v56, $0x3;
	v58 =	vadd.s32 v22, v55;
	[tilespmem:v48+s0+$0x0] =	vst.idx.add.f32.msk vm1, v37  }
0x158: {  	v60 =	vadd.s32 v23, v55;
	v39 =	vand.u32 $0x7F, v56;
	[tilespmem:v61+s0+$0x0] =	vst.idx.add.f32.msk vm2, v43;
	v43 =	vand.u32 $0xFFFFFC00, v59  }
0x159: {  	v41 =	vadd.s32 v24, v55;
	[tilespmem:v62+s0+$0x0] =	vst.idx.add.f32.msk vm3, v47;
	v44 =	vor.u32 v39, v43  }
0x15a: {  	[tilespmem:v54+s0+$0x0] =	vst.idx.add.f32.msk vm4, v46;
	v61 =	vadd.s32 v21, v44  }
0x15b: {  	v62 =	vadd.s32 v22, v44;
	v40 =	vld.idx.msk [tilespmem:v57+s10+$0x0], $0xffff  }
0x15c: {  	v63 =	vadd.s32 v23, v44;
	v37 =	vld.idx.msk [tilespmem:v58+s10+$0x0], $0xffff  }
0x15d: {  	v53 =	vadd.s32 v29, v50;
	v44 =	vadd.s32 v24, v44;
	v42 =	vld.idx.msk [tilespmem:v60+s10+$0x0], $0xffff  }
0x15e: {  	v48 =	vor.u32 v45, v53;
	v54 =	vadd.s32 v30, v50;
	v41 =	vld.idx.msk [tilespmem:v41+s10+$0x0], $0xffff  }
0x15f: {  	v55 =	vadd.s32 v31, v50;
	v49 =	vor.u32 v45, v54;
	v38 =	vld.idx.msk [tilespmem:v61+s10+$0x0], $0xffff  }
0x160: {  	v51 =	vor.u32 v45, v55;
	v50 =	vadd.s32 v32, v50;
	v46 =	vld.idx.msk [tilespmem:v62+s10+$0x0], $0xffff  }
0x161: {  	v56 =	vadd.s32 v29, v43;
	v59 =	vadd.s32 v31, v43;
	v45 =	vor.u32 v45, v50;
	v47 =	vld.idx.msk [tilespmem:v63+s10+$0x0], $0xffff  }
0x162: {  	v57 =	vor.u32 v39, v56;
	v58 =	vadd.s32 v30, v43;
	v60 =	vadd.s32 $0x60, v33;
	v44 =	vld.idx.msk [tilespmem:v44+s10+$0x0], $0xffff  }
0x163: {  	v53 =	vadd.s32 v32, v43;
	v61 =	vor.u32 v39, v58;
	v63 =	vshll.u32 v60, $0x3;
	[tilespmem:v48+s0+$0x0] =	vst.idx.add.f32.msk vm1, v40  }
0x164: {  	v43 =	vand.u32 $0x7F, v60;
	v62 =	vor.u32 v39, v59;
	[tilespmem:v49+s0+$0x0] =	vst.idx.add.f32.msk vm2, v37;
	v49 =	vand.u32 $0xFFFFFC00, v63  }
0x165: {  	v37 =	vor.u32 v39, v53;
	[tilespmem:v51+s0+$0x0] =	vst.idx.add.f32.msk vm3, v42;
	v54 =	vor.u32 v43, v49  }
0x166: {  	v55 =	vadd.s32 $0x70, v33;
	[tilespmem:v45+s0+$0x0] =	vst.idx.add.f32.msk vm4, v41;
	v56 =	vadd.s32 v21, v54  }
0x167: {  	v58 =	vshll.u32 v55, $0x3;
	v59 =	vadd.s32 v23, v54;
	[tilespmem:v57+s0+$0x0] =	vst.idx.add.f32.msk vm1, v38  }
0x168: {  	v41 =	vand.u32 $0x7F, v55;
	v45 =	vand.u32 $0xFFFFFC00, v58;
	v39 =	vadd.s32 v24, v54;
	[tilespmem:v61+s0+$0x0] =	vst.idx.add.f32.msk vm2, v46  }
0x169: {  	v57 =	vadd.s32 v22, v54;
	v60 =	vor.u32 v41, v45;
	[tilespmem:v62+s0+$0x0] =	vst.idx.add.f32.msk vm3, v47  }
0x16a: {  	v61 =	vadd.s32 v21, v60;
	[tilespmem:v37+s0+$0x0] =	vst.idx.add.f32.msk vm4, v44  }
0x16b: {  	v63 =	vadd.s32 v23, v60;
	v42 =	vld.idx.msk [tilespmem:v56+s10+$0x0], $0xffff  }
0x16c: {  	v46 =	vadd.s32 v24, v60;
	v40 =	vld.idx.msk [tilespmem:v59+s10+$0x0], $0xffff  }
0x16d: {  	v52 =	vadd.s32 v29, v49;
	v62 =	vadd.s32 v22, v60;
	v39 =	vld.idx.msk [tilespmem:v39+s10+$0x0], $0xffff  }
0x16e: {  	v53 =	vadd.s32 v30, v49;
	v48 =	vor.u32 v43, v52;
	v38 =	vld.idx.msk [tilespmem:v57+s10+$0x0], $0xffff  }
0x16f: {  	v50 =	vor.u32 v43, v53;
	v54 =	vadd.s32 v31, v49;
	v37 =	vld.idx.msk [tilespmem:v61+s10+$0x0], $0xffff  }
0x170: {  	v49 =	vadd.s32 v32, v49;
	v51 =	vor.u32 v43, v54;
	v47 =	vld.idx.msk [tilespmem:v63+s10+$0x0], $0xffff  }
0x171: {  	v55 =	vadd.s32 v29, v45;
	v43 =	vor.u32 v43, v49;
	v46 =	vld.idx.msk [tilespmem:v46+s10+$0x0], $0xffff  }
0x172: {  	v49 =	vor.u32 v41, v55;
	v56 =	vadd.s32 v30, v45;
	v44 =	vld.idx.msk [tilespmem:v62+s10+$0x0], $0xffff  }
0x173: {  	v58 =	vadd.s32 v31, v45;
	v57 =	vor.u32 v41, v56;
	[tilespmem:v48+s0+$0x0] =	vst.idx.add.f32.msk vm1, v42  }
0x174: {  	v59 =	vor.u32 v41, v58;
	v45 =	vadd.s32 v32, v45;
	[tilespmem:v50+s0+$0x0] =	vst.idx.add.f32.msk vm2, v38  }
0x175: {  	v60 =	vor.u32 v41, v45;
	[tilespmem:v51+s0+$0x0] =	vst.idx.add.f32.msk vm3, v40  }
0x176: {  	v61 =	vadd.s32 $0x90, v33;
	v62 =	vadd.s32 v25, v36;
	[tilespmem:v43+s0+$0x0] =	vst.idx.add.f32.msk vm4, v39  }
0x177: {  	v63 =	vadd.s32 v26, v36;
	v48 =	vshll.u32 v61, $0x3;
	[tilespmem:v49+s0+$0x0] =	vst.idx.add.f32.msk vm1, v37  }
0x178: {  	v39 =	vand.u32 $0x7F, v61;
	v43 =	vand.u32 $0xFFFFFC00, v48;
	v49 =	vadd.s32 v27, v36;
	[tilespmem:v57+s0+$0x0] =	vst.idx.add.f32.msk vm2, v44  }
0x179: {  	v36 =	vadd.s32 v28, v36;
	v50 =	vor.u32 v39, v43;
	[tilespmem:v59+s0+$0x0] =	vst.idx.add.f32.msk vm3, v47  }
0x17a: {  	v51 =	vadd.s32 v21, v50;
	[tilespmem:v60+s0+$0x0] =	vst.idx.add.f32.msk vm4, v46  }
0x17b: {  	v52 =	vadd.s32 v22, v50;
	v41 =	vld.idx.msk [tilespmem:v62+s10+$0x0], $0xffff  }
0x17c: {  	v35 =	vadd.s32 $0x400, v35;
	v53 =	vadd.s32 v23, v50;
	v37 =	vld.idx.msk [tilespmem:v63+s10+$0x0], $0xffff  }
0x17d: {  	v54 =	vadd.s32 v29, v35;
	v38 =	vadd.s32 v24, v50;
	v42 =	vld.idx.msk [tilespmem:v49+s10+$0x0], $0xffff  }
0x17e: {  	v55 =	vadd.s32 v30, v35;
	v46 =	vor.u32 v34, v54;
	v36 =	vld.idx.msk [tilespmem:v36+s10+$0x0], $0xffff  }
0x17f: {  	v56 =	vadd.s32 v31, v35;
	v47 =	vor.u32 v34, v55;
	v40 =	vld.idx.msk [tilespmem:v51+s10+$0x0], $0xffff  }
0x180: {  	v35 =	vadd.s32 v32, v35;
	v48 =	vor.u32 v34, v56;
	v44 =	vld.idx.msk [tilespmem:v52+s10+$0x0], $0xffff  }
0x181: {  	v61 =	vadd.s32 $0xA0, v33;
	v57 =	vadd.s32 v29, v43;
	v34 =	vor.u32 v34, v35;
	v45 =	vld.idx.msk [tilespmem:v53+s10+$0x0], $0xffff  }
0x182: {  	v58 =	vor.u32 v39, v57;
	v59 =	vadd.s32 v30, v43;
	v60 =	vadd.s32 v31, v43;
	v38 =	vld.idx.msk [tilespmem:v38+s10+$0x0], $0xffff  }
0x183: {  	v62 =	vor.u32 v39, v59;
	v63 =	vor.u32 v39, v60;
	v52 =	vshll.u32 v61, $0x3;
	[tilespmem:v46+s0+$0x0] =	vst.idx.add.f32.msk vm1, v41  }
0x184: {  	v53 =	vadd.s32 v32, v43;
	v43 =	vand.u32 $0x7F, v61;
	[tilespmem:v47+s0+$0x0] =	vst.idx.add.f32.msk vm2, v37;
	v47 =	vand.u32 $0xFFFFFC00, v52  }
0x185: {  	v37 =	vor.u32 v39, v53;
	[tilespmem:v48+s0+$0x0] =	vst.idx.add.f32.msk vm3, v42;
	v54 =	vor.u32 v43, v47  }
0x186: {  	v55 =	vadd.s32 $0xB0, v33;
	[tilespmem:v34+s0+$0x0] =	vst.idx.add.f32.msk vm4, v36;
	v56 =	vadd.s32 v21, v54  }
0x187: {  	v57 =	vadd.s32 v22, v54;
	[tilespmem:v58+s0+$0x0] =	vst.idx.add.f32.msk vm1, v40;
	v58 =	vshll.u32 v55, $0x3  }
0x188: {  	v59 =	vadd.s32 v23, v54;
	v34 =	vand.u32 $0x7F, v55;
	[tilespmem:v62+s0+$0x0] =	vst.idx.add.f32.msk vm2, v44;
	v40 =	vand.u32 $0xFFFFFC00, v58  }
0x189: {  	v39 =	vadd.s32 v24, v54;
	[tilespmem:v63+s0+$0x0] =	vst.idx.add.f32.msk vm3, v45;
	v60 =	vor.u32 v34, v40  }
0x18a: {  	[tilespmem:v37+s0+$0x0] =	vst.idx.add.f32.msk vm4, v38;
	v61 =	vadd.s32 v21, v60  }
0x18b: {  	v62 =	vadd.s32 v22, v60;
	v36 =	vld.idx.msk [tilespmem:v56+s10+$0x0], $0xffff  }
0x18c: {  	v63 =	vadd.s32 v23, v60;
	v35 =	vld.idx.msk [tilespmem:v57+s10+$0x0], $0xffff  }
0x18d: {  	v51 =	vadd.s32 v29, v47;
	v42 =	vadd.s32 v24, v60;
	v41 =	vld.idx.msk [tilespmem:v59+s10+$0x0], $0xffff  }
0x18e: {  	v52 =	vadd.s32 v30, v47;
	v45 =	vor.u32 v43, v51;
	v39 =	vld.idx.msk [tilespmem:v39+s10+$0x0], $0xffff  }
0x18f: {  	v53 =	vadd.s32 v31, v47;
	v46 =	vor.u32 v43, v52;
	v37 =	vld.idx.msk [tilespmem:v61+s10+$0x0], $0xffff  }
0x190: {  	v47 =	vadd.s32 v32, v47;
	v48 =	vor.u32 v43, v53;
	v38 =	vld.idx.msk [tilespmem:v62+s10+$0x0], $0xffff  }
0x191: {  	v58 =	vadd.s32 $0xC0, v33;
	v54 =	vadd.s32 v29, v40;
	v43 =	vor.u32 v43, v47;
	v44 =	vld.idx.msk [tilespmem:v63+s10+$0x0], $0xffff  }
0x192: {  	v55 =	vor.u32 v34, v54;
	v56 =	vadd.s32 v30, v40;
	v57 =	vadd.s32 v31, v40;
	v42 =	vld.idx.msk [tilespmem:v42+s10+$0x0], $0xffff  }
0x193: {  	v59 =	vor.u32 v34, v56;
	v60 =	vor.u32 v34, v57;
	v61 =	vshll.u32 v58, $0x3;
	[tilespmem:v45+s0+$0x0] =	vst.idx.add.f32.msk vm1, v36  }
0x194: {  	v62 =	vadd.s32 v32, v40;
	v40 =	vand.u32 $0x7F, v58;
	v63 =	vand.u32 $0xFFFFFC00, v61;
	[tilespmem:v46+s0+$0x0] =	vst.idx.add.f32.msk vm2, v35  }
0x195: {  	v34 =	vor.u32 v34, v62;
	v50 =	vor.u32 v40, v63;
	[tilespmem:v48+s0+$0x0] =	vst.idx.add.f32.msk vm3, v41  }
0x196: {  	v51 =	vadd.s32 $0xD0, v33;
	v52 =	vadd.s32 v21, v50;
	[tilespmem:v43+s0+$0x0] =	vst.idx.add.f32.msk vm4, v39  }
0x197: {  	v54 =	vshll.u32 v51, $0x3;
	v53 =	vadd.s32 v22, v50;
	[tilespmem:v55+s0+$0x0] =	vst.idx.add.f32.msk vm1, v37  }
0x198: {  	v35 =	vadd.s32 v24, v50;
	v39 =	vand.u32 $0xFFFFFC00, v54;
	[tilespmem:v59+s0+$0x0] =	vst.idx.add.f32.msk vm2, v38;
	v38 =	vand.u32 $0x7F, v51  }
0x199: {  	v55 =	vadd.s32 v23, v50;
	[tilespmem:v60+s0+$0x0] =	vst.idx.add.f32.msk vm3, v44;
	v43 =	vor.u32 v38, v39  }
0x19a: {  	[tilespmem:v34+s0+$0x0] =	vst.idx.add.f32.msk vm4, v42;
	v56 =	vadd.s32 v21, v43  }
0x19b: {  	v57 =	vadd.s32 v22, v43;
	v41 =	vld.idx.msk [tilespmem:v52+s10+$0x0], $0xffff  }
0x19c: {  	v58 =	vadd.s32 v23, v43;
	v37 =	vld.idx.msk [tilespmem:v53+s10+$0x0], $0xffff  }
0x19d: {  	v59 =	vadd.s32 v29, v63;
	v43 =	vadd.s32 v24, v43;
	v35 =	vld.idx.msk [tilespmem:v35+s10+$0x0], $0xffff  }
0x19e: {  	v45 =	vor.u32 v40, v59;
	v60 =	vadd.s32 v30, v63;
	v36 =	vld.idx.msk [tilespmem:v55+s10+$0x0], $0xffff  }
0x19f: {  	v61 =	vadd.s32 v31, v63;
	v47 =	vor.u32 v40, v60;
	v34 =	vld.idx.msk [tilespmem:v56+s10+$0x0], $0xffff  }
0x1a0: {  	v46 =	vadd.s32 v32, v63;
	v48 =	vor.u32 v40, v61;
	v42 =	vld.idx.msk [tilespmem:v57+s10+$0x0], $0xffff  }
0x1a1: {  	v62 =	vadd.s32 v29, v39;
	v54 =	vadd.s32 v31, v39;
	v40 =	vor.u32 v40, v46;
	v44 =	vld.idx.msk [tilespmem:v58+s10+$0x0], $0xffff  }
0x1a2: {  	v63 =	vadd.s32 v30, v39;
	v46 =	vor.u32 v38, v62;
	v55 =	vadd.s32 $0xE0, v33;
	v43 =	vld.idx.msk [tilespmem:v43+s10+$0x0], $0xffff  }
0x1a3: {  	v59 =	vadd.s32 v32, v39;
	v56 =	vor.u32 v38, v63;
	v58 =	vshll.u32 v55, $0x3;
	[tilespmem:v45+s0+$0x0] =	vst.idx.add.f32.msk vm1, v41  }
0x1a4: {  	v60 =	vand.u32 $0x7F, v55;
	v57 =	vor.u32 v38, v54;
	v61 =	vand.u32 $0xFFFFFC00, v58;
	[tilespmem:v47+s0+$0x0] =	vst.idx.add.f32.msk vm2, v37  }
0x1a5: {  	v62 =	vor.u32 v38, v59;
	v63 =	vor.u32 v60, v61;
	[tilespmem:v48+s0+$0x0] =	vst.idx.add.f32.msk vm3, v36  }
0x1a6: {  	v33 =	vadd.s32 $0xF0, v33;
	v48 =	vadd.s32 v21, v63;
	[tilespmem:v40+s0+$0x0] =	vst.idx.add.f32.msk vm4, v35  }
0x1a7: {  	v50 =	vshll.u32 v33, $0x3;
	v49 =	vadd.s32 v22, v63;
	[tilespmem:v46+s0+$0x0] =	vst.idx.add.f32.msk vm1, v34  }
0x1a8: {  	v33 =	vand.u32 $0x7F, v33;
	v38 =	vand.u32 $0xFFFFFC00, v50;
	v51 =	vadd.s32 v23, v63;
	[tilespmem:v56+s0+$0x0] =	vst.idx.add.f32.msk vm2, v42  }
0x1a9: {  	v52 =	vor.u32 v33, v38;
	v37 =	vadd.s32 v24, v63;
	[tilespmem:v57+s0+$0x0] =	vst.idx.add.f32.msk vm3, v44  }
0x1aa: {  	v53 =	vadd.s32 v21, v52;
	[tilespmem:v62+s0+$0x0] =	vst.idx.add.f32.msk vm4, v43  }
0x1ab: {  	v54 =	vadd.s32 v22, v52;
	v35 =	vld.idx.msk [tilespmem:v48+s10+$0x0], $0xffff  }
0x1ac: {  	v55 =	vadd.s32 v23, v52;
	v34 =	vld.idx.msk [tilespmem:v49+s10+$0x0], $0xffff  }
0x1ad: {  	v41 =	vadd.s32 v24, v52;
	v56 =	vadd.s32 v29, v61;
	v40 =	vld.idx.msk [tilespmem:v51+s10+$0x0], $0xffff  }
0x1ae: {  	v44 =	vor.u32 v60, v56;
	v57 =	vadd.s32 v30, v61;
	v37 =	vld.idx.msk [tilespmem:v37+s10+$0x0], $0xffff  }
0x1af: {  	v58 =	vadd.s32 v31, v61;
	v45 =	vor.u32 v60, v57;
	v36 =	vld.idx.msk [tilespmem:v53+s10+$0x0], $0xffff  }
0x1b0: {  	v47 =	vadd.s32 v32, v61;
	v46 =	vor.u32 v60, v58;
	v42 =	vld.idx.msk [tilespmem:v54+s10+$0x0], $0xffff  }
0x1b1: {  	v59 =	vadd.s32 v29, v38;
	v39 =	vor.u32 v60, v47;
	v43 =	vld.idx.msk [tilespmem:v55+s10+$0x0], $0xffff  }
0x1b2: {  	v47 =	vor.u32 v33, v59;
	v60 =	vadd.s32 v30, v38;
	v41 =	vld.idx.msk [tilespmem:v41+s10+$0x0], $0xffff  }
0x1b3: {  	v62 =	vadd.s32 v31, v38;
	v61 =	vor.u32 v33, v60;
	[tilespmem:v44+s0+$0x0] =	vst.idx.add.f32.msk vm1, v35  }
0x1b4: {  	v38 =	vadd.s32 v32, v38;
	v63 =	vor.u32 v33, v62;
	[tilespmem:v45+s0+$0x0] =	vst.idx.add.f32.msk vm2, v34  }
0x1b5: {  	p0 =	sne.s32 s4, $0x1E00;
	v33 =	vor.u32 v33, v38;
	[tilespmem:v46+s0+$0x0] =	vst.idx.add.f32.msk vm3, v40  }
.Ltmp1:
0x1b6: {  	[tilespmem:v39+s0+$0x0] =	vst.idx.add.f32.msk vm4, v37;
	(pc) =	sbr.rel @p0 .LBB2_5-.Ltmp1, $4  }
0x1b7: {  	[tilespmem:v47+s0+$0x0] =	vst.idx.add.f32.msk vm1, v36  }
0x1b8: {  	[tilespmem:v61+s0+$0x0] =	vst.idx.add.f32.msk vm2, v42  }
0x1b9: {  	[tilespmem:v63+s0+$0x0] =	vst.idx.add.f32.msk vm3, v43  }
0x1ba: {  	s4 =	sadd.s32 $0x200, s4;
	[tilespmem:v33+s0+$0x0] =	vst.idx.add.f32.msk vm4, v41  }
0x1bb: {  	_ =	swait.ge [sflag:s5], $0x4000  }
0x1bc: {  	[sflag:s5] =	ssyncset.done $0x0  }
0x1bd: {  	[sflag:s5] =	ssyncadd.s32 $0xFFFFC000  }
0x1be: {  	v29 =	vld [tilespmem:$0x1D80];
	_ =	sdelay $0x4  }
0x1bf: {  	vm1 =	vlt.s32 v29, $0xA2;
	v30 =	vshll.u32 v29, $0x7  }
0x1c0: {  	v31 =	vor.u32 v1, v30;
	_ =	sdelay $0x4  }
0x1c1: {  	[tilespmem:v31+s2+$0x0] =	vst.idx.add.f32.msk vm1, v20  }
0x1c2: {  	v31 =	vld [tilespmem:$0x1D90];
	_ =	sdelay $0x4  }
0x1c3: {  	vm2 =	vlt.s32 v31, $0xA2;
	v32 =	vshll.u32 v31, $0x7  }
0x1c4: {  	v33 =	vor.u32 v1, v32;
	_ =	sdelay $0x4  }
0x1c5: {  	[tilespmem:v33+s2+$0x0] =	vst.idx.add.f32.msk vm2, v20  }
0x1c6: {  	v33 =	vld [tilespmem:$0x1DA0];
	_ =	sdelay $0x4  }
0x1c7: {  	vm3 =	vlt.s32 v33, $0xA2;
	v34 =	vshll.u32 v33, $0x7  }
0x1c8: {  	v35 =	vor.u32 v1, v34;
	_ =	sdelay $0x4  }
0x1c9: {  	[tilespmem:v35+s2+$0x0] =	vst.idx.add.f32.msk vm3, v20  }
0x1ca: {  	v35 =	vld [tilespmem:$0x1DB0];
	_ =	sdelay $0x4  }
0x1cb: {  	v29 =	vshll.u32 v29, $0x8;
	vm4 =	vlt.s32 v35, $0xA2;
	v36 =	vshll.u32 v35, $0x7  }
0x1cc: {  	v29 =	vand.u32 $0xFFFFF800, v29;
	v30 =	vand.u32 $0x380, v30;
	v37 =	vor.u32 v1, v36  }
0x1cd: {  	v29 =	vor.u32 v30, v29;
	v31 =	vshll.u32 v31, $0x8  }
0x1ce: {  	v30 =	vand.u32 $0xFFFFF800, v31;
	v32 =	vand.u32 $0x380, v32;
	v31 =	vshll.u32 v33, $0x8  }
0x1cf: {  	v30 =	vor.u32 v32, v30;
	v31 =	vand.u32 $0xFFFFF800, v31;
	v62 =	vshll.u32 v35, $0x8  }
0x1d0: {  	v34 =	vand.u32 $0x380, v34;
	v33 =	vand.u32 $0xFFFFF800, v62;
	v63 =	vand.u32 $0x380, v36  }
0x1d1: {  	s4 =	simm.s32 $0x0;
	v31 =	vor.u32 v34, v31;
	v32 =	vor.u32 v63, v33;
	[tilespmem:v37+s2+$0x0] =	vst.idx.add.f32.msk vm4, v20  }
.LBB2_7:
0x1d2: {  	s6 =	sshra.s32 s4, $0x2  }
0x1d3: {  	v33 =	vld [tilespmem:s6+$0x19A80];
	_ =	sdelay $0x4  }
0x1d4: {  	v35 =	vshll.u32 v33, $0x3  }
0x1d5: {  	v34 =	vand.u32 $0x7F, v33;
	v35 =	vand.u32 $0xFFFFFC00, v35  }
0x1d6: {  	v36 =	vor.u32 v34, v35  }
0x1d7: {  	v37 =	vadd.s32 $0x10, v33;
	v38 =	vadd.s32 v21, v36  }
0x1d8: {  	v40 =	vshll.u32 v37, $0x3;
	v39 =	vadd.s32 v22, v36  }
0x1d9: {  	v37 =	vand.u32 $0x7F, v37;
	v40 =	vand.u32 $0xFFFFFC00, v40;
	v41 =	vadd.s32 v23, v36  }
0x1da: {  	v42 =	vadd.s32 v24, v36;
	v43 =	vor.u32 v37, v40  }
0x1db: {  	v44 =	vadd.s32 v21, v43  }
0x1dc: {  	v45 =	vadd.s32 v22, v43;
	v38 =	vld.idx.msk [tilespmem:v38+s21+$0x0], $0xffff  }
0x1dd: {  	v46 =	vadd.s32 v23, v43;
	v39 =	vld.idx.msk [tilespmem:v39+s21+$0x0], $0xffff  }
0x1de: {  	v47 =	vadd.s32 v29, v35;
	v43 =	vadd.s32 v24, v43;
	v41 =	vld.idx.msk [tilespmem:v41+s21+$0x0], $0xffff  }
0x1df: {  	v48 =	vadd.s32 v30, v35;
	v47 =	vor.u32 v34, v47;
	v42 =	vld.idx.msk [tilespmem:v42+s21+$0x0], $0xffff  }
0x1e0: {  	v49 =	vadd.s32 v31, v35;
	v48 =	vor.u32 v34, v48;
	v44 =	vld.idx.msk [tilespmem:v44+s21+$0x0], $0xffff  }
0x1e1: {  	v50 =	vadd.s32 v32, v35;
	v49 =	vor.u32 v34, v49;
	v45 =	vld.idx.msk [tilespmem:v45+s21+$0x0], $0xffff  }
0x1e2: {  	v54 =	vadd.s32 $0x20, v33;
	v51 =	vadd.s32 v29, v40;
	v50 =	vor.u32 v34, v50;
	v46 =	vld.idx.msk [tilespmem:v46+s21+$0x0], $0xffff  }
0x1e3: {  	v52 =	vadd.s32 v30, v40;
	v53 =	vadd.s32 v31, v40;
	v51 =	vor.u32 v37, v51;
	v43 =	vld.idx.msk [tilespmem:v43+s21+$0x0], $0xffff  }
0x1e4: {  	v63 =	vshll.u32 v54, $0x3;
	v61 =	vor.u32 v37, v52;
	v62 =	vor.u32 v37, v53;
	[tilespmem:v47+s0+$0x0] =	vst.idx.add.f32.msk vm1, v38  }
0x1e5: {  	v53 =	vadd.s32 v32, v40;
	v40 =	vand.u32 $0x7F, v54;
	[tilespmem:v48+s0+$0x0] =	vst.idx.add.f32.msk vm2, v39;
	v48 =	vand.u32 $0xFFFFFC00, v63  }
0x1e6: {  	v37 =	vor.u32 v37, v53;
	[tilespmem:v49+s0+$0x0] =	vst.idx.add.f32.msk vm3, v41;
	v54 =	vor.u32 v40, v48  }
0x1e7: {  	v55 =	vadd.s32 $0x30, v33;
	[tilespmem:v50+s0+$0x0] =	vst.idx.add.f32.msk vm4, v42;
	v56 =	vadd.s32 v21, v54  }
0x1e8: {  	v58 =	vshll.u32 v55, $0x3;
	v57 =	vadd.s32 v22, v54;
	[tilespmem:v51+s0+$0x0] =	vst.idx.add.f32.msk vm1, v44  }
0x1e9: {  	v41 =	vand.u32 $0x7F, v55;
	v59 =	vadd.s32 v23, v54;
	[tilespmem:v61+s0+$0x0] =	vst.idx.add.f32.msk vm2, v45;
	v45 =	vand.u32 $0xFFFFFC00, v58  }
0x1ea: {  	v39 =	vadd.s32 v24, v54;
	[tilespmem:v62+s0+$0x0] =	vst.idx.add.f32.msk vm3, v46;
	v60 =	vor.u32 v41, v45  }
0x1eb: {  	[tilespmem:v37+s0+$0x0] =	vst.idx.add.f32.msk vm4, v43;
	v61 =	vadd.s32 v21, v60  }
0x1ec: {  	v62 =	vadd.s32 v22, v60;
	v42 =	vld.idx.msk [tilespmem:v56+s21+$0x0], $0xffff  }
0x1ed: {  	v63 =	vadd.s32 v23, v60;
	v44 =	vld.idx.msk [tilespmem:v57+s21+$0x0], $0xffff  }
0x1ee: {  	v54 =	vadd.s32 v29, v48;
	v46 =	vadd.s32 v24, v60;
	v38 =	vld.idx.msk [tilespmem:v59+s21+$0x0], $0xffff  }
0x1ef: {  	v55 =	vadd.s32 v30, v48;
	v49 =	vor.u32 v40, v54;
	v39 =	vld.idx.msk [tilespmem:v39+s21+$0x0], $0xffff  }
0x1f0: {  	v50 =	vor.u32 v40, v55;
	v56 =	vadd.s32 v31, v48;
	v37 =	vld.idx.msk [tilespmem:v61+s21+$0x0], $0xffff  }
0x1f1: {  	v48 =	vadd.s32 v32, v48;
	v51 =	vor.u32 v40, v56;
	v43 =	vld.idx.msk [tilespmem:v62+s21+$0x0], $0xffff  }
0x1f2: {  	v58 =	vadd.s32 v30, v45;
	v57 =	vadd.s32 v29, v45;
	v40 =	vor.u32 v40, v48;
	v47 =	vld.idx.msk [tilespmem:v63+s21+$0x0], $0xffff  }
0x1f3: {  	v53 =	vadd.s32 v32, v45;
	v60 =	vadd.s32 $0x40, v33;
	v48 =	vor.u32 v41, v57;
	v46 =	vld.idx.msk [tilespmem:v46+s21+$0x0], $0xffff  }
0x1f4: {  	v59 =	vadd.s32 v31, v45;
	v61 =	vor.u32 v41, v58;
	v63 =	vshll.u32 v60, $0x3;
	[tilespmem:v49+s0+$0x0] =	vst.idx.add.f32.msk vm1, v42  }
0x1f5: {  	v45 =	vand.u32 $0x7F, v60;
	v62 =	vor.u32 v41, v59;
	[tilespmem:v50+s0+$0x0] =	vst.idx.add.f32.msk vm2, v44;
	v50 =	vand.u32 $0xFFFFFC00, v63  }
0x1f6: {  	v54 =	vor.u32 v41, v53;
	[tilespmem:v51+s0+$0x0] =	vst.idx.add.f32.msk vm3, v38;
	v55 =	vor.u32 v45, v50  }
0x1f7: {  	v56 =	vadd.s32 $0x50, v33;
	[tilespmem:v40+s0+$0x0] =	vst.idx.add.f32.msk vm4, v39;
	v57 =	vadd.s32 v21, v55  }
0x1f8: {  	v59 =	vshll.u32 v56, $0x3;
	v58 =	vadd.s32 v22, v55;
	[tilespmem:v48+s0+$0x0] =	vst.idx.add.f32.msk vm1, v37  }
0x1f9: {  	v60 =	vadd.s32 v23, v55;
	v39 =	vand.u32 $0x7F, v56;
	[tilespmem:v61+s0+$0x0] =	vst.idx.add.f32.msk vm2, v43;
	v43 =	vand.u32 $0xFFFFFC00, v59  }
0x1fa: {  	v41 =	vadd.s32 v24, v55;
	[tilespmem:v62+s0+$0x0] =	vst.idx.add.f32.msk vm3, v47;
	v44 =	vor.u32 v39, v43  }
0x1fb: {  	[tilespmem:v54+s0+$0x0] =	vst.idx.add.f32.msk vm4, v46;
	v61 =	vadd.s32 v21, v44  }
0x1fc: {  	v62 =	vadd.s32 v22, v44;
	v40 =	vld.idx.msk [tilespmem:v57+s21+$0x0], $0xffff  }
0x1fd: {  	v63 =	vadd.s32 v23, v44;
	v37 =	vld.idx.msk [tilespmem:v58+s21+$0x0], $0xffff  }
0x1fe: {  	v53 =	vadd.s32 v29, v50;
	v44 =	vadd.s32 v24, v44;
	v42 =	vld.idx.msk [tilespmem:v60+s21+$0x0], $0xffff  }
0x1ff: {  	v48 =	vor.u32 v45, v53;
	v54 =	vadd.s32 v30, v50;
	v41 =	vld.idx.msk [tilespmem:v41+s21+$0x0], $0xffff  }
0x200: {  	v55 =	vadd.s32 v31, v50;
	v49 =	vor.u32 v45, v54;
	v38 =	vld.idx.msk [tilespmem:v61+s21+$0x0], $0xffff  }
0x201: {  	v51 =	vor.u32 v45, v55;
	v50 =	vadd.s32 v32, v50;
	v46 =	vld.idx.msk [tilespmem:v62+s21+$0x0], $0xffff  }
0x202: {  	v56 =	vadd.s32 v29, v43;
	v59 =	vadd.s32 v31, v43;
	v45 =	vor.u32 v45, v50;
	v47 =	vld.idx.msk [tilespmem:v63+s21+$0x0], $0xffff  }
0x203: {  	v57 =	vor.u32 v39, v56;
	v58 =	vadd.s32 v30, v43;
	v60 =	vadd.s32 $0x60, v33;
	v44 =	vld.idx.msk [tilespmem:v44+s21+$0x0], $0xffff  }
0x204: {  	v53 =	vadd.s32 v32, v43;
	v61 =	vor.u32 v39, v58;
	v63 =	vshll.u32 v60, $0x3;
	[tilespmem:v48+s0+$0x0] =	vst.idx.add.f32.msk vm1, v40  }
0x205: {  	v43 =	vand.u32 $0x7F, v60;
	v62 =	vor.u32 v39, v59;
	[tilespmem:v49+s0+$0x0] =	vst.idx.add.f32.msk vm2, v37;
	v49 =	vand.u32 $0xFFFFFC00, v63  }
0x206: {  	v37 =	vor.u32 v39, v53;
	[tilespmem:v51+s0+$0x0] =	vst.idx.add.f32.msk vm3, v42;
	v54 =	vor.u32 v43, v49  }
0x207: {  	v55 =	vadd.s32 $0x70, v33;
	[tilespmem:v45+s0+$0x0] =	vst.idx.add.f32.msk vm4, v41;
	v56 =	vadd.s32 v21, v54  }
0x208: {  	v58 =	vshll.u32 v55, $0x3;
	v59 =	vadd.s32 v23, v54;
	[tilespmem:v57+s0+$0x0] =	vst.idx.add.f32.msk vm1, v38  }
0x209: {  	v41 =	vand.u32 $0x7F, v55;
	v45 =	vand.u32 $0xFFFFFC00, v58;
	v39 =	vadd.s32 v24, v54;
	[tilespmem:v61+s0+$0x0] =	vst.idx.add.f32.msk vm2, v46  }
0x20a: {  	v57 =	vadd.s32 v22, v54;
	v60 =	vor.u32 v41, v45;
	[tilespmem:v62+s0+$0x0] =	vst.idx.add.f32.msk vm3, v47  }
0x20b: {  	v61 =	vadd.s32 v21, v60;
	[tilespmem:v37+s0+$0x0] =	vst.idx.add.f32.msk vm4, v44  }
0x20c: {  	v63 =	vadd.s32 v23, v60;
	v42 =	vld.idx.msk [tilespmem:v56+s21+$0x0], $0xffff  }
0x20d: {  	v46 =	vadd.s32 v24, v60;
	v40 =	vld.idx.msk [tilespmem:v59+s21+$0x0], $0xffff  }
0x20e: {  	v52 =	vadd.s32 v29, v49;
	v62 =	vadd.s32 v22, v60;
	v39 =	vld.idx.msk [tilespmem:v39+s21+$0x0], $0xffff  }
0x20f: {  	v53 =	vadd.s32 v30, v49;
	v48 =	vor.u32 v43, v52;
	v38 =	vld.idx.msk [tilespmem:v57+s21+$0x0], $0xffff  }
0x210: {  	v50 =	vor.u32 v43, v53;
	v54 =	vadd.s32 v31, v49;
	v37 =	vld.idx.msk [tilespmem:v61+s21+$0x0], $0xffff  }
0x211: {  	v49 =	vadd.s32 v32, v49;
	v51 =	vor.u32 v43, v54;
	v47 =	vld.idx.msk [tilespmem:v63+s21+$0x0], $0xffff  }
0x212: {  	v55 =	vadd.s32 v29, v45;
	v43 =	vor.u32 v43, v49;
	v46 =	vld.idx.msk [tilespmem:v46+s21+$0x0], $0xffff  }
0x213: {  	v49 =	vor.u32 v41, v55;
	v56 =	vadd.s32 v30, v45;
	v44 =	vld.idx.msk [tilespmem:v62+s21+$0x0], $0xffff  }
0x214: {  	v58 =	vadd.s32 v31, v45;
	v57 =	vor.u32 v41, v56;
	[tilespmem:v48+s0+$0x0] =	vst.idx.add.f32.msk vm1, v42  }
0x215: {  	v59 =	vor.u32 v41, v58;
	v45 =	vadd.s32 v32, v45;
	[tilespmem:v50+s0+$0x0] =	vst.idx.add.f32.msk vm2, v38  }
0x216: {  	v60 =	vor.u32 v41, v45;
	[tilespmem:v51+s0+$0x0] =	vst.idx.add.f32.msk vm3, v40  }
0x217: {  	v61 =	vadd.s32 $0x90, v33;
	v62 =	vadd.s32 v25, v36;
	[tilespmem:v43+s0+$0x0] =	vst.idx.add.f32.msk vm4, v39  }
0x218: {  	v63 =	vadd.s32 v26, v36;
	v48 =	vshll.u32 v61, $0x3;
	[tilespmem:v49+s0+$0x0] =	vst.idx.add.f32.msk vm1, v37  }
0x219: {  	v39 =	vand.u32 $0x7F, v61;
	v43 =	vand.u32 $0xFFFFFC00, v48;
	v49 =	vadd.s32 v27, v36;
	[tilespmem:v57+s0+$0x0] =	vst.idx.add.f32.msk vm2, v44  }
0x21a: {  	v36 =	vadd.s32 v28, v36;
	v50 =	vor.u32 v39, v43;
	[tilespmem:v59+s0+$0x0] =	vst.idx.add.f32.msk vm3, v47  }
0x21b: {  	v51 =	vadd.s32 v21, v50;
	[tilespmem:v60+s0+$0x0] =	vst.idx.add.f32.msk vm4, v46  }
0x21c: {  	v52 =	vadd.s32 v22, v50;
	v41 =	vld.idx.msk [tilespmem:v62+s21+$0x0], $0xffff  }
0x21d: {  	v35 =	vadd.s32 $0x400, v35;
	v53 =	vadd.s32 v23, v50;
	v37 =	vld.idx.msk [tilespmem:v63+s21+$0x0], $0xffff  }
0x21e: {  	v54 =	vadd.s32 v29, v35;
	v38 =	vadd.s32 v24, v50;
	v42 =	vld.idx.msk [tilespmem:v49+s21+$0x0], $0xffff  }
0x21f: {  	v55 =	vadd.s32 v30, v35;
	v46 =	vor.u32 v34, v54;
	v36 =	vld.idx.msk [tilespmem:v36+s21+$0x0], $0xffff  }
0x220: {  	v56 =	vadd.s32 v31, v35;
	v47 =	vor.u32 v34, v55;
	v40 =	vld.idx.msk [tilespmem:v51+s21+$0x0], $0xffff  }
0x221: {  	v35 =	vadd.s32 v32, v35;
	v48 =	vor.u32 v34, v56;
	v44 =	vld.idx.msk [tilespmem:v52+s21+$0x0], $0xffff  }
0x222: {  	v61 =	vadd.s32 $0xA0, v33;
	v57 =	vadd.s32 v29, v43;
	v34 =	vor.u32 v34, v35;
	v45 =	vld.idx.msk [tilespmem:v53+s21+$0x0], $0xffff  }
0x223: {  	v58 =	vor.u32 v39, v57;
	v59 =	vadd.s32 v30, v43;
	v60 =	vadd.s32 v31, v43;
	v38 =	vld.idx.msk [tilespmem:v38+s21+$0x0], $0xffff  }
0x224: {  	v62 =	vor.u32 v39, v59;
	v63 =	vor.u32 v39, v60;
	v52 =	vshll.u32 v61, $0x3;
	[tilespmem:v46+s0+$0x0] =	vst.idx.add.f32.msk vm1, v41  }
0x225: {  	v53 =	vadd.s32 v32, v43;
	v43 =	vand.u32 $0x7F, v61;
	[tilespmem:v47+s0+$0x0] =	vst.idx.add.f32.msk vm2, v37;
	v47 =	vand.u32 $0xFFFFFC00, v52  }
0x226: {  	v37 =	vor.u32 v39, v53;
	[tilespmem:v48+s0+$0x0] =	vst.idx.add.f32.msk vm3, v42;
	v54 =	vor.u32 v43, v47  }
0x227: {  	v55 =	vadd.s32 $0xB0, v33;
	[tilespmem:v34+s0+$0x0] =	vst.idx.add.f32.msk vm4, v36;
	v56 =	vadd.s32 v21, v54  }
0x228: {  	v57 =	vadd.s32 v22, v54;
	[tilespmem:v58+s0+$0x0] =	vst.idx.add.f32.msk vm1, v40;
	v58 =	vshll.u32 v55, $0x3  }
0x229: {  	v59 =	vadd.s32 v23, v54;
	v34 =	vand.u32 $0x7F, v55;
	[tilespmem:v62+s0+$0x0] =	vst.idx.add.f32.msk vm2, v44;
	v40 =	vand.u32 $0xFFFFFC00, v58  }
0x22a: {  	v39 =	vadd.s32 v24, v54;
	[tilespmem:v63+s0+$0x0] =	vst.idx.add.f32.msk vm3, v45;
	v60 =	vor.u32 v34, v40  }
0x22b: {  	[tilespmem:v37+s0+$0x0] =	vst.idx.add.f32.msk vm4, v38;
	v61 =	vadd.s32 v21, v60  }
0x22c: {  	v62 =	vadd.s32 v22, v60;
	v36 =	vld.idx.msk [tilespmem:v56+s21+$0x0], $0xffff  }
0x22d: {  	v63 =	vadd.s32 v23, v60;
	v35 =	vld.idx.msk [tilespmem:v57+s21+$0x0], $0xffff  }
0x22e: {  	v51 =	vadd.s32 v29, v47;
	v42 =	vadd.s32 v24, v60;
	v41 =	vld.idx.msk [tilespmem:v59+s21+$0x0], $0xffff  }
0x22f: {  	v52 =	vadd.s32 v30, v47;
	v45 =	vor.u32 v43, v51;
	v39 =	vld.idx.msk [tilespmem:v39+s21+$0x0], $0xffff  }
0x230: {  	v53 =	vadd.s32 v31, v47;
	v46 =	vor.u32 v43, v52;
	v37 =	vld.idx.msk [tilespmem:v61+s21+$0x0], $0xffff  }
0x231: {  	v47 =	vadd.s32 v32, v47;
	v48 =	vor.u32 v43, v53;
	v38 =	vld.idx.msk [tilespmem:v62+s21+$0x0], $0xffff  }
0x232: {  	v58 =	vadd.s32 $0xC0, v33;
	v54 =	vadd.s32 v29, v40;
	v43 =	vor.u32 v43, v47;
	v44 =	vld.idx.msk [tilespmem:v63+s21+$0x0], $0xffff  }
0x233: {  	v55 =	vor.u32 v34, v54;
	v56 =	vadd.s32 v30, v40;
	v57 =	vadd.s32 v31, v40;
	v42 =	vld.idx.msk [tilespmem:v42+s21+$0x0], $0xffff  }
0x234: {  	v59 =	vor.u32 v34, v56;
	v60 =	vor.u32 v34, v57;
	v61 =	vshll.u32 v58, $0x3;
	[tilespmem:v45+s0+$0x0] =	vst.idx.add.f32.msk vm1, v36  }
0x235: {  	v62 =	vadd.s32 v32, v40;
	v40 =	vand.u32 $0x7F, v58;
	v63 =	vand.u32 $0xFFFFFC00, v61;
	[tilespmem:v46+s0+$0x0] =	vst.idx.add.f32.msk vm2, v35  }
0x236: {  	v34 =	vor.u32 v34, v62;
	v50 =	vor.u32 v40, v63;
	[tilespmem:v48+s0+$0x0] =	vst.idx.add.f32.msk vm3, v41  }
0x237: {  	v51 =	vadd.s32 $0xD0, v33;
	v52 =	vadd.s32 v21, v50;
	[tilespmem:v43+s0+$0x0] =	vst.idx.add.f32.msk vm4, v39  }
0x238: {  	v54 =	vshll.u32 v51, $0x3;
	v53 =	vadd.s32 v22, v50;
	[tilespmem:v55+s0+$0x0] =	vst.idx.add.f32.msk vm1, v37  }
0x239: {  	v35 =	vadd.s32 v24, v50;
	v39 =	vand.u32 $0xFFFFFC00, v54;
	[tilespmem:v59+s0+$0x0] =	vst.idx.add.f32.msk vm2, v38;
	v38 =	vand.u32 $0x7F, v51  }
0x23a: {  	v55 =	vadd.s32 v23, v50;
	[tilespmem:v60+s0+$0x0] =	vst.idx.add.f32.msk vm3, v44;
	v43 =	vor.u32 v38, v39  }
0x23b: {  	[tilespmem:v34+s0+$0x0] =	vst.idx.add.f32.msk vm4, v42;
	v56 =	vadd.s32 v21, v43  }
0x23c: {  	v57 =	vadd.s32 v22, v43;
	v41 =	vld.idx.msk [tilespmem:v52+s21+$0x0], $0xffff  }
0x23d: {  	v58 =	vadd.s32 v23, v43;
	v37 =	vld.idx.msk [tilespmem:v53+s21+$0x0], $0xffff  }
0x23e: {  	v59 =	vadd.s32 v29, v63;
	v43 =	vadd.s32 v24, v43;
	v35 =	vld.idx.msk [tilespmem:v35+s21+$0x0], $0xffff  }
0x23f: {  	v45 =	vor.u32 v40, v59;
	v60 =	vadd.s32 v30, v63;
	v36 =	vld.idx.msk [tilespmem:v55+s21+$0x0], $0xffff  }
0x240: {  	v61 =	vadd.s32 v31, v63;
	v47 =	vor.u32 v40, v60;
	v34 =	vld.idx.msk [tilespmem:v56+s21+$0x0], $0xffff  }
0x241: {  	v46 =	vadd.s32 v32, v63;
	v48 =	vor.u32 v40, v61;
	v42 =	vld.idx.msk [tilespmem:v57+s21+$0x0], $0xffff  }
0x242: {  	v62 =	vadd.s32 v29, v39;
	v54 =	vadd.s32 v31, v39;
	v40 =	vor.u32 v40, v46;
	v44 =	vld.idx.msk [tilespmem:v58+s21+$0x0], $0xffff  }
0x243: {  	v63 =	vadd.s32 v30, v39;
	v46 =	vor.u32 v38, v62;
	v55 =	vadd.s32 $0xE0, v33;
	v43 =	vld.idx.msk [tilespmem:v43+s21+$0x0], $0xffff  }
0x244: {  	v59 =	vadd.s32 v32, v39;
	v56 =	vor.u32 v38, v63;
	v58 =	vshll.u32 v55, $0x3;
	[tilespmem:v45+s0+$0x0] =	vst.idx.add.f32.msk vm1, v41  }
0x245: {  	v60 =	vand.u32 $0x7F, v55;
	v57 =	vor.u32 v38, v54;
	v61 =	vand.u32 $0xFFFFFC00, v58;
	[tilespmem:v47+s0+$0x0] =	vst.idx.add.f32.msk vm2, v37  }
0x246: {  	v62 =	vor.u32 v38, v59;
	v63 =	vor.u32 v60, v61;
	[tilespmem:v48+s0+$0x0] =	vst.idx.add.f32.msk vm3, v36  }
0x247: {  	v33 =	vadd.s32 $0xF0, v33;
	v48 =	vadd.s32 v21, v63;
	[tilespmem:v40+s0+$0x0] =	vst.idx.add.f32.msk vm4, v35  }
0x248: {  	v50 =	vshll.u32 v33, $0x3;
	v49 =	vadd.s32 v22, v63;
	[tilespmem:v46+s0+$0x0] =	vst.idx.add.f32.msk vm1, v34  }
0x249: {  	v33 =	vand.u32 $0x7F, v33;
	v38 =	vand.u32 $0xFFFFFC00, v50;
	v51 =	vadd.s32 v23, v63;
	[tilespmem:v56+s0+$0x0] =	vst.idx.add.f32.msk vm2, v42  }
0x24a: {  	v52 =	vor.u32 v33, v38;
	v37 =	vadd.s32 v24, v63;
	[tilespmem:v57+s0+$0x0] =	vst.idx.add.f32.msk vm3, v44  }
0x24b: {  	v53 =	vadd.s32 v21, v52;
	[tilespmem:v62+s0+$0x0] =	vst.idx.add.f32.msk vm4, v43  }
0x24c: {  	v54 =	vadd.s32 v22, v52;
	v35 =	vld.idx.msk [tilespmem:v48+s21+$0x0], $0xffff  }
0x24d: {  	v55 =	vadd.s32 v23, v52;
	v34 =	vld.idx.msk [tilespmem:v49+s21+$0x0], $0xffff  }
0x24e: {  	v41 =	vadd.s32 v24, v52;
	v56 =	vadd.s32 v29, v61;
	v40 =	vld.idx.msk [tilespmem:v51+s21+$0x0], $0xffff  }
0x24f: {  	v44 =	vor.u32 v60, v56;
	v57 =	vadd.s32 v30, v61;
	v37 =	vld.idx.msk [tilespmem:v37+s21+$0x0], $0xffff  }
0x250: {  	v58 =	vadd.s32 v31, v61;
	v45 =	vor.u32 v60, v57;
	v36 =	vld.idx.msk [tilespmem:v53+s21+$0x0], $0xffff  }
0x251: {  	v47 =	vadd.s32 v32, v61;
	v46 =	vor.u32 v60, v58;
	v42 =	vld.idx.msk [tilespmem:v54+s21+$0x0], $0xffff  }
0x252: {  	v59 =	vadd.s32 v29, v38;
	v39 =	vor.u32 v60, v47;
	v43 =	vld.idx.msk [tilespmem:v55+s21+$0x0], $0xffff  }
0x253: {  	v47 =	vor.u32 v33, v59;
	v60 =	vadd.s32 v30, v38;
	v41 =	vld.idx.msk [tilespmem:v41+s21+$0x0], $0xffff  }
0x254: {  	v62 =	vadd.s32 v31, v38;
	v61 =	vor.u32 v33, v60;
	[tilespmem:v44+s0+$0x0] =	vst.idx.add.f32.msk vm1, v35  }
0x255: {  	v38 =	vadd.s32 v32, v38;
	v63 =	vor.u32 v33, v62;
	[tilespmem:v45+s0+$0x0] =	vst.idx.add.f32.msk vm2, v34  }
0x256: {  	p0 =	sne.s32 s4, $0x1E00;
	v33 =	vor.u32 v33, v38;
	[tilespmem:v46+s0+$0x0] =	vst.idx.add.f32.msk vm3, v40  }
.Ltmp2:
0x257: {  	[tilespmem:v39+s0+$0x0] =	vst.idx.add.f32.msk vm4, v37;
	(pc) =	sbr.rel @p0 .LBB2_7-.Ltmp2, $4  }
0x258: {  	[tilespmem:v47+s0+$0x0] =	vst.idx.add.f32.msk vm1, v36  }
0x259: {  	[tilespmem:v61+s0+$0x0] =	vst.idx.add.f32.msk vm2, v42  }
0x25a: {  	[tilespmem:v63+s0+$0x0] =	vst.idx.add.f32.msk vm3, v43  }
0x25b: {  	s4 =	sadd.s32 $0x200, s4;
	[tilespmem:v33+s0+$0x0] =	vst.idx.add.f32.msk vm4, v41  }
0x25c: {  	s8 =	sadd.s32 $0x1, s8  }
0x25d: {  	p0 =	sne.s32 s8, $0x19  }
.Ltmp3:
0x25e: {  	_ = 	snop;
	(pc) =	sbr.rel @p0 .LBB2_4-.Ltmp3, $1  }
0x25f: {  	_ =	sdelay $0x3  }
0x260: {  	s8 =	simm.s32 $0x0;
	s4 =	rddreg [dreg:$0x5]  }
0x261: {  	[hbm4b:s4+s8] =	stream.linear.scatter [tilespmem:s0], [sflag:$0x3], $0xA800, $0x38;
	[tilespmem:$0x1A280] =	vst v63  }
0x262: {  	_ =	swait.ge [sflag:s9], $0xA800  }
0x263: {  	[sflag:s9] =	ssyncset.done $0x0  }
0x264: {  	s11 =	rddreg [dreg:$0x6];
	[sflag:s9] =	ssyncadd.s32 $0xFFFF5800  }
0x265: {  	[hbm4b:s11+s8] =	stream.linear.scatter [tilespmem:s2], [sflag:$0x3], $0x5400, $0x38;
	[tilespmem:$0x1A280] =	vst v63  }
0x266: {  	_ =	swait.ge [sflag:s9], $0x5400  }
0x267: {  	s6 =	rddreg [dreg:$0x8]  }
0x268: {  	s12 =	rddreg [dreg:$0x7];
	s6 =	sadd.s32 $0x1, s6  }
0x269: {  	p0 =	sne.s32 s6, s12  }
.Ltmp4:
0x26a: {  	_ = 	snop;
	(pc) =	sbr.rel @p0 .LBB2_1-.Ltmp4, $3  }
0x26b: {  	_ =	sdelay $0x1  }
0x26c: {  	[sflag:s9] =	ssyncset.done $0x0  }
0x26d: {  	[sflag:s9] =	ssyncadd.s32 $0xFFFFAC00  }
0x26e: {  	_ =	sfence.sel $0x180000  }
0x26f: {  	[bflag:$0x0] =	sbarrier.arrive $0xFFFF  }
0x270: {  	_ =	strace $0x90000047  }
0x271: {  	s0 =	stileid.u32;
	[bflag:$0x2] =	sbarrier.arrive $0xFFFF  }
0x272: {  	p0 =	sne.s32 s0, $0x0;
	s0 =	rddreg [dreg:$0x3]  }
0x273: {  	s0 =	sadd.s32 @!p0 $0x100000, s0  }
0x274: {  	[sflag:s0] =	ssyncadd.tile.s32 @!p0 $0x1;
	_ =	shalt  }
.Lfunc_end2:
_tile_overlayer_lowered:
.L_overlay_start_2:
0x275: {  	(tag) =	ssettag $0x2  }
0x276: {  	s0 =	rddreg [dreg:$0x0];
	s2 =	stileid.u32  }
0x277: {  	s1 =	rddreg [dreg:$0x1];
	p0 =	sne.s32 s2, $0x0  }
0x278: {  	s3 =	rddreg [dreg:$0x2];
	[bflag:$0x3] =	sbarrier.arrive $0xFFFF;
	s2 =	simm.s32 @!p0 $0x1C03  }
0x279: {  	[timem:s3], [sflag:s2] =	dma.local @!p0 [hbm:s0], s1  }
0x27a: {  	s0 =	simm.s32 @!p0 $0x3  }
0x27b: {  	_ =	swait.ge @!p0 [sflag:s0], s1  }
0x27c: {  	s1 =	ssub.s32 @!p0 $0x0, s1;
	[sflag:s0] =	ssyncset.done @!p0 $0x0  }
0x27d: {  	[sflag:s0] =	ssyncadd.s32 @!p0 s1  }
0x27e: {  	[bflag:$0x3] =	sbarrier.arrive $0xFFFF  }
0x27f: {  	_ =	shalt  }

</sc_bundles>
